<compile_context>
chip_gen: v7x
topology: tpu7x:2x2x1
jax: 0.10.2.dev20260603
libtpu: 0.0.44.dev20260713+nightly
codegen_flags: <defaults>
</compile_context>

<pallas_src>
import jax
import jax.numpy as jnp
from jax import lax
from jax.experimental import pallas as pl
from jax.experimental.pallas import tpu as pltpu
from jax.experimental.pallas import tpu_sc as plsc

B, C, H, W = 8, 19, 512, 512
SC_B = 4
NW = 32
CW = 256
ROWS = 8
HB_PER_BATCH = (H // ROWS) * (W // CW)
NCHUNK = SC_B * HB_PER_BATCH // NW
LANES = 16


def _take16(vec, idx):
    dnums = lax.GatherDimensionNumbers(
        offset_dims=(), collapsed_slice_dims=(0,), start_index_map=(0,))
    return lax.gather(vec, idx[:, None], dnums, slice_sizes=(1,),
                      mode=lax.GatherScatterMode.PROMISE_IN_BOUNDS)


def _sc_body(x_hbm, tab_hbm, out_hbm, in_v, out_v, tab_v, sem0, sem1):
    cid = lax.axis_index("c")
    sid = lax.axis_index("s")
    wid = sid * 2 + cid
    sems = (sem0, sem1)

    def coords(k):
        hb = wid * NCHUNK + k
        b = hb // HB_PER_BATCH
        rem = hb % HB_PER_BATCH
        return b, (rem // 2) * ROWS, (rem % 2) * CW

    def in_copy(k, slot):
        b, r0, w0 = coords(k)
        return pltpu.make_async_copy(
            x_hbm.at[b, :, pl.ds(r0, ROWS), pl.ds(w0, CW)],
            in_v.at[slot], sems[slot])


    in_copy(0, 0).start()

    pltpu.sync_copy(tab_hbm, tab_v)
    mean_a = tab_v[0, pl.ds(0, LANES)]
    mean_b = tab_v[1, pl.ds(0, LANES)]
    inv_a = tab_v[2, pl.ds(0, LANES)]
    inv_b = tab_v[3, pl.ds(0, LANES)]

    def pair_body(g, _):
        for slot in (0, 1):
            k = g * 2 + slot
            in_copy(k, slot).wait()

            @pl.when(k + 1 < NCHUNK)
            def _():
                in_copy(k + 1, 1 - slot).start()

            @plsc.parallel_loop(0, ROWS * CW // LANES, unroll=4)
            def vec_body(i):
                r = i >> 4
                w = (i & 15) * LANES

                def mk_idx(c):
                    return jnp.full((LANES,), c, jnp.int32)

                nodes = [(in_v[slot, c, r, pl.ds(w, LANES)], c)
                         for c in range(C)]
                while len(nodes) > 1:
                    nxt = []
                    for j in range(0, len(nodes) - 1, 2):
                        va, ia = nodes[j]
                        vb, ib = nodes[j + 1]
                        ia = mk_idx(ia) if isinstance(ia, int) else ia
                        ib = mk_idx(ib) if isinstance(ib, int) else ib
                        m = vb > va
                        nxt.append((jnp.maximum(va, vb), jnp.where(m, ib, ia)))
                    if len(nodes) % 2:
                        nxt.append(nodes[-1])
                    nodes = nxt
                best, idx = nodes[0]
                lo = idx < 16
                m15 = idx & 15
                mean = jnp.where(lo, _take16(mean_a, m15), _take16(mean_b, m15))
                inv = jnp.where(lo, _take16(inv_a, m15), _take16(inv_b, m15))
                out_v[r, pl.ds(w, LANES)] = (best - mean) * inv

            b, r0, w0 = coords(k)
            pltpu.sync_copy(
                out_v, out_hbm.at[b, pl.ds(r0, ROWS), pl.ds(w0, CW)])
        return 0

    lax.fori_loop(0, NCHUNK // 2, pair_body, 0)


def _tc_body(means_ref, inv_ref, x_ref, o_ref):
    nodes = [(x_ref[0, c], means_ref[c], inv_ref[c]) for c in range(C)]
    while len(nodes) > 1:
        nxt = []
        for j in range(0, len(nodes) - 1, 2):
            va, ma, ia = nodes[j]
            vb, mb, ib = nodes[j + 1]
            m = vb > va
            nxt.append((jnp.maximum(va, vb), jnp.where(m, mb, ma),
                        jnp.where(m, ib, ia)))
        if len(nodes) % 2:
            nxt.append(nodes[-1])
        nodes = nxt
    best, mean, inv = nodes[0]
    o_ref[0] = (best - mean) * inv


@jax.jit
def kernel(x, means, std):
    inv = 1.0 / std
    tab = jnp.zeros((8, 128), jnp.float32)
    tab = tab.at[0, :16].set(means[:16])
    tab = tab.at[1, :3].set(means[16:])
    tab = tab.at[2, :16].set(inv[:16])
    tab = tab.at[3, :3].set(inv[16:])

    mesh = plsc.VectorSubcoreMesh(core_axis_name="c", subcore_axis_name="s")
    sc_run = pl.kernel(
        _sc_body,
        out_type=jax.ShapeDtypeStruct((SC_B, H, W), jnp.float32),
        mesh=mesh,
        compiler_params=pltpu.CompilerParams(use_tc_tiling_on_sc=True),
        scratch_types=[
            pltpu.VMEM((2, C, ROWS, CW), jnp.float32),
            pltpu.VMEM((ROWS, CW), jnp.float32),
            pltpu.VMEM((8, 128), jnp.float32),
            pltpu.SemaphoreType.DMA,
            pltpu.SemaphoreType.DMA,
        ],
    )
    sc_out = sc_run(x, tab)

    tc_run = pl.pallas_call(
        _tc_body,
        grid=(B - SC_B, H // 64),
        in_specs=[
            pl.BlockSpec(memory_space=pltpu.SMEM),
            pl.BlockSpec(memory_space=pltpu.SMEM),
            pl.BlockSpec((1, C, 64, W), lambda i, j: (i + SC_B, 0, j, 0)),
        ],
        out_specs=pl.BlockSpec((1, 64, W), lambda i, j: (i + SC_B, j, 0)),
        out_shape=jax.ShapeDtypeStruct((B, H, W), jnp.float32),
        compiler_params=pltpu.CompilerParams(
            dimension_semantics=("parallel", "arbitrary")),
    )
    tc_out = tc_run(means, inv, x)
    return lax.dynamic_update_slice(tc_out, sc_out, (0, 0, 0))

# --- scband reference (transcript-rebuilt; emitter-appended) ---
"""Pipeline reference for scband-smlwith-post-processing-41472204211033 (READ-ONLY COPY).

The authoritative reference and input builder live on the scoring server;
editing this copy changes nothing except your own understanding.
"""

import jax, jax.numpy as jnp
import numpy as np

MEANS = np.array([4.2, 5.1, 3.8, 6.0, 4.9, 5.5, 3.2, 4.7, 5.8, 4.1, 5.3, 6.2, 3.9, 4.4, 5.0, 4.8, 5.6, 3.5, 4.6], dtype=np.float32)
STD = np.array([1.1, 0.9, 1.3, 0.8, 1.0, 1.2, 0.95, 1.05, 0.85, 1.15, 1.0, 0.9, 1.25, 1.1, 0.95, 1.05, 0.9, 1.2, 1.0], dtype=np.float32)

def setup_inputs(seed: int = 0) -> dict:
    key = jax.random.key(seed)
    x = jax.random.normal(key, (8, 19, 512, 512), dtype=jnp.float32)
    means = jnp.asarray(MEANS)
    std = jnp.asarray(STD)
    return {"x": x, "means": means, "std": std}

def reference(x, means, std):
    # max_logits, pred = x.max(1)
    max_logits = jnp.max(x, axis=1)
    pred = jnp.argmax(x, axis=1)
    # sml = (max_logits - means[pred]) / std[pred]  -- per-element gather into class stats
    sml = (max_logits - jnp.take(means, pred, axis=0)) / jnp.take(std, pred, axis=0)
    return sml

if __name__ == "__main__":
    import jax
    _d = setup_inputs()
    print(jax.jit(kernel)(*tuple(_d.values())))

</pallas_src>

<mosaic_0001>
#map = affine_map<(d0, d1) -> (0, 0, 0, 0)>
#map1 = affine_map<(d0, d1) -> (0, 0)>
#map2 = affine_map<(d0, d1) -> (0, 0, 0)>
module attributes {stable_mosaic.version = 14 : i64} {
  func.func @_sc_body(%arg0: i32, %arg1: i32, %arg2: memref<8x19x512x512xf32, #tpu.memory_space<hbm>>, %arg3: memref<8x128xf32, #tpu.memory_space<hbm>>, %arg4: memref<4x512x512xf32, #tpu.memory_space<hbm>>, %arg5: memref<2x19x8x256xf32, #tpu.memory_space<vmem>>, %arg6: memref<8x256xf32, #tpu.memory_space<vmem>>, %arg7: memref<8x128xf32, #tpu.memory_space<vmem>>, %arg8: memref<!tpu.dma_semaphore, #tpu.memory_space<semaphore_mem>>, %arg9: memref<!tpu.dma_semaphore, #tpu.memory_space<semaphore_mem>>) attributes {dimension_semantics = [#tpu.dimension_semantics<core_parallel>, #tpu.dimension_semantics<subcore_parallel>], iteration_bounds = array<i64: 2, 16>, scalar_prefetch = 0 : i64, scratch_operands = 5 : i64, tpu.core_type = #tpu.core_type<sc_vector_subcore>, window_params = [{transform_indices = #map}, {transform_indices = #map1}, {transform_indices = #map2}]} {
    %mul3A = arith.constant 2 : i32
    %mul3A_0 = arith.muli %arg1, %mul3A : i32
    %add3A = arith.addi %mul3A_0, %arg0 : i32
    %mul3A_1 = arith.constant 16 : i32
    %mul3A_2 = arith.muli %add3A, %mul3A_1 : i32
    %add3A_3 = arith.constant 0 : i32
    %add3A_4 = arith.addi %mul3A_2, %add3A_3 : i32
    %jit3A = arith.constant 128 : i32
    %div3A = arith.divsi %add3A_4, %jit3A : i32
    %sign3A = arith.constant 0 : i32
    %sign3A_5 = arith.cmpi sgt, %add3A_4, %sign3A : i32
    %sign3A_6 = arith.extui %sign3A_5 : i1 to i32
    %sign3A_7 = arith.constant 0 : i32
    %sign3A_8 = arith.cmpi slt, %add3A_4, %sign3A_7 : i32
    %sign3A_9 = arith.extui %sign3A_8 : i1 to i32
    %sign3A_10 = arith.subi %sign3A_6, %sign3A_9 : i32
    %sign3A_11 = arith.constant 0 : i32
    %sign3A_12 = arith.cmpi sgt, %jit3A, %sign3A_11 : i32
    %sign3A_13 = arith.extui %sign3A_12 : i1 to i32
    %sign3A_14 = arith.constant 0 : i32
    %sign3A_15 = arith.cmpi slt, %jit3A, %sign3A_14 : i32
    %sign3A_16 = arith.extui %sign3A_15 : i1 to i32
    %sign3A_17 = arith.subi %sign3A_13, %sign3A_16 : i32
    %ne3A = arith.cmpi ne, %sign3A_10, %sign3A_17 : i32
    %rem3A = arith.remsi %add3A_4, %jit3A : i32
    %ne3A_18 = arith.constant 0 : i32
    %ne3A_19 = arith.cmpi ne, %rem3A, %ne3A_18 : i32
    %and3A = arith.andi %ne3A, %ne3A_19 : i1
    %sub3A = arith.constant 1 : i32
    %sub3A_20 = arith.subi %div3A, %sub3A : i32
    %select_n3A = arith.select %and3A, %sub3A_20, %div3A : i32
    %jit3A_21 = arith.constant 128 : i32
    %eq3A = arith.constant 0 : i32
    %eq3A_22 = arith.cmpi eq, %jit3A_21, %eq3A : i32
    %jit3A_23 = arith.constant 1 : i32
    %select_n3A_24 = arith.select %eq3A_22, %jit3A_23, %jit3A_21 : i32
    %rem3A_25 = arith.remsi %add3A_4, %select_n3A_24 : i32
    %ne3A_26 = arith.constant 0 : i32
    %ne3A_27 = arith.cmpi ne, %rem3A_25, %ne3A_26 : i32
    %lt3A = arith.constant 0 : i32
    %lt3A_28 = arith.cmpi slt, %rem3A_25, %lt3A : i32
    %lt3A_29 = arith.constant 0 : i32
    %lt3A_30 = arith.cmpi slt, %select_n3A_24, %lt3A_29 : i32
    %ne3A_31 = arith.xori %lt3A_28, %lt3A_30 : i1
    %and3A_32 = arith.andi %ne3A_31, %ne3A_27 : i1
    %add3A_33 = arith.addi %rem3A_25, %select_n3A_24 : i32
    %select_n3A_34 = arith.select %and3A_32, %add3A_33, %rem3A_25 : i32
    %jit3A_35 = arith.constant 2 : i32
    %div3A_36 = arith.divsi %select_n3A_34, %jit3A_35 : i32
    %sign3A_37 = arith.constant 0 : i32
    %sign3A_38 = arith.cmpi sgt, %select_n3A_34, %sign3A_37 : i32
    %sign3A_39 = arith.extui %sign3A_38 : i1 to i32
    %sign3A_40 = arith.constant 0 : i32
    %sign3A_41 = arith.cmpi slt, %select_n3A_34, %sign3A_40 : i32
    %sign3A_42 = arith.extui %sign3A_41 : i1 to i32
    %sign3A_43 = arith.subi %sign3A_39, %sign3A_42 : i32
    %sign3A_44 = arith.constant 0 : i32
    %sign3A_45 = arith.cmpi sgt, %jit3A_35, %sign3A_44 : i32
    %sign3A_46 = arith.extui %sign3A_45 : i1 to i32
    %sign3A_47 = arith.constant 0 : i32
    %sign3A_48 = arith.cmpi slt, %jit3A_35, %sign3A_47 : i32
    %sign3A_49 = arith.extui %sign3A_48 : i1 to i32
    %sign3A_50 = arith.subi %sign3A_46, %sign3A_49 : i32
    %ne3A_51 = arith.cmpi ne, %sign3A_43, %sign3A_50 : i32
    %rem3A_52 = arith.remsi %select_n3A_34, %jit3A_35 : i32
    %ne3A_53 = arith.constant 0 : i32
    %ne3A_54 = arith.cmpi ne, %rem3A_52, %ne3A_53 : i32
    %and3A_55 = arith.andi %ne3A_51, %ne3A_54 : i1
    %sub3A_56 = arith.constant 1 : i32
    %sub3A_57 = arith.subi %div3A_36, %sub3A_56 : i32
    %select_n3A_58 = arith.select %and3A_55, %sub3A_57, %div3A_36 : i32
    %mul3A_59 = arith.constant 8 : i32
    %mul3A_60 = arith.muli %select_n3A_58, %mul3A_59 : i32
    %jit3A_61 = arith.constant 2 : i32
    %eq3A_62 = arith.constant 0 : i32
    %eq3A_63 = arith.cmpi eq, %jit3A_61, %eq3A_62 : i32
    %jit3A_64 = arith.constant 1 : i32
    %select_n3A_65 = arith.select %eq3A_63, %jit3A_64, %jit3A_61 : i32
    %rem3A_66 = arith.remsi %select_n3A_34, %select_n3A_65 : i32
    %ne3A_67 = arith.constant 0 : i32
    %ne3A_68 = arith.cmpi ne, %rem3A_66, %ne3A_67 : i32
    %lt3A_69 = arith.constant 0 : i32
    %lt3A_70 = arith.cmpi slt, %rem3A_66, %lt3A_69 : i32
    %lt3A_71 = arith.constant 0 : i32
    %lt3A_72 = arith.cmpi slt, %select_n3A_65, %lt3A_71 : i32
    %ne3A_73 = arith.xori %lt3A_70, %lt3A_72 : i1
    %and3A_74 = arith.andi %ne3A_73, %ne3A_68 : i1
    %add3A_75 = arith.addi %rem3A_66, %select_n3A_65 : i32
    %select_n3A_76 = arith.select %and3A_74, %add3A_75, %rem3A_66 : i32
    %mul3A_77 = arith.constant 256 : i32
    %mul3A_78 = arith.muli %select_n3A_76, %mul3A_77 : i32
    %dma_start3A = arith.constant 0 : i32
    %dma_start3A_79 = arith.constant 0 : i32
    %dma_start3A_80 = arith.constant 0 : i32
    %dma_start3A_81 = arith.constant 0 : i32
    %dma_start3A_82 = tpu.memref_slice %arg5[%dma_start3A, %dma_start3A_79, %dma_start3A_80, %dma_start3A_81] : memref<2x19x8x256xf32, #tpu.memory_space<vmem>> -> memref<1x19x8x256xf32, #tpu.memory_space<vmem>>
    %dma_start3A_83 = tpu.memref_squeeze %dma_start3A_82 : memref<1x19x8x256xf32, #tpu.memory_space<vmem>> -> memref<19x8x256xf32, #tpu.memory_space<vmem>>
    %dma_start3A_84 = arith.constant 0 : i32
    %dma_start3A_85 = tpu.memref_slice %arg2[%select_n3A, %dma_start3A_84, %mul3A_60, %mul3A_78] : memref<8x19x512x512xf32, #tpu.memory_space<hbm>> -> memref<1x19x8x256xf32, #tpu.memory_space<hbm>>
    %dma_start3A_86 = tpu.memref_squeeze %dma_start3A_85 : memref<1x19x8x256xf32, #tpu.memory_space<hbm>> -> memref<19x8x256xf32, #tpu.memory_space<hbm>>
    %dma_start3A_87 = arith.constant 0 : i32
    %dma_start3A_88 = arith.constant 0 : i32
    %dma_start3A_89 = arith.constant 0 : i32
    %dma_start3A_90 = tpu.memref_slice %arg5[%dma_start3A, %dma_start3A_87, %dma_start3A_88, %dma_start3A_89] : memref<2x19x8x256xf32, #tpu.memory_space<vmem>> -> memref<1x19x8x256xf32, #tpu.memory_space<vmem>>
    %dma_start3A_91 = tpu.memref_squeeze %dma_start3A_90 : memref<1x19x8x256xf32, #tpu.memory_space<vmem>> -> memref<19x8x256xf32, #tpu.memory_space<vmem>>
    %dma_start3A_92 = arith.constant 0 : i32
    %dma_start3A_93 = tpu.memref_slice %arg2[%select_n3A, %dma_start3A_92, %mul3A_60, %mul3A_78] : memref<8x19x512x512xf32, #tpu.memory_space<hbm>> -> memref<1x19x8x256xf32, #tpu.memory_space<hbm>>
    %dma_start3A_94 = tpu.memref_squeeze %dma_start3A_93 : memref<1x19x8x256xf32, #tpu.memory_space<hbm>> -> memref<19x8x256xf32, #tpu.memory_space<hbm>>
    tpu.enqueue_dma source(%dma_start3A_94 : memref<19x8x256xf32, #tpu.memory_space<hbm>>) target(%dma_start3A_91 : memref<19x8x256xf32, #tpu.memory_space<vmem>>) target_semaphore(%arg8 : memref<!tpu.dma_semaphore, #tpu.memory_space<semaphore_mem>>)
    "tpu.region"() ({
      %run_scoped3A = tpu.sem_alloc : memref<!tpu.dma_semaphore, #tpu.memory_space<semaphore_mem>>
      tpu.enqueue_dma source(%arg3 : memref<8x128xf32, #tpu.memory_space<hbm>>) target(%arg7 : memref<8x128xf32, #tpu.memory_space<vmem>>) target_semaphore(%run_scoped3A : memref<!tpu.dma_semaphore, #tpu.memory_space<semaphore_mem>>)
      tpu.wait_dma2 semaphore(%run_scoped3A : memref<!tpu.dma_semaphore, #tpu.memory_space<semaphore_mem>>) src(%arg3 : memref<8x128xf32, #tpu.memory_space<hbm>>) dst(%arg7 : memref<8x128xf32, #tpu.memory_space<vmem>>)
      tpu.yield
    }) : () -> ()
    %get3A = arith.constant 0 : i32
    %get3A_95 = arith.index_cast %get3A : i32 to index
    %get3A_96 = arith.constant 0 : index
    %get3A_97 = tpu.vector_load %arg7[%get3A_95, %get3A_96] {strides = array<i32>} : memref<8x128xf32, #tpu.memory_space<vmem>>, vector<1x16xf32>,
    %get3A_98 = vector.shape_cast %get3A_97 : vector<1x16xf32> to vector<16xf32>
    %get3A_99 = arith.constant 1 : i32
    %get3A_100 = arith.index_cast %get3A_99 : i32 to index
    %get3A_101 = arith.constant 0 : index
    %get3A_102 = tpu.vector_load %arg7[%get3A_100, %get3A_101] {strides = array<i32>} : memref<8x128xf32, #tpu.memory_space<vmem>>, vector<1x16xf32>,
    %get3A_103 = vector.shape_cast %get3A_102 : vector<1x16xf32> to vector<16xf32>
    %get3A_104 = arith.constant 2 : i32
    %get3A_105 = arith.index_cast %get3A_104 : i32 to index
    %get3A_106 = arith.constant 0 : index
    %get3A_107 = tpu.vector_load %arg7[%get3A_105, %get3A_106] {strides = array<i32>} : memref<8x128xf32, #tpu.memory_space<vmem>>, vector<1x16xf32>,
    %get3A_108 = vector.shape_cast %get3A_107 : vector<1x16xf32> to vector<16xf32>
    %get3A_109 = arith.constant 3 : i32
    %get3A_110 = arith.index_cast %get3A_109 : i32 to index
    %get3A_111 = arith.constant 0 : index
    %get3A_112 = tpu.vector_load %arg7[%get3A_110, %get3A_111] {strides = array<i32>} : memref<8x128xf32, #tpu.memory_space<vmem>>, vector<1x16xf32>,
    %get3A_113 = vector.shape_cast %get3A_112 : vector<1x16xf32> to vector<16xf32>
    %scan3A = arith.constant 0 : i32
    %scan3A_114 = arith.constant 0 : i32
    %scan3A_115 = arith.constant 8 : i32
    %scan3A_116 = arith.addi %scan3A_114, %scan3A_115 : i32
    %scan3A_117 = arith.constant 1 : i32
    %scan3A_118 = scf.for %scan3A_120 = %scan3A_114 to %scan3A_116 step %scan3A_117 iter_args(%scan3A_121 = %scan3A) -> (i32)  : i32 {
      %mul3A_122 = arith.constant 2 : i32
      %mul3A_123 = arith.muli %scan3A_120, %mul3A_122 : i32
      %add3A_124 = arith.constant 0 : i32
      %add3A_125 = arith.addi %mul3A_123, %add3A_124 : i32
      %mul3A_126 = arith.constant 16 : i32
      %mul3A_127 = arith.muli %add3A, %mul3A_126 : i32
      %add3A_128 = arith.addi %mul3A_127, %add3A_125 : i32
      %jit3A_129 = arith.constant 128 : i32
      %div3A_130 = arith.divsi %add3A_128, %jit3A_129 : i32
      %sign3A_131 = arith.constant 0 : i32
      %sign3A_132 = arith.cmpi sgt, %add3A_128, %sign3A_131 : i32
      %sign3A_133 = arith.extui %sign3A_132 : i1 to i32
      %sign3A_134 = arith.constant 0 : i32
      %sign3A_135 = arith.cmpi slt, %add3A_128, %sign3A_134 : i32
      %sign3A_136 = arith.extui %sign3A_135 : i1 to i32
      %sign3A_137 = arith.subi %sign3A_133, %sign3A_136 : i32
      %sign3A_138 = arith.constant 0 : i32
      %sign3A_139 = arith.cmpi sgt, %jit3A_129, %sign3A_138 : i32
      %sign3A_140 = arith.extui %sign3A_139 : i1 to i32
      %sign3A_141 = arith.constant 0 : i32
      %sign3A_142 = arith.cmpi slt, %jit3A_129, %sign3A_141 : i32
      %sign3A_143 = arith.extui %sign3A_142 : i1 to i32
      %sign3A_144 = arith.subi %sign3A_140, %sign3A_143 : i32
      %ne3A_145 = arith.cmpi ne, %sign3A_137, %sign3A_144 : i32
      %rem3A_146 = arith.remsi %add3A_128, %jit3A_129 : i32
      %ne3A_147 = arith.constant 0 : i32
      %ne3A_148 = arith.cmpi ne, %rem3A_146, %ne3A_147 : i32
      %and3A_149 = arith.andi %ne3A_145, %ne3A_148 : i1
      %sub3A_150 = arith.constant 1 : i32
      %sub3A_151 = arith.subi %div3A_130, %sub3A_150 : i32
      %select_n3A_152 = arith.select %and3A_149, %sub3A_151, %div3A_130 : i32
      %jit3A_153 = arith.constant 128 : i32
      %eq3A_154 = arith.constant 0 : i32
      %eq3A_155 = arith.cmpi eq, %jit3A_153, %eq3A_154 : i32
      %jit3A_156 = arith.constant 1 : i32
      %select_n3A_157 = arith.select %eq3A_155, %jit3A_156, %jit3A_153 : i32
      %rem3A_158 = arith.remsi %add3A_128, %select_n3A_157 : i32
      %ne3A_159 = arith.constant 0 : i32
      %ne3A_160 = arith.cmpi ne, %rem3A_158, %ne3A_159 : i32
      %lt3A_161 = arith.constant 0 : i32
      %lt3A_162 = arith.cmpi slt, %rem3A_158, %lt3A_161 : i32
      %lt3A_163 = arith.constant 0 : i32
      %lt3A_164 = arith.cmpi slt, %select_n3A_157, %lt3A_163 : i32
      %ne3A_165 = arith.xori %lt3A_162, %lt3A_164 : i1
      %and3A_166 = arith.andi %ne3A_165, %ne3A_160 : i1
      %add3A_167 = arith.addi %rem3A_158, %select_n3A_157 : i32
      %select_n3A_168 = arith.select %and3A_166, %add3A_167, %rem3A_158 : i32
      %jit3A_169 = arith.constant 2 : i32
      %div3A_170 = arith.divsi %select_n3A_168, %jit3A_169 : i32
      %sign3A_171 = arith.constant 0 : i32
      %sign3A_172 = arith.cmpi sgt, %select_n3A_168, %sign3A_171 : i32
      %sign3A_173 = arith.extui %sign3A_172 : i1 to i32
      %sign3A_174 = arith.constant 0 : i32
      %sign3A_175 = arith.cmpi slt, %select_n3A_168, %sign3A_174 : i32
      %sign3A_176 = arith.extui %sign3A_175 : i1 to i32
      %sign3A_177 = arith.subi %sign3A_173, %sign3A_176 : i32
      %sign3A_178 = arith.constant 0 : i32
      %sign3A_179 = arith.cmpi sgt, %jit3A_169, %sign3A_178 : i32
      %sign3A_180 = arith.extui %sign3A_179 : i1 to i32
      %sign3A_181 = arith.constant 0 : i32
      %sign3A_182 = arith.cmpi slt, %jit3A_169, %sign3A_181 : i32
      %sign3A_183 = arith.extui %sign3A_182 : i1 to i32
      %sign3A_184 = arith.subi %sign3A_180, %sign3A_183 : i32
      %ne3A_185 = arith.cmpi ne, %sign3A_177, %sign3A_184 : i32
      %rem3A_186 = arith.remsi %select_n3A_168, %jit3A_169 : i32
      %ne3A_187 = arith.constant 0 : i32
      %ne3A_188 = arith.cmpi ne, %rem3A_186, %ne3A_187 : i32
      %and3A_189 = arith.andi %ne3A_185, %ne3A_188 : i1
      %sub3A_190 = arith.constant 1 : i32
      %sub3A_191 = arith.subi %div3A_170, %sub3A_190 : i32
      %select_n3A_192 = arith.select %and3A_189, %sub3A_191, %div3A_170 : i32
      %mul3A_193 = arith.constant 8 : i32
      %mul3A_194 = arith.muli %select_n3A_192, %mul3A_193 : i32
      %jit3A_195 = arith.constant 2 : i32
      %eq3A_196 = arith.constant 0 : i32
      %eq3A_197 = arith.cmpi eq, %jit3A_195, %eq3A_196 : i32
      %jit3A_198 = arith.constant 1 : i32
      %select_n3A_199 = arith.select %eq3A_197, %jit3A_198, %jit3A_195 : i32
      %rem3A_200 = arith.remsi %select_n3A_168, %select_n3A_199 : i32
      %ne3A_201 = arith.constant 0 : i32
      %ne3A_202 = arith.cmpi ne, %rem3A_200, %ne3A_201 : i32
      %lt3A_203 = arith.constant 0 : i32
      %lt3A_204 = arith.cmpi slt, %rem3A_200, %lt3A_203 : i32
      %lt3A_205 = arith.constant 0 : i32
      %lt3A_206 = arith.cmpi slt, %select_n3A_199, %lt3A_205 : i32
      %ne3A_207 = arith.xori %lt3A_204, %lt3A_206 : i1
      %and3A_208 = arith.andi %ne3A_207, %ne3A_202 : i1
      %add3A_209 = arith.addi %rem3A_200, %select_n3A_199 : i32
      %select_n3A_210 = arith.select %and3A_208, %add3A_209, %rem3A_200 : i32
      %mul3A_211 = arith.constant 256 : i32
      %mul3A_212 = arith.muli %select_n3A_210, %mul3A_211 : i32
      %dma_wait3A = arith.constant 0 : i32
      %dma_wait3A_213 = arith.constant 0 : i32
      %dma_wait3A_214 = arith.constant 0 : i32
      %dma_wait3A_215 = arith.constant 0 : i32
      %dma_wait3A_216 = tpu.memref_slice %arg5[%dma_wait3A, %dma_wait3A_213, %dma_wait3A_214, %dma_wait3A_215] : memref<2x19x8x256xf32, #tpu.memory_space<vmem>> -> memref<1x19x8x256xf32, #tpu.memory_space<vmem>>
      %dma_wait3A_217 = tpu.memref_squeeze %dma_wait3A_216 : memref<1x19x8x256xf32, #tpu.memory_space<vmem>> -> memref<19x8x256xf32, #tpu.memory_space<vmem>>
      %dma_wait3A_218 = arith.constant 0 : i32
      %dma_wait3A_219 = tpu.memref_slice %arg2[%select_n3A_152, %dma_wait3A_218, %mul3A_194, %mul3A_212] : memref<8x19x512x512xf32, #tpu.memory_space<hbm>> -> memref<1x19x8x256xf32, #tpu.memory_space<hbm>>
      %dma_wait3A_220 = tpu.memref_squeeze %dma_wait3A_219 : memref<1x19x8x256xf32, #tpu.memory_space<hbm>> -> memref<19x8x256xf32, #tpu.memory_space<hbm>>
      %dma_wait3A_221 = arith.constant 0 : i32
      %dma_wait3A_222 = arith.constant 0 : i32
      %dma_wait3A_223 = arith.constant 0 : i32
      %dma_wait3A_224 = tpu.memref_slice %arg5[%dma_wait3A, %dma_wait3A_221, %dma_wait3A_222, %dma_wait3A_223] : memref<2x19x8x256xf32, #tpu.memory_space<vmem>> -> memref<1x19x8x256xf32, #tpu.memory_space<vmem>>
      %dma_wait3A_225 = tpu.memref_squeeze %dma_wait3A_224 : memref<1x19x8x256xf32, #tpu.memory_space<vmem>> -> memref<19x8x256xf32, #tpu.memory_space<vmem>>
      %dma_wait3A_226 = arith.constant 0 : i32
      %dma_wait3A_227 = tpu.memref_slice %arg2[%select_n3A_152, %dma_wait3A_226, %mul3A_194, %mul3A_212] : memref<8x19x512x512xf32, #tpu.memory_space<hbm>> -> memref<1x19x8x256xf32, #tpu.memory_space<hbm>>
      %dma_wait3A_228 = tpu.memref_squeeze %dma_wait3A_227 : memref<1x19x8x256xf32, #tpu.memory_space<hbm>> -> memref<19x8x256xf32, #tpu.memory_space<hbm>>
      tpu.wait_dma2 semaphore(%arg8 : memref<!tpu.dma_semaphore, #tpu.memory_space<semaphore_mem>>) src(%dma_wait3A_228 : memref<19x8x256xf32, #tpu.memory_space<hbm>>) dst(%dma_wait3A_225 : memref<19x8x256xf32, #tpu.memory_space<vmem>>)
      %add3A_229 = arith.constant 1 : i32
      %add3A_230 = arith.addi %add3A_125, %add3A_229 : i32
      %lt3A_231 = arith.constant 16 : i32
      %lt3A_232 = arith.cmpi slt, %add3A_230, %lt3A_231 : i32
      %convert_element_type3A = arith.extui %lt3A_232 : i1 to i32
      %cond3A = arith.constant 0 : i32
      %cond3A_233 = arith.cmpi ne, %convert_element_type3A, %cond3A : i32
      scf.if %cond3A_233 {
        %add3A_529 = arith.constant 1 : i32
        %add3A_530 = arith.addi %add3A_125, %add3A_529 : i32
        %mul3A_531 = arith.constant 16 : i32
        %mul3A_532 = arith.muli %add3A, %mul3A_531 : i32
        %add3A_533 = arith.addi %mul3A_532, %add3A_530 : i32
        %jit3A_534 = arith.constant 128 : i32
        %div3A_535 = arith.divsi %add3A_533, %jit3A_534 : i32
        %sign3A_536 = arith.constant 0 : i32
        %sign3A_537 = arith.cmpi sgt, %add3A_533, %sign3A_536 : i32
        %sign3A_538 = arith.extui %sign3A_537 : i1 to i32
        %sign3A_539 = arith.constant 0 : i32
        %sign3A_540 = arith.cmpi slt, %add3A_533, %sign3A_539 : i32
        %sign3A_541 = arith.extui %sign3A_540 : i1 to i32
        %sign3A_542 = arith.subi %sign3A_538, %sign3A_541 : i32
        %sign3A_543 = arith.constant 0 : i32
        %sign3A_544 = arith.cmpi sgt, %jit3A_534, %sign3A_543 : i32
        %sign3A_545 = arith.extui %sign3A_544 : i1 to i32
        %sign3A_546 = arith.constant 0 : i32
        %sign3A_547 = arith.cmpi slt, %jit3A_534, %sign3A_546 : i32
        %sign3A_548 = arith.extui %sign3A_547 : i1 to i32
        %sign3A_549 = arith.subi %sign3A_545, %sign3A_548 : i32
        %ne3A_550 = arith.cmpi ne, %sign3A_542, %sign3A_549 : i32
        %rem3A_551 = arith.remsi %add3A_533, %jit3A_534 : i32
        %ne3A_552 = arith.constant 0 : i32
        %ne3A_553 = arith.cmpi ne, %rem3A_551, %ne3A_552 : i32
        %and3A_554 = arith.andi %ne3A_550, %ne3A_553 : i1
        %sub3A_555 = arith.constant 1 : i32
        %sub3A_556 = arith.subi %div3A_535, %sub3A_555 : i32
        %select_n3A_557 = arith.select %and3A_554, %sub3A_556, %div3A_535 : i32
        %jit3A_558 = arith.constant 128 : i32
        %eq3A_559 = arith.constant 0 : i32
        %eq3A_560 = arith.cmpi eq, %jit3A_558, %eq3A_559 : i32
        %jit3A_561 = arith.constant 1 : i32
        %select_n3A_562 = arith.select %eq3A_560, %jit3A_561, %jit3A_558 : i32
        %rem3A_563 = arith.remsi %add3A_533, %select_n3A_562 : i32
        %ne3A_564 = arith.constant 0 : i32
        %ne3A_565 = arith.cmpi ne, %rem3A_563, %ne3A_564 : i32
        %lt3A_566 = arith.constant 0 : i32
        %lt3A_567 = arith.cmpi slt, %rem3A_563, %lt3A_566 : i32
        %lt3A_568 = arith.constant 0 : i32
        %lt3A_569 = arith.cmpi slt, %select_n3A_562, %lt3A_568 : i32
        %ne3A_570 = arith.xori %lt3A_567, %lt3A_569 : i1
        %and3A_571 = arith.andi %ne3A_570, %ne3A_565 : i1
        %add3A_572 = arith.addi %rem3A_563, %select_n3A_562 : i32
        %select_n3A_573 = arith.select %and3A_571, %add3A_572, %rem3A_563 : i32
        %jit3A_574 = arith.constant 2 : i32
        %div3A_575 = arith.divsi %select_n3A_573, %jit3A_574 : i32
        %sign3A_576 = arith.constant 0 : i32
        %sign3A_577 = arith.cmpi sgt, %select_n3A_573, %sign3A_576 : i32
        %sign3A_578 = arith.extui %sign3A_577 : i1 to i32
        %sign3A_579 = arith.constant 0 : i32
        %sign3A_580 = arith.cmpi slt, %select_n3A_573, %sign3A_579 : i32
        %sign3A_581 = arith.extui %sign3A_580 : i1 to i32
        %sign3A_582 = arith.subi %sign3A_578, %sign3A_581 : i32
        %sign3A_583 = arith.constant 0 : i32
        %sign3A_584 = arith.cmpi sgt, %jit3A_574, %sign3A_583 : i32
        %sign3A_585 = arith.extui %sign3A_584 : i1 to i32
        %sign3A_586 = arith.constant 0 : i32
        %sign3A_587 = arith.cmpi slt, %jit3A_574, %sign3A_586 : i32
        %sign3A_588 = arith.extui %sign3A_587 : i1 to i32
        %sign3A_589 = arith.subi %sign3A_585, %sign3A_588 : i32
        %ne3A_590 = arith.cmpi ne, %sign3A_582, %sign3A_589 : i32
        %rem3A_591 = arith.remsi %select_n3A_573, %jit3A_574 : i32
        %ne3A_592 = arith.constant 0 : i32
        %ne3A_593 = arith.cmpi ne, %rem3A_591, %ne3A_592 : i32
        %and3A_594 = arith.andi %ne3A_590, %ne3A_593 : i1
        %sub3A_595 = arith.constant 1 : i32
        %sub3A_596 = arith.subi %div3A_575, %sub3A_595 : i32
        %select_n3A_597 = arith.select %and3A_594, %sub3A_596, %div3A_575 : i32
        %mul3A_598 = arith.constant 8 : i32
        %mul3A_599 = arith.muli %select_n3A_597, %mul3A_598 : i32
        %jit3A_600 = arith.constant 2 : i32
        %eq3A_601 = arith.constant 0 : i32
        %eq3A_602 = arith.cmpi eq, %jit3A_600, %eq3A_601 : i32
        %jit3A_603 = arith.constant 1 : i32
        %select_n3A_604 = arith.select %eq3A_602, %jit3A_603, %jit3A_600 : i32
        %rem3A_605 = arith.remsi %select_n3A_573, %select_n3A_604 : i32
        %ne3A_606 = arith.constant 0 : i32
        %ne3A_607 = arith.cmpi ne, %rem3A_605, %ne3A_606 : i32
        %lt3A_608 = arith.constant 0 : i32
        %lt3A_609 = arith.cmpi slt, %rem3A_605, %lt3A_608 : i32
        %lt3A_610 = arith.constant 0 : i32
        %lt3A_611 = arith.cmpi slt, %select_n3A_604, %lt3A_610 : i32
        %ne3A_612 = arith.xori %lt3A_609, %lt3A_611 : i1
        %and3A_613 = arith.andi %ne3A_612, %ne3A_607 : i1
        %add3A_614 = arith.addi %rem3A_605, %select_n3A_604 : i32
        %select_n3A_615 = arith.select %and3A_613, %add3A_614, %rem3A_605 : i32
        %mul3A_616 = arith.constant 256 : i32
        %mul3A_617 = arith.muli %select_n3A_615, %mul3A_616 : i32
        %dma_start3A_618 = arith.constant 1 : i32
        %dma_start3A_619 = arith.constant 0 : i32
        %dma_start3A_620 = arith.constant 0 : i32
        %dma_start3A_621 = arith.constant 0 : i32
        %dma_start3A_622 = tpu.memref_slice %arg5[%dma_start3A_618, %dma_start3A_619, %dma_start3A_620, %dma_start3A_621] : memref<2x19x8x256xf32, #tpu.memory_space<vmem>> -> memref<1x19x8x256xf32, #tpu.memory_space<vmem>>
        %dma_start3A_623 = tpu.memref_squeeze %dma_start3A_622 : memref<1x19x8x256xf32, #tpu.memory_space<vmem>> -> memref<19x8x256xf32, #tpu.memory_space<vmem>>
        %dma_start3A_624 = arith.constant 0 : i32
        %dma_start3A_625 = tpu.memref_slice %arg2[%select_n3A_557, %dma_start3A_624, %mul3A_599, %mul3A_617] : memref<8x19x512x512xf32, #tpu.memory_space<hbm>> -> memref<1x19x8x256xf32, #tpu.memory_space<hbm>>
        %dma_start3A_626 = tpu.memref_squeeze %dma_start3A_625 : memref<1x19x8x256xf32, #tpu.memory_space<hbm>> -> memref<19x8x256xf32, #tpu.memory_space<hbm>>
        %dma_start3A_627 = arith.constant 0 : i32
        %dma_start3A_628 = arith.constant 0 : i32
        %dma_start3A_629 = arith.constant 0 : i32
        %dma_start3A_630 = tpu.memref_slice %arg5[%dma_start3A_618, %dma_start3A_627, %dma_start3A_628, %dma_start3A_629] : memref<2x19x8x256xf32, #tpu.memory_space<vmem>> -> memref<1x19x8x256xf32, #tpu.memory_space<vmem>>
        %dma_start3A_631 = tpu.memref_squeeze %dma_start3A_630 : memref<1x19x8x256xf32, #tpu.memory_space<vmem>> -> memref<19x8x256xf32, #tpu.memory_space<vmem>>
        %dma_start3A_632 = arith.constant 0 : i32
        %dma_start3A_633 = tpu.memref_slice %arg2[%select_n3A_557, %dma_start3A_632, %mul3A_599, %mul3A_617] : memref<8x19x512x512xf32, #tpu.memory_space<hbm>> -> memref<1x19x8x256xf32, #tpu.memory_space<hbm>>
        %dma_start3A_634 = tpu.memref_squeeze %dma_start3A_633 : memref<1x19x8x256xf32, #tpu.memory_space<hbm>> -> memref<19x8x256xf32, #tpu.memory_space<hbm>>
        tpu.enqueue_dma source(%dma_start3A_634 : memref<19x8x256xf32, #tpu.memory_space<hbm>>) target(%dma_start3A_631 : memref<19x8x256xf32, #tpu.memory_space<vmem>>) target_semaphore(%arg9 : memref<!tpu.dma_semaphore, #tpu.memory_space<semaphore_mem>>)
      } else {
      }
      %parallel_loop3A = arith.constant 0 : i32
      %parallel_loop3A_234 = arith.constant 128 : i32
      %parallel_loop3A_235 = arith.constant 1 : i32
      scf.for %parallel_loop3A_529 = %parallel_loop3A to %parallel_loop3A_234 step %parallel_loop3A_235  : i32 {
        %parallel_loop3A_530 = arith.constant 4 : i32
        %parallel_loop3A_531 = arith.shrsi %parallel_loop3A_529, %parallel_loop3A_530 : i32
        %parallel_loop3A_532 = arith.constant 15 : i32
        %parallel_loop3A_533 = arith.andi %parallel_loop3A_529, %parallel_loop3A_532 : i32
        %parallel_loop3A_534 = arith.constant 16 : i32
        %parallel_loop3A_535 = arith.muli %parallel_loop3A_533, %parallel_loop3A_534 : i32
        %parallel_loop3A_536 = arith.constant 0 : i32
        %parallel_loop3A_537 = arith.constant 0 : i32
        %parallel_loop3A_538 = arith.index_cast %parallel_loop3A_536 : i32 to index
        %parallel_loop3A_539 = arith.index_cast %parallel_loop3A_537 : i32 to index
        %parallel_loop3A_540 = arith.index_cast %parallel_loop3A_531 : i32 to index
        %parallel_loop3A_541 = arith.index_cast %parallel_loop3A_535 : i32 to index
        %parallel_loop3A_542 = tpu.vector_load %arg5[%parallel_loop3A_538, %parallel_loop3A_539, %parallel_loop3A_540, %parallel_loop3A_541] {strides = array<i32>} : memref<2x19x8x256xf32, #tpu.memory_space<vmem>>, vector<1x1x1x16xf32>,
        %parallel_loop3A_543 = vector.shape_cast %parallel_loop3A_542 : vector<1x1x1x16xf32> to vector<16xf32>
        %parallel_loop3A_544 = arith.constant 0 : i32
        %parallel_loop3A_545 = arith.constant 1 : i32
        %parallel_loop3A_546 = arith.index_cast %parallel_loop3A_544 : i32 to index
        %parallel_loop3A_547 = arith.index_cast %parallel_loop3A_545 : i32 to index
        %parallel_loop3A_548 = arith.index_cast %parallel_loop3A_531 : i32 to index
        %parallel_loop3A_549 = arith.index_cast %parallel_loop3A_535 : i32 to index
        %parallel_loop3A_550 = tpu.vector_load %arg5[%parallel_loop3A_546, %parallel_loop3A_547, %parallel_loop3A_548, %parallel_loop3A_549] {strides = array<i32>} : memref<2x19x8x256xf32, #tpu.memory_space<vmem>>, vector<1x1x1x16xf32>,
        %parallel_loop3A_551 = vector.shape_cast %parallel_loop3A_550 : vector<1x1x1x16xf32> to vector<16xf32>
        %parallel_loop3A_552 = arith.constant 0 : i32
        %parallel_loop3A_553 = arith.constant 2 : i32
        %parallel_loop3A_554 = arith.index_cast %parallel_loop3A_552 : i32 to index
        %parallel_loop3A_555 = arith.index_cast %parallel_loop3A_553 : i32 to index
        %parallel_loop3A_556 = arith.index_cast %parallel_loop3A_531 : i32 to index
        %parallel_loop3A_557 = arith.index_cast %parallel_loop3A_535 : i32 to index
        %parallel_loop3A_558 = tpu.vector_load %arg5[%parallel_loop3A_554, %parallel_loop3A_555, %parallel_loop3A_556, %parallel_loop3A_557] {strides = array<i32>} : memref<2x19x8x256xf32, #tpu.memory_space<vmem>>, vector<1x1x1x16xf32>,
        %parallel_loop3A_559 = vector.shape_cast %parallel_loop3A_558 : vector<1x1x1x16xf32> to vector<16xf32>
        %parallel_loop3A_560 = arith.constant 0 : i32
        %parallel_loop3A_561 = arith.constant 3 : i32
        %parallel_loop3A_562 = arith.index_cast %parallel_loop3A_560 : i32 to index
        %parallel_loop3A_563 = arith.index_cast %parallel_loop3A_561 : i32 to index
        %parallel_loop3A_564 = arith.index_cast %parallel_loop3A_531 : i32 to index
        %parallel_loop3A_565 = arith.index_cast %parallel_loop3A_535 : i32 to index
        %parallel_loop3A_566 = tpu.vector_load %arg5[%parallel_loop3A_562, %parallel_loop3A_563, %parallel_loop3A_564, %parallel_loop3A_565] {strides = array<i32>} : memref<2x19x8x256xf32, #tpu.memory_space<vmem>>, vector<1x1x1x16xf32>,
        %parallel_loop3A_567 = vector.shape_cast %parallel_loop3A_566 : vector<1x1x1x16xf32> to vector<16xf32>
        %parallel_loop3A_568 = arith.constant 0 : i32
        %parallel_loop3A_569 = arith.constant 4 : i32
        %parallel_loop3A_570 = arith.index_cast %parallel_loop3A_568 : i32 to index
        %parallel_loop3A_571 = arith.index_cast %parallel_loop3A_569 : i32 to index
        %parallel_loop3A_572 = arith.index_cast %parallel_loop3A_531 : i32 to index
        %parallel_loop3A_573 = arith.index_cast %parallel_loop3A_535 : i32 to index
        %parallel_loop3A_574 = tpu.vector_load %arg5[%parallel_loop3A_570, %parallel_loop3A_571, %parallel_loop3A_572, %parallel_loop3A_573] {strides = array<i32>} : memref<2x19x8x256xf32, #tpu.memory_space<vmem>>, vector<1x1x1x16xf32>,
        %parallel_loop3A_575 = vector.shape_cast %parallel_loop3A_574 : vector<1x1x1x16xf32> to vector<16xf32>
        %parallel_loop3A_576 = arith.constant 0 : i32
        %parallel_loop3A_577 = arith.constant 5 : i32
        %parallel_loop3A_578 = arith.index_cast %parallel_loop3A_576 : i32 to index
        %parallel_loop3A_579 = arith.index_cast %parallel_loop3A_577 : i32 to index
        %parallel_loop3A_580 = arith.index_cast %parallel_loop3A_531 : i32 to index
        %parallel_loop3A_581 = arith.index_cast %parallel_loop3A_535 : i32 to index
        %parallel_loop3A_582 = tpu.vector_load %arg5[%parallel_loop3A_578, %parallel_loop3A_579, %parallel_loop3A_580, %parallel_loop3A_581] {strides = array<i32>} : memref<2x19x8x256xf32, #tpu.memory_space<vmem>>, vector<1x1x1x16xf32>,
        %parallel_loop3A_583 = vector.shape_cast %parallel_loop3A_582 : vector<1x1x1x16xf32> to vector<16xf32>
        %parallel_loop3A_584 = arith.constant 0 : i32
        %parallel_loop3A_585 = arith.constant 6 : i32
        %parallel_loop3A_586 = arith.index_cast %parallel_loop3A_584 : i32 to index
        %parallel_loop3A_587 = arith.index_cast %parallel_loop3A_585 : i32 to index
        %parallel_loop3A_588 = arith.index_cast %parallel_loop3A_531 : i32 to index
        %parallel_loop3A_589 = arith.index_cast %parallel_loop3A_535 : i32 to index
        %parallel_loop3A_590 = tpu.vector_load %arg5[%parallel_loop3A_586, %parallel_loop3A_587, %parallel_loop3A_588, %parallel_loop3A_589] {strides = array<i32>} : memref<2x19x8x256xf32, #tpu.memory_space<vmem>>, vector<1x1x1x16xf32>,
        %parallel_loop3A_591 = vector.shape_cast %parallel_loop3A_590 : vector<1x1x1x16xf32> to vector<16xf32>
        %parallel_loop3A_592 = arith.constant 0 : i32
        %parallel_loop3A_593 = arith.constant 7 : i32
        %parallel_loop3A_594 = arith.index_cast %parallel_loop3A_592 : i32 to index
        %parallel_loop3A_595 = arith.index_cast %parallel_loop3A_593 : i32 to index
        %parallel_loop3A_596 = arith.index_cast %parallel_loop3A_531 : i32 to index
        %parallel_loop3A_597 = arith.index_cast %parallel_loop3A_535 : i32 to index
        %parallel_loop3A_598 = tpu.vector_load %arg5[%parallel_loop3A_594, %parallel_loop3A_595, %parallel_loop3A_596, %parallel_loop3A_597] {strides = array<i32>} : memref<2x19x8x256xf32, #tpu.memory_space<vmem>>, vector<1x1x1x16xf32>,
        %parallel_loop3A_599 = vector.shape_cast %parallel_loop3A_598 : vector<1x1x1x16xf32> to vector<16xf32>
        %parallel_loop3A_600 = arith.constant 0 : i32
        %parallel_loop3A_601 = arith.constant 8 : i32
        %parallel_loop3A_602 = arith.index_cast %parallel_loop3A_600 : i32 to index
        %parallel_loop3A_603 = arith.index_cast %parallel_loop3A_601 : i32 to index
        %parallel_loop3A_604 = arith.index_cast %parallel_loop3A_531 : i32 to index
        %parallel_loop3A_605 = arith.index_cast %parallel_loop3A_535 : i32 to index
        %parallel_loop3A_606 = tpu.vector_load %arg5[%parallel_loop3A_602, %parallel_loop3A_603, %parallel_loop3A_604, %parallel_loop3A_605] {strides = array<i32>} : memref<2x19x8x256xf32, #tpu.memory_space<vmem>>, vector<1x1x1x16xf32>,
        %parallel_loop3A_607 = vector.shape_cast %parallel_loop3A_606 : vector<1x1x1x16xf32> to vector<16xf32>
        %parallel_loop3A_608 = arith.constant 0 : i32
        %parallel_loop3A_609 = arith.constant 9 : i32
        %parallel_loop3A_610 = arith.index_cast %parallel_loop3A_608 : i32 to index
        %parallel_loop3A_611 = arith.index_cast %parallel_loop3A_609 : i32 to index
        %parallel_loop3A_612 = arith.index_cast %parallel_loop3A_531 : i32 to index
        %parallel_loop3A_613 = arith.index_cast %parallel_loop3A_535 : i32 to index
        %parallel_loop3A_614 = tpu.vector_load %arg5[%parallel_loop3A_610, %parallel_loop3A_611, %parallel_loop3A_612, %parallel_loop3A_613] {strides = array<i32>} : memref<2x19x8x256xf32, #tpu.memory_space<vmem>>, vector<1x1x1x16xf32>,
        %parallel_loop3A_615 = vector.shape_cast %parallel_loop3A_614 : vector<1x1x1x16xf32> to vector<16xf32>
        %parallel_loop3A_616 = arith.constant 0 : i32
        %parallel_loop3A_617 = arith.constant 10 : i32
        %parallel_loop3A_618 = arith.index_cast %parallel_loop3A_616 : i32 to index
        %parallel_loop3A_619 = arith.index_cast %parallel_loop3A_617 : i32 to index
        %parallel_loop3A_620 = arith.index_cast %parallel_loop3A_531 : i32 to index
        %parallel_loop3A_621 = arith.index_cast %parallel_loop3A_535 : i32 to index
        %parallel_loop3A_622 = tpu.vector_load %arg5[%parallel_loop3A_618, %parallel_loop3A_619, %parallel_loop3A_620, %parallel_loop3A_621] {strides = array<i32>} : memref<2x19x8x256xf32, #tpu.memory_space<vmem>>, vector<1x1x1x16xf32>,
        %parallel_loop3A_623 = vector.shape_cast %parallel_loop3A_622 : vector<1x1x1x16xf32> to vector<16xf32>
        %parallel_loop3A_624 = arith.constant 0 : i32
        %parallel_loop3A_625 = arith.constant 11 : i32
        %parallel_loop3A_626 = arith.index_cast %parallel_loop3A_624 : i32 to index
        %parallel_loop3A_627 = arith.index_cast %parallel_loop3A_625 : i32 to index
        %parallel_loop3A_628 = arith.index_cast %parallel_loop3A_531 : i32 to index
        %parallel_loop3A_629 = arith.index_cast %parallel_loop3A_535 : i32 to index
        %parallel_loop3A_630 = tpu.vector_load %arg5[%parallel_loop3A_626, %parallel_loop3A_627, %parallel_loop3A_628, %parallel_loop3A_629] {strides = array<i32>} : memref<2x19x8x256xf32, #tpu.memory_space<vmem>>, vector<1x1x1x16xf32>,
        %parallel_loop3A_631 = vector.shape_cast %parallel_loop3A_630 : vector<1x1x1x16xf32> to vector<16xf32>
        %parallel_loop3A_632 = arith.constant 0 : i32
        %parallel_loop3A_633 = arith.constant 12 : i32
        %parallel_loop3A_634 = arith.index_cast %parallel_loop3A_632 : i32 to index
        %parallel_loop3A_635 = arith.index_cast %parallel_loop3A_633 : i32 to index
        %parallel_loop3A_636 = arith.index_cast %parallel_loop3A_531 : i32 to index
        %parallel_loop3A_637 = arith.index_cast %parallel_loop3A_535 : i32 to index
        %parallel_loop3A_638 = tpu.vector_load %arg5[%parallel_loop3A_634, %parallel_loop3A_635, %parallel_loop3A_636, %parallel_loop3A_637] {strides = array<i32>} : memref<2x19x8x256xf32, #tpu.memory_space<vmem>>, vector<1x1x1x16xf32>,
        %parallel_loop3A_639 = vector.shape_cast %parallel_loop3A_638 : vector<1x1x1x16xf32> to vector<16xf32>
        %parallel_loop3A_640 = arith.constant 0 : i32
        %parallel_loop3A_641 = arith.constant 13 : i32
        %parallel_loop3A_642 = arith.index_cast %parallel_loop3A_640 : i32 to index
        %parallel_loop3A_643 = arith.index_cast %parallel_loop3A_641 : i32 to index
        %parallel_loop3A_644 = arith.index_cast %parallel_loop3A_531 : i32 to index
        %parallel_loop3A_645 = arith.index_cast %parallel_loop3A_535 : i32 to index
        %parallel_loop3A_646 = tpu.vector_load %arg5[%parallel_loop3A_642, %parallel_loop3A_643, %parallel_loop3A_644, %parallel_loop3A_645] {strides = array<i32>} : memref<2x19x8x256xf32, #tpu.memory_space<vmem>>, vector<1x1x1x16xf32>,
        %parallel_loop3A_647 = vector.shape_cast %parallel_loop3A_646 : vector<1x1x1x16xf32> to vector<16xf32>
        %parallel_loop3A_648 = arith.constant 0 : i32
        %parallel_loop3A_649 = arith.constant 14 : i32
        %parallel_loop3A_650 = arith.index_cast %parallel_loop3A_648 : i32 to index
        %parallel_loop3A_651 = arith.index_cast %parallel_loop3A_649 : i32 to index
        %parallel_loop3A_652 = arith.index_cast %parallel_loop3A_531 : i32 to index
        %parallel_loop3A_653 = arith.index_cast %parallel_loop3A_535 : i32 to index
        %parallel_loop3A_654 = tpu.vector_load %arg5[%parallel_loop3A_650, %parallel_loop3A_651, %parallel_loop3A_652, %parallel_loop3A_653] {strides = array<i32>} : memref<2x19x8x256xf32, #tpu.memory_space<vmem>>, vector<1x1x1x16xf32>,
        %parallel_loop3A_655 = vector.shape_cast %parallel_loop3A_654 : vector<1x1x1x16xf32> to vector<16xf32>
        %parallel_loop3A_656 = arith.constant 0 : i32
        %parallel_loop3A_657 = arith.constant 15 : i32
        %parallel_loop3A_658 = arith.index_cast %parallel_loop3A_656 : i32 to index
        %parallel_loop3A_659 = arith.index_cast %parallel_loop3A_657 : i32 to index
        %parallel_loop3A_660 = arith.index_cast %parallel_loop3A_531 : i32 to index
        %parallel_loop3A_661 = arith.index_cast %parallel_loop3A_535 : i32 to index
        %parallel_loop3A_662 = tpu.vector_load %arg5[%parallel_loop3A_658, %parallel_loop3A_659, %parallel_loop3A_660, %parallel_loop3A_661] {strides = array<i32>} : memref<2x19x8x256xf32, #tpu.memory_space<vmem>>, vector<1x1x1x16xf32>,
        %parallel_loop3A_663 = vector.shape_cast %parallel_loop3A_662 : vector<1x1x1x16xf32> to vector<16xf32>
        %parallel_loop3A_664 = arith.constant 0 : i32
        %parallel_loop3A_665 = arith.constant 16 : i32
        %parallel_loop3A_666 = arith.index_cast %parallel_loop3A_664 : i32 to index
        %parallel_loop3A_667 = arith.index_cast %parallel_loop3A_665 : i32 to index
        %parallel_loop3A_668 = arith.index_cast %parallel_loop3A_531 : i32 to index
        %parallel_loop3A_669 = arith.index_cast %parallel_loop3A_535 : i32 to index
        %parallel_loop3A_670 = tpu.vector_load %arg5[%parallel_loop3A_666, %parallel_loop3A_667, %parallel_loop3A_668, %parallel_loop3A_669] {strides = array<i32>} : memref<2x19x8x256xf32, #tpu.memory_space<vmem>>, vector<1x1x1x16xf32>,
        %parallel_loop3A_671 = vector.shape_cast %parallel_loop3A_670 : vector<1x1x1x16xf32> to vector<16xf32>
        %parallel_loop3A_672 = arith.constant 0 : i32
        %parallel_loop3A_673 = arith.constant 17 : i32
        %parallel_loop3A_674 = arith.index_cast %parallel_loop3A_672 : i32 to index
        %parallel_loop3A_675 = arith.index_cast %parallel_loop3A_673 : i32 to index
        %parallel_loop3A_676 = arith.index_cast %parallel_loop3A_531 : i32 to index
        %parallel_loop3A_677 = arith.index_cast %parallel_loop3A_535 : i32 to index
        %parallel_loop3A_678 = tpu.vector_load %arg5[%parallel_loop3A_674, %parallel_loop3A_675, %parallel_loop3A_676, %parallel_loop3A_677] {strides = array<i32>} : memref<2x19x8x256xf32, #tpu.memory_space<vmem>>, vector<1x1x1x16xf32>,
        %parallel_loop3A_679 = vector.shape_cast %parallel_loop3A_678 : vector<1x1x1x16xf32> to vector<16xf32>
        %parallel_loop3A_680 = arith.constant 0 : i32
        %parallel_loop3A_681 = arith.constant 18 : i32
        %parallel_loop3A_682 = arith.index_cast %parallel_loop3A_680 : i32 to index
        %parallel_loop3A_683 = arith.index_cast %parallel_loop3A_681 : i32 to index
        %parallel_loop3A_684 = arith.index_cast %parallel_loop3A_531 : i32 to index
        %parallel_loop3A_685 = arith.index_cast %parallel_loop3A_535 : i32 to index
        %parallel_loop3A_686 = tpu.vector_load %arg5[%parallel_loop3A_682, %parallel_loop3A_683, %parallel_loop3A_684, %parallel_loop3A_685] {strides = array<i32>} : memref<2x19x8x256xf32, #tpu.memory_space<vmem>>, vector<1x1x1x16xf32>,
        %parallel_loop3A_687 = vector.shape_cast %parallel_loop3A_686 : vector<1x1x1x16xf32> to vector<16xf32>
        %parallel_loop3A_688 = arith.constant 0 : i32
        %parallel_loop3A_689 = vector.broadcast %parallel_loop3A_688 : i32 to vector<16xi32>
        %parallel_loop3A_690 = arith.constant 1 : i32
        %parallel_loop3A_691 = vector.broadcast %parallel_loop3A_690 : i32 to vector<16xi32>
        %parallel_loop3A_692 = arith.cmpf ogt, %parallel_loop3A_551, %parallel_loop3A_543 : vector<16xf32>
        %parallel_loop3A_693 = arith.maximumf %parallel_loop3A_543, %parallel_loop3A_551 : vector<16xf32>
        %parallel_loop3A_694 = arith.select %parallel_loop3A_692, %parallel_loop3A_691, %parallel_loop3A_689 : vector<16xi1>, vector<16xi32>
        %parallel_loop3A_695 = arith.constant 2 : i32
        %parallel_loop3A_696 = vector.broadcast %parallel_loop3A_695 : i32 to vector<16xi32>
        %parallel_loop3A_697 = arith.constant 3 : i32
        %parallel_loop3A_698 = vector.broadcast %parallel_loop3A_697 : i32 to vector<16xi32>
        %parallel_loop3A_699 = arith.cmpf ogt, %parallel_loop3A_567, %parallel_loop3A_559 : vector<16xf32>
        %parallel_loop3A_700 = arith.maximumf %parallel_loop3A_559, %parallel_loop3A_567 : vector<16xf32>
        %parallel_loop3A_701 = arith.select %parallel_loop3A_699, %parallel_loop3A_698, %parallel_loop3A_696 : vector<16xi1>, vector<16xi32>
        %parallel_loop3A_702 = arith.constant 4 : i32
        %parallel_loop3A_703 = vector.broadcast %parallel_loop3A_702 : i32 to vector<16xi32>
        %parallel_loop3A_704 = arith.constant 5 : i32
        %parallel_loop3A_705 = vector.broadcast %parallel_loop3A_704 : i32 to vector<16xi32>
        %parallel_loop3A_706 = arith.cmpf ogt, %parallel_loop3A_583, %parallel_loop3A_575 : vector<16xf32>
        %parallel_loop3A_707 = arith.maximumf %parallel_loop3A_575, %parallel_loop3A_583 : vector<16xf32>
        %parallel_loop3A_708 = arith.select %parallel_loop3A_706, %parallel_loop3A_705, %parallel_loop3A_703 : vector<16xi1>, vector<16xi32>
        %parallel_loop3A_709 = arith.constant 6 : i32
        %parallel_loop3A_710 = vector.broadcast %parallel_loop3A_709 : i32 to vector<16xi32>
        %parallel_loop3A_711 = arith.constant 7 : i32
        %parallel_loop3A_712 = vector.broadcast %parallel_loop3A_711 : i32 to vector<16xi32>
        %parallel_loop3A_713 = arith.cmpf ogt, %parallel_loop3A_599, %parallel_loop3A_591 : vector<16xf32>
        %parallel_loop3A_714 = arith.maximumf %parallel_loop3A_591, %parallel_loop3A_599 : vector<16xf32>
        %parallel_loop3A_715 = arith.select %parallel_loop3A_713, %parallel_loop3A_712, %parallel_loop3A_710 : vector<16xi1>, vector<16xi32>
        %parallel_loop3A_716 = arith.constant 8 : i32
        %parallel_loop3A_717 = vector.broadcast %parallel_loop3A_716 : i32 to vector<16xi32>
        %parallel_loop3A_718 = arith.constant 9 : i32
        %parallel_loop3A_719 = vector.broadcast %parallel_loop3A_718 : i32 to vector<16xi32>
        %parallel_loop3A_720 = arith.cmpf ogt, %parallel_loop3A_615, %parallel_loop3A_607 : vector<16xf32>
        %parallel_loop3A_721 = arith.maximumf %parallel_loop3A_607, %parallel_loop3A_615 : vector<16xf32>
        %parallel_loop3A_722 = arith.select %parallel_loop3A_720, %parallel_loop3A_719, %parallel_loop3A_717 : vector<16xi1>, vector<16xi32>
        %parallel_loop3A_723 = arith.constant 10 : i32
        %parallel_loop3A_724 = vector.broadcast %parallel_loop3A_723 : i32 to vector<16xi32>
        %parallel_loop3A_725 = arith.constant 11 : i32
        %parallel_loop3A_726 = vector.broadcast %parallel_loop3A_725 : i32 to vector<16xi32>
        %parallel_loop3A_727 = arith.cmpf ogt, %parallel_loop3A_631, %parallel_loop3A_623 : vector<16xf32>
        %parallel_loop3A_728 = arith.maximumf %parallel_loop3A_623, %parallel_loop3A_631 : vector<16xf32>
        %parallel_loop3A_729 = arith.select %parallel_loop3A_727, %parallel_loop3A_726, %parallel_loop3A_724 : vector<16xi1>, vector<16xi32>
        %parallel_loop3A_730 = arith.constant 12 : i32
        %parallel_loop3A_731 = vector.broadcast %parallel_loop3A_730 : i32 to vector<16xi32>
        %parallel_loop3A_732 = arith.constant 13 : i32
        %parallel_loop3A_733 = vector.broadcast %parallel_loop3A_732 : i32 to vector<16xi32>
        %parallel_loop3A_734 = arith.cmpf ogt, %parallel_loop3A_647, %parallel_loop3A_639 : vector<16xf32>
        %parallel_loop3A_735 = arith.maximumf %parallel_loop3A_639, %parallel_loop3A_647 : vector<16xf32>
        %parallel_loop3A_736 = arith.select %parallel_loop3A_734, %parallel_loop3A_733, %parallel_loop3A_731 : vector<16xi1>, vector<16xi32>
        %parallel_loop3A_737 = arith.constant 14 : i32
        %parallel_loop3A_738 = vector.broadcast %parallel_loop3A_737 : i32 to vector<16xi32>
        %parallel_loop3A_739 = arith.constant 15 : i32
        %parallel_loop3A_740 = vector.broadcast %parallel_loop3A_739 : i32 to vector<16xi32>
        %parallel_loop3A_741 = arith.cmpf ogt, %parallel_loop3A_663, %parallel_loop3A_655 : vector<16xf32>
        %parallel_loop3A_742 = arith.maximumf %parallel_loop3A_655, %parallel_loop3A_663 : vector<16xf32>
        %parallel_loop3A_743 = arith.select %parallel_loop3A_741, %parallel_loop3A_740, %parallel_loop3A_738 : vector<16xi1>, vector<16xi32>
        %parallel_loop3A_744 = arith.constant 16 : i32
        %parallel_loop3A_745 = vector.broadcast %parallel_loop3A_744 : i32 to vector<16xi32>
        %parallel_loop3A_746 = arith.constant 17 : i32
        %parallel_loop3A_747 = vector.broadcast %parallel_loop3A_746 : i32 to vector<16xi32>
        %parallel_loop3A_748 = arith.cmpf ogt, %parallel_loop3A_679, %parallel_loop3A_671 : vector<16xf32>
        %parallel_loop3A_749 = arith.maximumf %parallel_loop3A_671, %parallel_loop3A_679 : vector<16xf32>
        %parallel_loop3A_750 = arith.select %parallel_loop3A_748, %parallel_loop3A_747, %parallel_loop3A_745 : vector<16xi1>, vector<16xi32>
        %parallel_loop3A_751 = arith.cmpf ogt, %parallel_loop3A_700, %parallel_loop3A_693 : vector<16xf32>
        %parallel_loop3A_752 = arith.maximumf %parallel_loop3A_693, %parallel_loop3A_700 : vector<16xf32>
        %parallel_loop3A_753 = arith.select %parallel_loop3A_751, %parallel_loop3A_701, %parallel_loop3A_694 : vector<16xi1>, vector<16xi32>
        %parallel_loop3A_754 = arith.cmpf ogt, %parallel_loop3A_714, %parallel_loop3A_707 : vector<16xf32>
        %parallel_loop3A_755 = arith.maximumf %parallel_loop3A_707, %parallel_loop3A_714 : vector<16xf32>
        %parallel_loop3A_756 = arith.select %parallel_loop3A_754, %parallel_loop3A_715, %parallel_loop3A_708 : vector<16xi1>, vector<16xi32>
        %parallel_loop3A_757 = arith.cmpf ogt, %parallel_loop3A_728, %parallel_loop3A_721 : vector<16xf32>
        %parallel_loop3A_758 = arith.maximumf %parallel_loop3A_721, %parallel_loop3A_728 : vector<16xf32>
        %parallel_loop3A_759 = arith.select %parallel_loop3A_757, %parallel_loop3A_729, %parallel_loop3A_722 : vector<16xi1>, vector<16xi32>
        %parallel_loop3A_760 = arith.cmpf ogt, %parallel_loop3A_742, %parallel_loop3A_735 : vector<16xf32>
        %parallel_loop3A_761 = arith.maximumf %parallel_loop3A_735, %parallel_loop3A_742 : vector<16xf32>
        %parallel_loop3A_762 = arith.select %parallel_loop3A_760, %parallel_loop3A_743, %parallel_loop3A_736 : vector<16xi1>, vector<16xi32>
        %parallel_loop3A_763 = arith.constant 18 : i32
        %parallel_loop3A_764 = vector.broadcast %parallel_loop3A_763 : i32 to vector<16xi32>
        %parallel_loop3A_765 = arith.cmpf ogt, %parallel_loop3A_687, %parallel_loop3A_749 : vector<16xf32>
        %parallel_loop3A_766 = arith.maximumf %parallel_loop3A_749, %parallel_loop3A_687 : vector<16xf32>
        %parallel_loop3A_767 = arith.select %parallel_loop3A_765, %parallel_loop3A_764, %parallel_loop3A_750 : vector<16xi1>, vector<16xi32>
        %parallel_loop3A_768 = arith.cmpf ogt, %parallel_loop3A_755, %parallel_loop3A_752 : vector<16xf32>
        %parallel_loop3A_769 = arith.maximumf %parallel_loop3A_752, %parallel_loop3A_755 : vector<16xf32>
        %parallel_loop3A_770 = arith.select %parallel_loop3A_768, %parallel_loop3A_756, %parallel_loop3A_753 : vector<16xi1>, vector<16xi32>
        %parallel_loop3A_771 = arith.cmpf ogt, %parallel_loop3A_761, %parallel_loop3A_758 : vector<16xf32>
        %parallel_loop3A_772 = arith.maximumf %parallel_loop3A_758, %parallel_loop3A_761 : vector<16xf32>
        %parallel_loop3A_773 = arith.select %parallel_loop3A_771, %parallel_loop3A_762, %parallel_loop3A_759 : vector<16xi1>, vector<16xi32>
        %parallel_loop3A_774 = arith.cmpf ogt, %parallel_loop3A_772, %parallel_loop3A_769 : vector<16xf32>
        %parallel_loop3A_775 = arith.maximumf %parallel_loop3A_769, %parallel_loop3A_772 : vector<16xf32>
        %parallel_loop3A_776 = arith.select %parallel_loop3A_774, %parallel_loop3A_773, %parallel_loop3A_770 : vector<16xi1>, vector<16xi32>
        %parallel_loop3A_777 = arith.cmpf ogt, %parallel_loop3A_766, %parallel_loop3A_775 : vector<16xf32>
        %parallel_loop3A_778 = arith.maximumf %parallel_loop3A_775, %parallel_loop3A_766 : vector<16xf32>
        %parallel_loop3A_779 = arith.select %parallel_loop3A_777, %parallel_loop3A_767, %parallel_loop3A_776 : vector<16xi1>, vector<16xi32>
        %parallel_loop3A_780 = arith.constant 16 : i32
        %parallel_loop3A_781 = vector.broadcast %parallel_loop3A_780 : i32 to vector<16xi32>
        %parallel_loop3A_782 = arith.cmpi slt, %parallel_loop3A_779, %parallel_loop3A_781 : vector<16xi32>
        %parallel_loop3A_783 = arith.constant 15 : i32
        %parallel_loop3A_784 = vector.broadcast %parallel_loop3A_783 : i32 to vector<16xi32>
        %parallel_loop3A_785 = arith.andi %parallel_loop3A_779, %parallel_loop3A_784 : vector<16xi32>
        %parallel_loop3A_786 = vector.shape_cast %parallel_loop3A_785 : vector<16xi32> to vector<16x1xi32>
        %parallel_loop3A_787 = vector.shape_cast %parallel_loop3A_786 : vector<16x1xi32> to vector<16xi32>
        %parallel_loop3A_788 = tpu.dynamic_gather %get3A_98[%parallel_loop3A_787] in [0] : vector<16xf32>, vector<16xi32> -> vector<16xf32>
        %parallel_loop3A_789 = vector.shape_cast %parallel_loop3A_785 : vector<16xi32> to vector<16x1xi32>
        %parallel_loop3A_790 = vector.shape_cast %parallel_loop3A_789 : vector<16x1xi32> to vector<16xi32>
        %parallel_loop3A_791 = tpu.dynamic_gather %get3A_103[%parallel_loop3A_790] in [0] : vector<16xf32>, vector<16xi32> -> vector<16xf32>
        %parallel_loop3A_792 = arith.select %parallel_loop3A_782, %parallel_loop3A_788, %parallel_loop3A_791 : vector<16xi1>, vector<16xf32>
        %parallel_loop3A_793 = vector.shape_cast %parallel_loop3A_785 : vector<16xi32> to vector<16x1xi32>
        %parallel_loop3A_794 = vector.shape_cast %parallel_loop3A_793 : vector<16x1xi32> to vector<16xi32>
        %parallel_loop3A_795 = tpu.dynamic_gather %get3A_108[%parallel_loop3A_794] in [0] : vector<16xf32>, vector<16xi32> -> vector<16xf32>
        %parallel_loop3A_796 = vector.shape_cast %parallel_loop3A_785 : vector<16xi32> to vector<16x1xi32>
        %parallel_loop3A_797 = vector.shape_cast %parallel_loop3A_796 : vector<16x1xi32> to vector<16xi32>
        %parallel_loop3A_798 = tpu.dynamic_gather %get3A_113[%parallel_loop3A_797] in [0] : vector<16xf32>, vector<16xi32> -> vector<16xf32>
        %parallel_loop3A_799 = arith.select %parallel_loop3A_782, %parallel_loop3A_795, %parallel_loop3A_798 : vector<16xi1>, vector<16xf32>
        %parallel_loop3A_800 = arith.subf %parallel_loop3A_778, %parallel_loop3A_792 : vector<16xf32>
        %parallel_loop3A_801 = arith.mulf %parallel_loop3A_800, %parallel_loop3A_799 : vector<16xf32>
        %parallel_loop3A_802 = arith.index_cast %parallel_loop3A_531 : i32 to index
        %parallel_loop3A_803 = arith.index_cast %parallel_loop3A_535 : i32 to index
        %parallel_loop3A_804 = tpu.vector_load %arg6[%parallel_loop3A_802, %parallel_loop3A_803] {strides = array<i32>} : memref<8x256xf32, #tpu.memory_space<vmem>>, vector<1x16xf32>,
        %parallel_loop3A_805 = vector.shape_cast %parallel_loop3A_804 : vector<1x16xf32> to vector<16xf32>
        %parallel_loop3A_806 = vector.shape_cast %parallel_loop3A_801 : vector<16xf32> to vector<1x16xf32>
        tpu.vector_store %arg6[%parallel_loop3A_802, %parallel_loop3A_803], %parallel_loop3A_806 {strides = array<i32>} : memref<8x256xf32, #tpu.memory_space<vmem>>, vector<1x16xf32>,
      } {sc.loop_unroll_factor = 4 : i64, sc.parallel_access}
      %mul3A_236 = arith.constant 16 : i32
      %mul3A_237 = arith.muli %add3A, %mul3A_236 : i32
      %add3A_238 = arith.addi %mul3A_237, %add3A_125 : i32
      %jit3A_239 = arith.constant 128 : i32
      %div3A_240 = arith.divsi %add3A_238, %jit3A_239 : i32
      %sign3A_241 = arith.constant 0 : i32
      %sign3A_242 = arith.cmpi sgt, %add3A_238, %sign3A_241 : i32
      %sign3A_243 = arith.extui %sign3A_242 : i1 to i32
      %sign3A_244 = arith.constant 0 : i32
      %sign3A_245 = arith.cmpi slt, %add3A_238, %sign3A_244 : i32
      %sign3A_246 = arith.extui %sign3A_245 : i1 to i32
      %sign3A_247 = arith.subi %sign3A_243, %sign3A_246 : i32
      %sign3A_248 = arith.constant 0 : i32
      %sign3A_249 = arith.cmpi sgt, %jit3A_239, %sign3A_248 : i32
      %sign3A_250 = arith.extui %sign3A_249 : i1 to i32
      %sign3A_251 = arith.constant 0 : i32
      %sign3A_252 = arith.cmpi slt, %jit3A_239, %sign3A_251 : i32
      %sign3A_253 = arith.extui %sign3A_252 : i1 to i32
      %sign3A_254 = arith.subi %sign3A_250, %sign3A_253 : i32
      %ne3A_255 = arith.cmpi ne, %sign3A_247, %sign3A_254 : i32
      %rem3A_256 = arith.remsi %add3A_238, %jit3A_239 : i32
      %ne3A_257 = arith.constant 0 : i32
      %ne3A_258 = arith.cmpi ne, %rem3A_256, %ne3A_257 : i32
      %and3A_259 = arith.andi %ne3A_255, %ne3A_258 : i1
      %sub3A_260 = arith.constant 1 : i32
      %sub3A_261 = arith.subi %div3A_240, %sub3A_260 : i32
      %select_n3A_262 = arith.select %and3A_259, %sub3A_261, %div3A_240 : i32
      %jit3A_263 = arith.constant 128 : i32
      %eq3A_264 = arith.constant 0 : i32
      %eq3A_265 = arith.cmpi eq, %jit3A_263, %eq3A_264 : i32
      %jit3A_266 = arith.constant 1 : i32
      %select_n3A_267 = arith.select %eq3A_265, %jit3A_266, %jit3A_263 : i32
      %rem3A_268 = arith.remsi %add3A_238, %select_n3A_267 : i32
      %ne3A_269 = arith.constant 0 : i32
      %ne3A_270 = arith.cmpi ne, %rem3A_268, %ne3A_269 : i32
      %lt3A_271 = arith.constant 0 : i32
      %lt3A_272 = arith.cmpi slt, %rem3A_268, %lt3A_271 : i32
      %lt3A_273 = arith.constant 0 : i32
      %lt3A_274 = arith.cmpi slt, %select_n3A_267, %lt3A_273 : i32
      %ne3A_275 = arith.xori %lt3A_272, %lt3A_274 : i1
      %and3A_276 = arith.andi %ne3A_275, %ne3A_270 : i1
      %add3A_277 = arith.addi %rem3A_268, %select_n3A_267 : i32
      %select_n3A_278 = arith.select %and3A_276, %add3A_277, %rem3A_268 : i32
      %jit3A_279 = arith.constant 2 : i32
      %div3A_280 = arith.divsi %select_n3A_278, %jit3A_279 : i32
      %sign3A_281 = arith.constant 0 : i32
      %sign3A_282 = arith.cmpi sgt, %select_n3A_278, %sign3A_281 : i32
      %sign3A_283 = arith.extui %sign3A_282 : i1 to i32
      %sign3A_284 = arith.constant 0 : i32
      %sign3A_285 = arith.cmpi slt, %select_n3A_278, %sign3A_284 : i32
      %sign3A_286 = arith.extui %sign3A_285 : i1 to i32
      %sign3A_287 = arith.subi %sign3A_283, %sign3A_286 : i32
      %sign3A_288 = arith.constant 0 : i32
      %sign3A_289 = arith.cmpi sgt, %jit3A_279, %sign3A_288 : i32
      %sign3A_290 = arith.extui %sign3A_289 : i1 to i32
      %sign3A_291 = arith.constant 0 : i32
      %sign3A_292 = arith.cmpi slt, %jit3A_279, %sign3A_291 : i32
      %sign3A_293 = arith.extui %sign3A_292 : i1 to i32
      %sign3A_294 = arith.subi %sign3A_290, %sign3A_293 : i32
      %ne3A_295 = arith.cmpi ne, %sign3A_287, %sign3A_294 : i32
      %rem3A_296 = arith.remsi %select_n3A_278, %jit3A_279 : i32
      %ne3A_297 = arith.constant 0 : i32
      %ne3A_298 = arith.cmpi ne, %rem3A_296, %ne3A_297 : i32
      %and3A_299 = arith.andi %ne3A_295, %ne3A_298 : i1
      %sub3A_300 = arith.constant 1 : i32
      %sub3A_301 = arith.subi %div3A_280, %sub3A_300 : i32
      %select_n3A_302 = arith.select %and3A_299, %sub3A_301, %div3A_280 : i32
      %mul3A_303 = arith.constant 8 : i32
      %mul3A_304 = arith.muli %select_n3A_302, %mul3A_303 : i32
      %jit3A_305 = arith.constant 2 : i32
      %eq3A_306 = arith.constant 0 : i32
      %eq3A_307 = arith.cmpi eq, %jit3A_305, %eq3A_306 : i32
      %jit3A_308 = arith.constant 1 : i32
      %select_n3A_309 = arith.select %eq3A_307, %jit3A_308, %jit3A_305 : i32
      %rem3A_310 = arith.remsi %select_n3A_278, %select_n3A_309 : i32
      %ne3A_311 = arith.constant 0 : i32
      %ne3A_312 = arith.cmpi ne, %rem3A_310, %ne3A_311 : i32
      %lt3A_313 = arith.constant 0 : i32
      %lt3A_314 = arith.cmpi slt, %rem3A_310, %lt3A_313 : i32
      %lt3A_315 = arith.constant 0 : i32
      %lt3A_316 = arith.cmpi slt, %select_n3A_309, %lt3A_315 : i32
      %ne3A_317 = arith.xori %lt3A_314, %lt3A_316 : i1
      %and3A_318 = arith.andi %ne3A_317, %ne3A_312 : i1
      %add3A_319 = arith.addi %rem3A_310, %select_n3A_309 : i32
      %select_n3A_320 = arith.select %and3A_318, %add3A_319, %rem3A_310 : i32
      %mul3A_321 = arith.constant 256 : i32
      %mul3A_322 = arith.muli %select_n3A_320, %mul3A_321 : i32
      "tpu.region"() ({
        %run_scoped3A = tpu.sem_alloc : memref<!tpu.dma_semaphore, #tpu.memory_space<semaphore_mem>>
        %dma_start3A_529 = tpu.memref_slice %arg4[%select_n3A_262, %mul3A_304, %mul3A_322] : memref<4x512x512xf32, #tpu.memory_space<hbm>> -> memref<1x8x256xf32, #tpu.memory_space<hbm>>
        %dma_start3A_530 = tpu.memref_squeeze %dma_start3A_529 : memref<1x8x256xf32, #tpu.memory_space<hbm>> -> memref<8x256xf32, #tpu.memory_space<hbm>>
        %dma_start3A_531 = tpu.memref_slice %arg4[%select_n3A_262, %mul3A_304, %mul3A_322] : memref<4x512x512xf32, #tpu.memory_space<hbm>> -> memref<1x8x256xf32, #tpu.memory_space<hbm>>
        %dma_start3A_532 = tpu.memref_squeeze %dma_start3A_531 : memref<1x8x256xf32, #tpu.memory_space<hbm>> -> memref<8x256xf32, #tpu.memory_space<hbm>>
        tpu.enqueue_dma source(%arg6 : memref<8x256xf32, #tpu.memory_space<vmem>>) target(%dma_start3A_532 : memref<8x256xf32, #tpu.memory_space<hbm>>) target_semaphore(%run_scoped3A : memref<!tpu.dma_semaphore, #tpu.memory_space<semaphore_mem>>)
        %dma_wait3A_533 = tpu.memref_slice %arg4[%select_n3A_262, %mul3A_304, %mul3A_322] : memref<4x512x512xf32, #tpu.memory_space<hbm>> -> memref<1x8x256xf32, #tpu.memory_space<hbm>>
        %dma_wait3A_534 = tpu.memref_squeeze %dma_wait3A_533 : memref<1x8x256xf32, #tpu.memory_space<hbm>> -> memref<8x256xf32, #tpu.memory_space<hbm>>
        %dma_wait3A_535 = tpu.memref_slice %arg4[%select_n3A_262, %mul3A_304, %mul3A_322] : memref<4x512x512xf32, #tpu.memory_space<hbm>> -> memref<1x8x256xf32, #tpu.memory_space<hbm>>
        %dma_wait3A_536 = tpu.memref_squeeze %dma_wait3A_535 : memref<1x8x256xf32, #tpu.memory_space<hbm>> -> memref<8x256xf32, #tpu.memory_space<hbm>>
        tpu.wait_dma2 semaphore(%run_scoped3A : memref<!tpu.dma_semaphore, #tpu.memory_space<semaphore_mem>>) src(%arg6 : memref<8x256xf32, #tpu.memory_space<vmem>>) dst(%dma_wait3A_536 : memref<8x256xf32, #tpu.memory_space<hbm>>)
        tpu.yield
      }) : () -> ()
      %mul3A_323 = arith.constant 2 : i32
      %mul3A_324 = arith.muli %scan3A_120, %mul3A_323 : i32
      %add3A_325 = arith.constant 1 : i32
      %add3A_326 = arith.addi %mul3A_324, %add3A_325 : i32
      %mul3A_327 = arith.constant 16 : i32
      %mul3A_328 = arith.muli %add3A, %mul3A_327 : i32
      %add3A_329 = arith.addi %mul3A_328, %add3A_326 : i32
      %jit3A_330 = arith.constant 128 : i32
      %div3A_331 = arith.divsi %add3A_329, %jit3A_330 : i32
      %sign3A_332 = arith.constant 0 : i32
      %sign3A_333 = arith.cmpi sgt, %add3A_329, %sign3A_332 : i32
      %sign3A_334 = arith.extui %sign3A_333 : i1 to i32
      %sign3A_335 = arith.constant 0 : i32
      %sign3A_336 = arith.cmpi slt, %add3A_329, %sign3A_335 : i32
      %sign3A_337 = arith.extui %sign3A_336 : i1 to i32
      %sign3A_338 = arith.subi %sign3A_334, %sign3A_337 : i32
      %sign3A_339 = arith.constant 0 : i32
      %sign3A_340 = arith.cmpi sgt, %jit3A_330, %sign3A_339 : i32
      %sign3A_341 = arith.extui %sign3A_340 : i1 to i32
      %sign3A_342 = arith.constant 0 : i32
      %sign3A_343 = arith.cmpi slt, %jit3A_330, %sign3A_342 : i32
      %sign3A_344 = arith.extui %sign3A_343 : i1 to i32
      %sign3A_345 = arith.subi %sign3A_341, %sign3A_344 : i32
      %ne3A_346 = arith.cmpi ne, %sign3A_338, %sign3A_345 : i32
      %rem3A_347 = arith.remsi %add3A_329, %jit3A_330 : i32
      %ne3A_348 = arith.constant 0 : i32
      %ne3A_349 = arith.cmpi ne, %rem3A_347, %ne3A_348 : i32
      %and3A_350 = arith.andi %ne3A_346, %ne3A_349 : i1
      %sub3A_351 = arith.constant 1 : i32
      %sub3A_352 = arith.subi %div3A_331, %sub3A_351 : i32
      %select_n3A_353 = arith.select %and3A_350, %sub3A_352, %div3A_331 : i32
      %jit3A_354 = arith.constant 128 : i32
      %eq3A_355 = arith.constant 0 : i32
      %eq3A_356 = arith.cmpi eq, %jit3A_354, %eq3A_355 : i32
      %jit3A_357 = arith.constant 1 : i32
      %select_n3A_358 = arith.select %eq3A_356, %jit3A_357, %jit3A_354 : i32
      %rem3A_359 = arith.remsi %add3A_329, %select_n3A_358 : i32
      %ne3A_360 = arith.constant 0 : i32
      %ne3A_361 = arith.cmpi ne, %rem3A_359, %ne3A_360 : i32
      %lt3A_362 = arith.constant 0 : i32
      %lt3A_363 = arith.cmpi slt, %rem3A_359, %lt3A_362 : i32
      %lt3A_364 = arith.constant 0 : i32
      %lt3A_365 = arith.cmpi slt, %select_n3A_358, %lt3A_364 : i32
      %ne3A_366 = arith.xori %lt3A_363, %lt3A_365 : i1
      %and3A_367 = arith.andi %ne3A_366, %ne3A_361 : i1
      %add3A_368 = arith.addi %rem3A_359, %select_n3A_358 : i32
      %select_n3A_369 = arith.select %and3A_367, %add3A_368, %rem3A_359 : i32
      %jit3A_370 = arith.constant 2 : i32
      %div3A_371 = arith.divsi %select_n3A_369, %jit3A_370 : i32
      %sign3A_372 = arith.constant 0 : i32
      %sign3A_373 = arith.cmpi sgt, %select_n3A_369, %sign3A_372 : i32
      %sign3A_374 = arith.extui %sign3A_373 : i1 to i32
      %sign3A_375 = arith.constant 0 : i32
      %sign3A_376 = arith.cmpi slt, %select_n3A_369, %sign3A_375 : i32
      %sign3A_377 = arith.extui %sign3A_376 : i1 to i32
      %sign3A_378 = arith.subi %sign3A_374, %sign3A_377 : i32
      %sign3A_379 = arith.constant 0 : i32
      %sign3A_380 = arith.cmpi sgt, %jit3A_370, %sign3A_379 : i32
      %sign3A_381 = arith.extui %sign3A_380 : i1 to i32
      %sign3A_382 = arith.constant 0 : i32
      %sign3A_383 = arith.cmpi slt, %jit3A_370, %sign3A_382 : i32
      %sign3A_384 = arith.extui %sign3A_383 : i1 to i32
      %sign3A_385 = arith.subi %sign3A_381, %sign3A_384 : i32
      %ne3A_386 = arith.cmpi ne, %sign3A_378, %sign3A_385 : i32
      %rem3A_387 = arith.remsi %select_n3A_369, %jit3A_370 : i32
      %ne3A_388 = arith.constant 0 : i32
      %ne3A_389 = arith.cmpi ne, %rem3A_387, %ne3A_388 : i32
      %and3A_390 = arith.andi %ne3A_386, %ne3A_389 : i1
      %sub3A_391 = arith.constant 1 : i32
      %sub3A_392 = arith.subi %div3A_371, %sub3A_391 : i32
      %select_n3A_393 = arith.select %and3A_390, %sub3A_392, %div3A_371 : i32
      %mul3A_394 = arith.constant 8 : i32
      %mul3A_395 = arith.muli %select_n3A_393, %mul3A_394 : i32
      %jit3A_396 = arith.constant 2 : i32
      %eq3A_397 = arith.constant 0 : i32
      %eq3A_398 = arith.cmpi eq, %jit3A_396, %eq3A_397 : i32
      %jit3A_399 = arith.constant 1 : i32
      %select_n3A_400 = arith.select %eq3A_398, %jit3A_399, %jit3A_396 : i32
      %rem3A_401 = arith.remsi %select_n3A_369, %select_n3A_400 : i32
      %ne3A_402 = arith.constant 0 : i32
      %ne3A_403 = arith.cmpi ne, %rem3A_401, %ne3A_402 : i32
      %lt3A_404 = arith.constant 0 : i32
      %lt3A_405 = arith.cmpi slt, %rem3A_401, %lt3A_404 : i32
      %lt3A_406 = arith.constant 0 : i32
      %lt3A_407 = arith.cmpi slt, %select_n3A_400, %lt3A_406 : i32
      %ne3A_408 = arith.xori %lt3A_405, %lt3A_407 : i1
      %and3A_409 = arith.andi %ne3A_408, %ne3A_403 : i1
      %add3A_410 = arith.addi %rem3A_401, %select_n3A_400 : i32
      %select_n3A_411 = arith.select %and3A_409, %add3A_410, %rem3A_401 : i32
      %mul3A_412 = arith.constant 256 : i32
      %mul3A_413 = arith.muli %select_n3A_411, %mul3A_412 : i32
      %dma_wait3A_414 = arith.constant 1 : i32
      %dma_wait3A_415 = arith.constant 0 : i32
      %dma_wait3A_416 = arith.constant 0 : i32
      %dma_wait3A_417 = arith.constant 0 : i32
      %dma_wait3A_418 = tpu.memref_slice %arg5[%dma_wait3A_414, %dma_wait3A_415, %dma_wait3A_416, %dma_wait3A_417] : memref<2x19x8x256xf32, #tpu.memory_space<vmem>> -> memref<1x19x8x256xf32, #tpu.memory_space<vmem>>
      %dma_wait3A_419 = tpu.memref_squeeze %dma_wait3A_418 : memref<1x19x8x256xf32, #tpu.memory_space<vmem>> -> memref<19x8x256xf32, #tpu.memory_space<vmem>>
      %dma_wait3A_420 = arith.constant 0 : i32
      %dma_wait3A_421 = tpu.memref_slice %arg2[%select_n3A_353, %dma_wait3A_420, %mul3A_395, %mul3A_413] : memref<8x19x512x512xf32, #tpu.memory_space<hbm>> -> memref<1x19x8x256xf32, #tpu.memory_space<hbm>>
      %dma_wait3A_422 = tpu.memref_squeeze %dma_wait3A_421 : memref<1x19x8x256xf32, #tpu.memory_space<hbm>> -> memref<19x8x256xf32, #tpu.memory_space<hbm>>
      %dma_wait3A_423 = arith.constant 0 : i32
      %dma_wait3A_424 = arith.constant 0 : i32
      %dma_wait3A_425 = arith.constant 0 : i32
      %dma_wait3A_426 = tpu.memref_slice %arg5[%dma_wait3A_414, %dma_wait3A_423, %dma_wait3A_424, %dma_wait3A_425] : memref<2x19x8x256xf32, #tpu.memory_space<vmem>> -> memref<1x19x8x256xf32, #tpu.memory_space<vmem>>
      %dma_wait3A_427 = tpu.memref_squeeze %dma_wait3A_426 : memref<1x19x8x256xf32, #tpu.memory_space<vmem>> -> memref<19x8x256xf32, #tpu.memory_space<vmem>>
      %dma_wait3A_428 = arith.constant 0 : i32
      %dma_wait3A_429 = tpu.memref_slice %arg2[%select_n3A_353, %dma_wait3A_428, %mul3A_395, %mul3A_413] : memref<8x19x512x512xf32, #tpu.memory_space<hbm>> -> memref<1x19x8x256xf32, #tpu.memory_space<hbm>>
      %dma_wait3A_430 = tpu.memref_squeeze %dma_wait3A_429 : memref<1x19x8x256xf32, #tpu.memory_space<hbm>> -> memref<19x8x256xf32, #tpu.memory_space<hbm>>
      tpu.wait_dma2 semaphore(%arg9 : memref<!tpu.dma_semaphore, #tpu.memory_space<semaphore_mem>>) src(%dma_wait3A_430 : memref<19x8x256xf32, #tpu.memory_space<hbm>>) dst(%dma_wait3A_427 : memref<19x8x256xf32, #tpu.memory_space<vmem>>)
      %add3A_431 = arith.constant 1 : i32
      %add3A_432 = arith.addi %add3A_326, %add3A_431 : i32
      %lt3A_433 = arith.constant 16 : i32
      %lt3A_434 = arith.cmpi slt, %add3A_432, %lt3A_433 : i32
      %convert_element_type3A_435 = arith.extui %lt3A_434 : i1 to i32
      %cond3A_436 = arith.constant 0 : i32
      %cond3A_437 = arith.cmpi ne, %convert_element_type3A_435, %cond3A_436 : i32
      scf.if %cond3A_437 {
        %add3A_529 = arith.constant 1 : i32
        %add3A_530 = arith.addi %add3A_326, %add3A_529 : i32
        %mul3A_531 = arith.constant 16 : i32
        %mul3A_532 = arith.muli %add3A, %mul3A_531 : i32
        %add3A_533 = arith.addi %mul3A_532, %add3A_530 : i32
        %jit3A_534 = arith.constant 128 : i32
        %div3A_535 = arith.divsi %add3A_533, %jit3A_534 : i32
        %sign3A_536 = arith.constant 0 : i32
        %sign3A_537 = arith.cmpi sgt, %add3A_533, %sign3A_536 : i32
        %sign3A_538 = arith.extui %sign3A_537 : i1 to i32
        %sign3A_539 = arith.constant 0 : i32
        %sign3A_540 = arith.cmpi slt, %add3A_533, %sign3A_539 : i32
        %sign3A_541 = arith.extui %sign3A_540 : i1 to i32
        %sign3A_542 = arith.subi %sign3A_538, %sign3A_541 : i32
        %sign3A_543 = arith.constant 0 : i32
        %sign3A_544 = arith.cmpi sgt, %jit3A_534, %sign3A_543 : i32
        %sign3A_545 = arith.extui %sign3A_544 : i1 to i32
        %sign3A_546 = arith.constant 0 : i32
        %sign3A_547 = arith.cmpi slt, %jit3A_534, %sign3A_546 : i32
        %sign3A_548 = arith.extui %sign3A_547 : i1 to i32
        %sign3A_549 = arith.subi %sign3A_545, %sign3A_548 : i32
        %ne3A_550 = arith.cmpi ne, %sign3A_542, %sign3A_549 : i32
        %rem3A_551 = arith.remsi %add3A_533, %jit3A_534 : i32
        %ne3A_552 = arith.constant 0 : i32
        %ne3A_553 = arith.cmpi ne, %rem3A_551, %ne3A_552 : i32
        %and3A_554 = arith.andi %ne3A_550, %ne3A_553 : i1
        %sub3A_555 = arith.constant 1 : i32
        %sub3A_556 = arith.subi %div3A_535, %sub3A_555 : i32
        %select_n3A_557 = arith.select %and3A_554, %sub3A_556, %div3A_535 : i32
        %jit3A_558 = arith.constant 128 : i32
        %eq3A_559 = arith.constant 0 : i32
        %eq3A_560 = arith.cmpi eq, %jit3A_558, %eq3A_559 : i32
        %jit3A_561 = arith.constant 1 : i32
        %select_n3A_562 = arith.select %eq3A_560, %jit3A_561, %jit3A_558 : i32
        %rem3A_563 = arith.remsi %add3A_533, %select_n3A_562 : i32
        %ne3A_564 = arith.constant 0 : i32
        %ne3A_565 = arith.cmpi ne, %rem3A_563, %ne3A_564 : i32
        %lt3A_566 = arith.constant 0 : i32
        %lt3A_567 = arith.cmpi slt, %rem3A_563, %lt3A_566 : i32
        %lt3A_568 = arith.constant 0 : i32
        %lt3A_569 = arith.cmpi slt, %select_n3A_562, %lt3A_568 : i32
        %ne3A_570 = arith.xori %lt3A_567, %lt3A_569 : i1
        %and3A_571 = arith.andi %ne3A_570, %ne3A_565 : i1
        %add3A_572 = arith.addi %rem3A_563, %select_n3A_562 : i32
        %select_n3A_573 = arith.select %and3A_571, %add3A_572, %rem3A_563 : i32
        %jit3A_574 = arith.constant 2 : i32
        %div3A_575 = arith.divsi %select_n3A_573, %jit3A_574 : i32
        %sign3A_576 = arith.constant 0 : i32
        %sign3A_577 = arith.cmpi sgt, %select_n3A_573, %sign3A_576 : i32
        %sign3A_578 = arith.extui %sign3A_577 : i1 to i32
        %sign3A_579 = arith.constant 0 : i32
        %sign3A_580 = arith.cmpi slt, %select_n3A_573, %sign3A_579 : i32
        %sign3A_581 = arith.extui %sign3A_580 : i1 to i32
        %sign3A_582 = arith.subi %sign3A_578, %sign3A_581 : i32
        %sign3A_583 = arith.constant 0 : i32
        %sign3A_584 = arith.cmpi sgt, %jit3A_574, %sign3A_583 : i32
        %sign3A_585 = arith.extui %sign3A_584 : i1 to i32
        %sign3A_586 = arith.constant 0 : i32
        %sign3A_587 = arith.cmpi slt, %jit3A_574, %sign3A_586 : i32
        %sign3A_588 = arith.extui %sign3A_587 : i1 to i32
        %sign3A_589 = arith.subi %sign3A_585, %sign3A_588 : i32
        %ne3A_590 = arith.cmpi ne, %sign3A_582, %sign3A_589 : i32
        %rem3A_591 = arith.remsi %select_n3A_573, %jit3A_574 : i32
        %ne3A_592 = arith.constant 0 : i32
        %ne3A_593 = arith.cmpi ne, %rem3A_591, %ne3A_592 : i32
        %and3A_594 = arith.andi %ne3A_590, %ne3A_593 : i1
        %sub3A_595 = arith.constant 1 : i32
        %sub3A_596 = arith.subi %div3A_575, %sub3A_595 : i32
        %select_n3A_597 = arith.select %and3A_594, %sub3A_596, %div3A_575 : i32
        %mul3A_598 = arith.constant 8 : i32
        %mul3A_599 = arith.muli %select_n3A_597, %mul3A_598 : i32
        %jit3A_600 = arith.constant 2 : i32
        %eq3A_601 = arith.constant 0 : i32
        %eq3A_602 = arith.cmpi eq, %jit3A_600, %eq3A_601 : i32
        %jit3A_603 = arith.constant 1 : i32
        %select_n3A_604 = arith.select %eq3A_602, %jit3A_603, %jit3A_600 : i32
        %rem3A_605 = arith.remsi %select_n3A_573, %select_n3A_604 : i32
        %ne3A_606 = arith.constant 0 : i32
        %ne3A_607 = arith.cmpi ne, %rem3A_605, %ne3A_606 : i32
        %lt3A_608 = arith.constant 0 : i32
        %lt3A_609 = arith.cmpi slt, %rem3A_605, %lt3A_608 : i32
        %lt3A_610 = arith.constant 0 : i32
        %lt3A_611 = arith.cmpi slt, %select_n3A_604, %lt3A_610 : i32
        %ne3A_612 = arith.xori %lt3A_609, %lt3A_611 : i1
        %and3A_613 = arith.andi %ne3A_612, %ne3A_607 : i1
        %add3A_614 = arith.addi %rem3A_605, %select_n3A_604 : i32
        %select_n3A_615 = arith.select %and3A_613, %add3A_614, %rem3A_605 : i32
        %mul3A_616 = arith.constant 256 : i32
        %mul3A_617 = arith.muli %select_n3A_615, %mul3A_616 : i32
        %dma_start3A_618 = arith.constant 0 : i32
        %dma_start3A_619 = arith.constant 0 : i32
        %dma_start3A_620 = arith.constant 0 : i32
        %dma_start3A_621 = arith.constant 0 : i32
        %dma_start3A_622 = tpu.memref_slice %arg5[%dma_start3A_618, %dma_start3A_619, %dma_start3A_620, %dma_start3A_621] : memref<2x19x8x256xf32, #tpu.memory_space<vmem>> -> memref<1x19x8x256xf32, #tpu.memory_space<vmem>>
        %dma_start3A_623 = tpu.memref_squeeze %dma_start3A_622 : memref<1x19x8x256xf32, #tpu.memory_space<vmem>> -> memref<19x8x256xf32, #tpu.memory_space<vmem>>
        %dma_start3A_624 = arith.constant 0 : i32
        %dma_start3A_625 = tpu.memref_slice %arg2[%select_n3A_557, %dma_start3A_624, %mul3A_599, %mul3A_617] : memref<8x19x512x512xf32, #tpu.memory_space<hbm>> -> memref<1x19x8x256xf32, #tpu.memory_space<hbm>>
        %dma_start3A_626 = tpu.memref_squeeze %dma_start3A_625 : memref<1x19x8x256xf32, #tpu.memory_space<hbm>> -> memref<19x8x256xf32, #tpu.memory_space<hbm>>
        %dma_start3A_627 = arith.constant 0 : i32
        %dma_start3A_628 = arith.constant 0 : i32
        %dma_start3A_629 = arith.constant 0 : i32
        %dma_start3A_630 = tpu.memref_slice %arg5[%dma_start3A_618, %dma_start3A_627, %dma_start3A_628, %dma_start3A_629] : memref<2x19x8x256xf32, #tpu.memory_space<vmem>> -> memref<1x19x8x256xf32, #tpu.memory_space<vmem>>
        %dma_start3A_631 = tpu.memref_squeeze %dma_start3A_630 : memref<1x19x8x256xf32, #tpu.memory_space<vmem>> -> memref<19x8x256xf32, #tpu.memory_space<vmem>>
        %dma_start3A_632 = arith.constant 0 : i32
        %dma_start3A_633 = tpu.memref_slice %arg2[%select_n3A_557, %dma_start3A_632, %mul3A_599, %mul3A_617] : memref<8x19x512x512xf32, #tpu.memory_space<hbm>> -> memref<1x19x8x256xf32, #tpu.memory_space<hbm>>
        %dma_start3A_634 = tpu.memref_squeeze %dma_start3A_633 : memref<1x19x8x256xf32, #tpu.memory_space<hbm>> -> memref<19x8x256xf32, #tpu.memory_space<hbm>>
        tpu.enqueue_dma source(%dma_start3A_634 : memref<19x8x256xf32, #tpu.memory_space<hbm>>) target(%dma_start3A_631 : memref<19x8x256xf32, #tpu.memory_space<vmem>>) target_semaphore(%arg8 : memref<!tpu.dma_semaphore, #tpu.memory_space<semaphore_mem>>)
      } else {
      }
      %parallel_loop3A_438 = arith.constant 0 : i32
      %parallel_loop3A_439 = arith.constant 128 : i32
      %parallel_loop3A_440 = arith.constant 1 : i32
      scf.for %parallel_loop3A_529 = %parallel_loop3A_438 to %parallel_loop3A_439 step %parallel_loop3A_440  : i32 {
        %parallel_loop3A_530 = arith.constant 4 : i32
        %parallel_loop3A_531 = arith.shrsi %parallel_loop3A_529, %parallel_loop3A_530 : i32
        %parallel_loop3A_532 = arith.constant 15 : i32
        %parallel_loop3A_533 = arith.andi %parallel_loop3A_529, %parallel_loop3A_532 : i32
        %parallel_loop3A_534 = arith.constant 16 : i32
        %parallel_loop3A_535 = arith.muli %parallel_loop3A_533, %parallel_loop3A_534 : i32
        %parallel_loop3A_536 = arith.constant 1 : i32
        %parallel_loop3A_537 = arith.constant 0 : i32
        %parallel_loop3A_538 = arith.index_cast %parallel_loop3A_536 : i32 to index
        %parallel_loop3A_539 = arith.index_cast %parallel_loop3A_537 : i32 to index
        %parallel_loop3A_540 = arith.index_cast %parallel_loop3A_531 : i32 to index
        %parallel_loop3A_541 = arith.index_cast %parallel_loop3A_535 : i32 to index
        %parallel_loop3A_542 = tpu.vector_load %arg5[%parallel_loop3A_538, %parallel_loop3A_539, %parallel_loop3A_540, %parallel_loop3A_541] {strides = array<i32>} : memref<2x19x8x256xf32, #tpu.memory_space<vmem>>, vector<1x1x1x16xf32>,
        %parallel_loop3A_543 = vector.shape_cast %parallel_loop3A_542 : vector<1x1x1x16xf32> to vector<16xf32>
        %parallel_loop3A_544 = arith.constant 1 : i32
        %parallel_loop3A_545 = arith.constant 1 : i32
        %parallel_loop3A_546 = arith.index_cast %parallel_loop3A_544 : i32 to index
        %parallel_loop3A_547 = arith.index_cast %parallel_loop3A_545 : i32 to index
        %parallel_loop3A_548 = arith.index_cast %parallel_loop3A_531 : i32 to index
        %parallel_loop3A_549 = arith.index_cast %parallel_loop3A_535 : i32 to index
        %parallel_loop3A_550 = tpu.vector_load %arg5[%parallel_loop3A_546, %parallel_loop3A_547, %parallel_loop3A_548, %parallel_loop3A_549] {strides = array<i32>} : memref<2x19x8x256xf32, #tpu.memory_space<vmem>>, vector<1x1x1x16xf32>,
        %parallel_loop3A_551 = vector.shape_cast %parallel_loop3A_550 : vector<1x1x1x16xf32> to vector<16xf32>
        %parallel_loop3A_552 = arith.constant 1 : i32
        %parallel_loop3A_553 = arith.constant 2 : i32
        %parallel_loop3A_554 = arith.index_cast %parallel_loop3A_552 : i32 to index
        %parallel_loop3A_555 = arith.index_cast %parallel_loop3A_553 : i32 to index
        %parallel_loop3A_556 = arith.index_cast %parallel_loop3A_531 : i32 to index
        %parallel_loop3A_557 = arith.index_cast %parallel_loop3A_535 : i32 to index
        %parallel_loop3A_558 = tpu.vector_load %arg5[%parallel_loop3A_554, %parallel_loop3A_555, %parallel_loop3A_556, %parallel_loop3A_557] {strides = array<i32>} : memref<2x19x8x256xf32, #tpu.memory_space<vmem>>, vector<1x1x1x16xf32>,
        %parallel_loop3A_559 = vector.shape_cast %parallel_loop3A_558 : vector<1x1x1x16xf32> to vector<16xf32>
        %parallel_loop3A_560 = arith.constant 1 : i32
        %parallel_loop3A_561 = arith.constant 3 : i32
        %parallel_loop3A_562 = arith.index_cast %parallel_loop3A_560 : i32 to index
        %parallel_loop3A_563 = arith.index_cast %parallel_loop3A_561 : i32 to index
        %parallel_loop3A_564 = arith.index_cast %parallel_loop3A_531 : i32 to index
        %parallel_loop3A_565 = arith.index_cast %parallel_loop3A_535 : i32 to index
        %parallel_loop3A_566 = tpu.vector_load %arg5[%parallel_loop3A_562, %parallel_loop3A_563, %parallel_loop3A_564, %parallel_loop3A_565] {strides = array<i32>} : memref<2x19x8x256xf32, #tpu.memory_space<vmem>>, vector<1x1x1x16xf32>,
        %parallel_loop3A_567 = vector.shape_cast %parallel_loop3A_566 : vector<1x1x1x16xf32> to vector<16xf32>
        %parallel_loop3A_568 = arith.constant 1 : i32
        %parallel_loop3A_569 = arith.constant 4 : i32
        %parallel_loop3A_570 = arith.index_cast %parallel_loop3A_568 : i32 to index
        %parallel_loop3A_571 = arith.index_cast %parallel_loop3A_569 : i32 to index
        %parallel_loop3A_572 = arith.index_cast %parallel_loop3A_531 : i32 to index
        %parallel_loop3A_573 = arith.index_cast %parallel_loop3A_535 : i32 to index
        %parallel_loop3A_574 = tpu.vector_load %arg5[%parallel_loop3A_570, %parallel_loop3A_571, %parallel_loop3A_572, %parallel_loop3A_573] {strides = array<i32>} : memref<2x19x8x256xf32, #tpu.memory_space<vmem>>, vector<1x1x1x16xf32>,
        %parallel_loop3A_575 = vector.shape_cast %parallel_loop3A_574 : vector<1x1x1x16xf32> to vector<16xf32>
        %parallel_loop3A_576 = arith.constant 1 : i32
        %parallel_loop3A_577 = arith.constant 5 : i32
        %parallel_loop3A_578 = arith.index_cast %parallel_loop3A_576 : i32 to index
        %parallel_loop3A_579 = arith.index_cast %parallel_loop3A_577 : i32 to index
        %parallel_loop3A_580 = arith.index_cast %parallel_loop3A_531 : i32 to index
        %parallel_loop3A_581 = arith.index_cast %parallel_loop3A_535 : i32 to index
        %parallel_loop3A_582 = tpu.vector_load %arg5[%parallel_loop3A_578, %parallel_loop3A_579, %parallel_loop3A_580, %parallel_loop3A_581] {strides = array<i32>} : memref<2x19x8x256xf32, #tpu.memory_space<vmem>>, vector<1x1x1x16xf32>,
        %parallel_loop3A_583 = vector.shape_cast %parallel_loop3A_582 : vector<1x1x1x16xf32> to vector<16xf32>
        %parallel_loop3A_584 = arith.constant 1 : i32
        %parallel_loop3A_585 = arith.constant 6 : i32
        %parallel_loop3A_586 = arith.index_cast %parallel_loop3A_584 : i32 to index
        %parallel_loop3A_587 = arith.index_cast %parallel_loop3A_585 : i32 to index
        %parallel_loop3A_588 = arith.index_cast %parallel_loop3A_531 : i32 to index
        %parallel_loop3A_589 = arith.index_cast %parallel_loop3A_535 : i32 to index
        %parallel_loop3A_590 = tpu.vector_load %arg5[%parallel_loop3A_586, %parallel_loop3A_587, %parallel_loop3A_588, %parallel_loop3A_589] {strides = array<i32>} : memref<2x19x8x256xf32, #tpu.memory_space<vmem>>, vector<1x1x1x16xf32>,
        %parallel_loop3A_591 = vector.shape_cast %parallel_loop3A_590 : vector<1x1x1x16xf32> to vector<16xf32>
        %parallel_loop3A_592 = arith.constant 1 : i32
        %parallel_loop3A_593 = arith.constant 7 : i32
        %parallel_loop3A_594 = arith.index_cast %parallel_loop3A_592 : i32 to index
        %parallel_loop3A_595 = arith.index_cast %parallel_loop3A_593 : i32 to index
        %parallel_loop3A_596 = arith.index_cast %parallel_loop3A_531 : i32 to index
        %parallel_loop3A_597 = arith.index_cast %parallel_loop3A_535 : i32 to index
        %parallel_loop3A_598 = tpu.vector_load %arg5[%parallel_loop3A_594, %parallel_loop3A_595, %parallel_loop3A_596, %parallel_loop3A_597] {strides = array<i32>} : memref<2x19x8x256xf32, #tpu.memory_space<vmem>>, vector<1x1x1x16xf32>,
        %parallel_loop3A_599 = vector.shape_cast %parallel_loop3A_598 : vector<1x1x1x16xf32> to vector<16xf32>
        %parallel_loop3A_600 = arith.constant 1 : i32
        %parallel_loop3A_601 = arith.constant 8 : i32
        %parallel_loop3A_602 = arith.index_cast %parallel_loop3A_600 : i32 to index
        %parallel_loop3A_603 = arith.index_cast %parallel_loop3A_601 : i32 to index
        %parallel_loop3A_604 = arith.index_cast %parallel_loop3A_531 : i32 to index
        %parallel_loop3A_605 = arith.index_cast %parallel_loop3A_535 : i32 to index
        %parallel_loop3A_606 = tpu.vector_load %arg5[%parallel_loop3A_602, %parallel_loop3A_603, %parallel_loop3A_604, %parallel_loop3A_605] {strides = array<i32>} : memref<2x19x8x256xf32, #tpu.memory_space<vmem>>, vector<1x1x1x16xf32>,
        %parallel_loop3A_607 = vector.shape_cast %parallel_loop3A_606 : vector<1x1x1x16xf32> to vector<16xf32>
        %parallel_loop3A_608 = arith.constant 1 : i32
        %parallel_loop3A_609 = arith.constant 9 : i32
        %parallel_loop3A_610 = arith.index_cast %parallel_loop3A_608 : i32 to index
        %parallel_loop3A_611 = arith.index_cast %parallel_loop3A_609 : i32 to index
        %parallel_loop3A_612 = arith.index_cast %parallel_loop3A_531 : i32 to index
        %parallel_loop3A_613 = arith.index_cast %parallel_loop3A_535 : i32 to index
        %parallel_loop3A_614 = tpu.vector_load %arg5[%parallel_loop3A_610, %parallel_loop3A_611, %parallel_loop3A_612, %parallel_loop3A_613] {strides = array<i32>} : memref<2x19x8x256xf32, #tpu.memory_space<vmem>>, vector<1x1x1x16xf32>,
        %parallel_loop3A_615 = vector.shape_cast %parallel_loop3A_614 : vector<1x1x1x16xf32> to vector<16xf32>
        %parallel_loop3A_616 = arith.constant 1 : i32
        %parallel_loop3A_617 = arith.constant 10 : i32
        %parallel_loop3A_618 = arith.index_cast %parallel_loop3A_616 : i32 to index
        %parallel_loop3A_619 = arith.index_cast %parallel_loop3A_617 : i32 to index
        %parallel_loop3A_620 = arith.index_cast %parallel_loop3A_531 : i32 to index
        %parallel_loop3A_621 = arith.index_cast %parallel_loop3A_535 : i32 to index
        %parallel_loop3A_622 = tpu.vector_load %arg5[%parallel_loop3A_618, %parallel_loop3A_619, %parallel_loop3A_620, %parallel_loop3A_621] {strides = array<i32>} : memref<2x19x8x256xf32, #tpu.memory_space<vmem>>, vector<1x1x1x16xf32>,
        %parallel_loop3A_623 = vector.shape_cast %parallel_loop3A_622 : vector<1x1x1x16xf32> to vector<16xf32>
        %parallel_loop3A_624 = arith.constant 1 : i32
        %parallel_loop3A_625 = arith.constant 11 : i32
        %parallel_loop3A_626 = arith.index_cast %parallel_loop3A_624 : i32 to index
        %parallel_loop3A_627 = arith.index_cast %parallel_loop3A_625 : i32 to index
        %parallel_loop3A_628 = arith.index_cast %parallel_loop3A_531 : i32 to index
        %parallel_loop3A_629 = arith.index_cast %parallel_loop3A_535 : i32 to index
        %parallel_loop3A_630 = tpu.vector_load %arg5[%parallel_loop3A_626, %parallel_loop3A_627, %parallel_loop3A_628, %parallel_loop3A_629] {strides = array<i32>} : memref<2x19x8x256xf32, #tpu.memory_space<vmem>>, vector<1x1x1x16xf32>,
        %parallel_loop3A_631 = vector.shape_cast %parallel_loop3A_630 : vector<1x1x1x16xf32> to vector<16xf32>
        %parallel_loop3A_632 = arith.constant 1 : i32
        %parallel_loop3A_633 = arith.constant 12 : i32
        %parallel_loop3A_634 = arith.index_cast %parallel_loop3A_632 : i32 to index
        %parallel_loop3A_635 = arith.index_cast %parallel_loop3A_633 : i32 to index
        %parallel_loop3A_636 = arith.index_cast %parallel_loop3A_531 : i32 to index
        %parallel_loop3A_637 = arith.index_cast %parallel_loop3A_535 : i32 to index
        %parallel_loop3A_638 = tpu.vector_load %arg5[%parallel_loop3A_634, %parallel_loop3A_635, %parallel_loop3A_636, %parallel_loop3A_637] {strides = array<i32>} : memref<2x19x8x256xf32, #tpu.memory_space<vmem>>, vector<1x1x1x16xf32>,
        %parallel_loop3A_639 = vector.shape_cast %parallel_loop3A_638 : vector<1x1x1x16xf32> to vector<16xf32>
        %parallel_loop3A_640 = arith.constant 1 : i32
        %parallel_loop3A_641 = arith.constant 13 : i32
        %parallel_loop3A_642 = arith.index_cast %parallel_loop3A_640 : i32 to index
        %parallel_loop3A_643 = arith.index_cast %parallel_loop3A_641 : i32 to index
        %parallel_loop3A_644 = arith.index_cast %parallel_loop3A_531 : i32 to index
        %parallel_loop3A_645 = arith.index_cast %parallel_loop3A_535 : i32 to index
        %parallel_loop3A_646 = tpu.vector_load %arg5[%parallel_loop3A_642, %parallel_loop3A_643, %parallel_loop3A_644, %parallel_loop3A_645] {strides = array<i32>} : memref<2x19x8x256xf32, #tpu.memory_space<vmem>>, vector<1x1x1x16xf32>,
        %parallel_loop3A_647 = vector.shape_cast %parallel_loop3A_646 : vector<1x1x1x16xf32> to vector<16xf32>
        %parallel_loop3A_648 = arith.constant 1 : i32
        %parallel_loop3A_649 = arith.constant 14 : i32
        %parallel_loop3A_650 = arith.index_cast %parallel_loop3A_648 : i32 to index
        %parallel_loop3A_651 = arith.index_cast %parallel_loop3A_649 : i32 to index
        %parallel_loop3A_652 = arith.index_cast %parallel_loop3A_531 : i32 to index
        %parallel_loop3A_653 = arith.index_cast %parallel_loop3A_535 : i32 to index
        %parallel_loop3A_654 = tpu.vector_load %arg5[%parallel_loop3A_650, %parallel_loop3A_651, %parallel_loop3A_652, %parallel_loop3A_653] {strides = array<i32>} : memref<2x19x8x256xf32, #tpu.memory_space<vmem>>, vector<1x1x1x16xf32>,
        %parallel_loop3A_655 = vector.shape_cast %parallel_loop3A_654 : vector<1x1x1x16xf32> to vector<16xf32>
        %parallel_loop3A_656 = arith.constant 1 : i32
        %parallel_loop3A_657 = arith.constant 15 : i32
        %parallel_loop3A_658 = arith.index_cast %parallel_loop3A_656 : i32 to index
        %parallel_loop3A_659 = arith.index_cast %parallel_loop3A_657 : i32 to index
        %parallel_loop3A_660 = arith.index_cast %parallel_loop3A_531 : i32 to index
        %parallel_loop3A_661 = arith.index_cast %parallel_loop3A_535 : i32 to index
        %parallel_loop3A_662 = tpu.vector_load %arg5[%parallel_loop3A_658, %parallel_loop3A_659, %parallel_loop3A_660, %parallel_loop3A_661] {strides = array<i32>} : memref<2x19x8x256xf32, #tpu.memory_space<vmem>>, vector<1x1x1x16xf32>,
        %parallel_loop3A_663 = vector.shape_cast %parallel_loop3A_662 : vector<1x1x1x16xf32> to vector<16xf32>
        %parallel_loop3A_664 = arith.constant 1 : i32
        %parallel_loop3A_665 = arith.constant 16 : i32
        %parallel_loop3A_666 = arith.index_cast %parallel_loop3A_664 : i32 to index
        %parallel_loop3A_667 = arith.index_cast %parallel_loop3A_665 : i32 to index
        %parallel_loop3A_668 = arith.index_cast %parallel_loop3A_531 : i32 to index
        %parallel_loop3A_669 = arith.index_cast %parallel_loop3A_535 : i32 to index
        %parallel_loop3A_670 = tpu.vector_load %arg5[%parallel_loop3A_666, %parallel_loop3A_667, %parallel_loop3A_668, %parallel_loop3A_669] {strides = array<i32>} : memref<2x19x8x256xf32, #tpu.memory_space<vmem>>, vector<1x1x1x16xf32>,
        %parallel_loop3A_671 = vector.shape_cast %parallel_loop3A_670 : vector<1x1x1x16xf32> to vector<16xf32>
        %parallel_loop3A_672 = arith.constant 1 : i32
        %parallel_loop3A_673 = arith.constant 17 : i32
        %parallel_loop3A_674 = arith.index_cast %parallel_loop3A_672 : i32 to index
        %parallel_loop3A_675 = arith.index_cast %parallel_loop3A_673 : i32 to index
        %parallel_loop3A_676 = arith.index_cast %parallel_loop3A_531 : i32 to index
        %parallel_loop3A_677 = arith.index_cast %parallel_loop3A_535 : i32 to index
        %parallel_loop3A_678 = tpu.vector_load %arg5[%parallel_loop3A_674, %parallel_loop3A_675, %parallel_loop3A_676, %parallel_loop3A_677] {strides = array<i32>} : memref<2x19x8x256xf32, #tpu.memory_space<vmem>>, vector<1x1x1x16xf32>,
        %parallel_loop3A_679 = vector.shape_cast %parallel_loop3A_678 : vector<1x1x1x16xf32> to vector<16xf32>
        %parallel_loop3A_680 = arith.constant 1 : i32
        %parallel_loop3A_681 = arith.constant 18 : i32
        %parallel_loop3A_682 = arith.index_cast %parallel_loop3A_680 : i32 to index
        %parallel_loop3A_683 = arith.index_cast %parallel_loop3A_681 : i32 to index
        %parallel_loop3A_684 = arith.index_cast %parallel_loop3A_531 : i32 to index
        %parallel_loop3A_685 = arith.index_cast %parallel_loop3A_535 : i32 to index
        %parallel_loop3A_686 = tpu.vector_load %arg5[%parallel_loop3A_682, %parallel_loop3A_683, %parallel_loop3A_684, %parallel_loop3A_685] {strides = array<i32>} : memref<2x19x8x256xf32, #tpu.memory_space<vmem>>, vector<1x1x1x16xf32>,
        %parallel_loop3A_687 = vector.shape_cast %parallel_loop3A_686 : vector<1x1x1x16xf32> to vector<16xf32>
        %parallel_loop3A_688 = arith.constant 0 : i32
        %parallel_loop3A_689 = vector.broadcast %parallel_loop3A_688 : i32 to vector<16xi32>
        %parallel_loop3A_690 = arith.constant 1 : i32
        %parallel_loop3A_691 = vector.broadcast %parallel_loop3A_690 : i32 to vector<16xi32>
        %parallel_loop3A_692 = arith.cmpf ogt, %parallel_loop3A_551, %parallel_loop3A_543 : vector<16xf32>
        %parallel_loop3A_693 = arith.maximumf %parallel_loop3A_543, %parallel_loop3A_551 : vector<16xf32>
        %parallel_loop3A_694 = arith.select %parallel_loop3A_692, %parallel_loop3A_691, %parallel_loop3A_689 : vector<16xi1>, vector<16xi32>
        %parallel_loop3A_695 = arith.constant 2 : i32
        %parallel_loop3A_696 = vector.broadcast %parallel_loop3A_695 : i32 to vector<16xi32>
        %parallel_loop3A_697 = arith.constant 3 : i32
        %parallel_loop3A_698 = vector.broadcast %parallel_loop3A_697 : i32 to vector<16xi32>
        %parallel_loop3A_699 = arith.cmpf ogt, %parallel_loop3A_567, %parallel_loop3A_559 : vector<16xf32>
        %parallel_loop3A_700 = arith.maximumf %parallel_loop3A_559, %parallel_loop3A_567 : vector<16xf32>
        %parallel_loop3A_701 = arith.select %parallel_loop3A_699, %parallel_loop3A_698, %parallel_loop3A_696 : vector<16xi1>, vector<16xi32>
        %parallel_loop3A_702 = arith.constant 4 : i32
        %parallel_loop3A_703 = vector.broadcast %parallel_loop3A_702 : i32 to vector<16xi32>
        %parallel_loop3A_704 = arith.constant 5 : i32
        %parallel_loop3A_705 = vector.broadcast %parallel_loop3A_704 : i32 to vector<16xi32>
        %parallel_loop3A_706 = arith.cmpf ogt, %parallel_loop3A_583, %parallel_loop3A_575 : vector<16xf32>
        %parallel_loop3A_707 = arith.maximumf %parallel_loop3A_575, %parallel_loop3A_583 : vector<16xf32>
        %parallel_loop3A_708 = arith.select %parallel_loop3A_706, %parallel_loop3A_705, %parallel_loop3A_703 : vector<16xi1>, vector<16xi32>
        %parallel_loop3A_709 = arith.constant 6 : i32
        %parallel_loop3A_710 = vector.broadcast %parallel_loop3A_709 : i32 to vector<16xi32>
        %parallel_loop3A_711 = arith.constant 7 : i32
        %parallel_loop3A_712 = vector.broadcast %parallel_loop3A_711 : i32 to vector<16xi32>
        %parallel_loop3A_713 = arith.cmpf ogt, %parallel_loop3A_599, %parallel_loop3A_591 : vector<16xf32>
        %parallel_loop3A_714 = arith.maximumf %parallel_loop3A_591, %parallel_loop3A_599 : vector<16xf32>
        %parallel_loop3A_715 = arith.select %parallel_loop3A_713, %parallel_loop3A_712, %parallel_loop3A_710 : vector<16xi1>, vector<16xi32>
        %parallel_loop3A_716 = arith.constant 8 : i32
        %parallel_loop3A_717 = vector.broadcast %parallel_loop3A_716 : i32 to vector<16xi32>
        %parallel_loop3A_718 = arith.constant 9 : i32
        %parallel_loop3A_719 = vector.broadcast %parallel_loop3A_718 : i32 to vector<16xi32>
        %parallel_loop3A_720 = arith.cmpf ogt, %parallel_loop3A_615, %parallel_loop3A_607 : vector<16xf32>
        %parallel_loop3A_721 = arith.maximumf %parallel_loop3A_607, %parallel_loop3A_615 : vector<16xf32>
        %parallel_loop3A_722 = arith.select %parallel_loop3A_720, %parallel_loop3A_719, %parallel_loop3A_717 : vector<16xi1>, vector<16xi32>
        %parallel_loop3A_723 = arith.constant 10 : i32
        %parallel_loop3A_724 = vector.broadcast %parallel_loop3A_723 : i32 to vector<16xi32>
        %parallel_loop3A_725 = arith.constant 11 : i32
        %parallel_loop3A_726 = vector.broadcast %parallel_loop3A_725 : i32 to vector<16xi32>
        %parallel_loop3A_727 = arith.cmpf ogt, %parallel_loop3A_631, %parallel_loop3A_623 : vector<16xf32>
        %parallel_loop3A_728 = arith.maximumf %parallel_loop3A_623, %parallel_loop3A_631 : vector<16xf32>
        %parallel_loop3A_729 = arith.select %parallel_loop3A_727, %parallel_loop3A_726, %parallel_loop3A_724 : vector<16xi1>, vector<16xi32>
        %parallel_loop3A_730 = arith.constant 12 : i32
        %parallel_loop3A_731 = vector.broadcast %parallel_loop3A_730 : i32 to vector<16xi32>
        %parallel_loop3A_732 = arith.constant 13 : i32
        %parallel_loop3A_733 = vector.broadcast %parallel_loop3A_732 : i32 to vector<16xi32>
        %parallel_loop3A_734 = arith.cmpf ogt, %parallel_loop3A_647, %parallel_loop3A_639 : vector<16xf32>
        %parallel_loop3A_735 = arith.maximumf %parallel_loop3A_639, %parallel_loop3A_647 : vector<16xf32>
        %parallel_loop3A_736 = arith.select %parallel_loop3A_734, %parallel_loop3A_733, %parallel_loop3A_731 : vector<16xi1>, vector<16xi32>
        %parallel_loop3A_737 = arith.constant 14 : i32
        %parallel_loop3A_738 = vector.broadcast %parallel_loop3A_737 : i32 to vector<16xi32>
        %parallel_loop3A_739 = arith.constant 15 : i32
        %parallel_loop3A_740 = vector.broadcast %parallel_loop3A_739 : i32 to vector<16xi32>
        %parallel_loop3A_741 = arith.cmpf ogt, %parallel_loop3A_663, %parallel_loop3A_655 : vector<16xf32>
        %parallel_loop3A_742 = arith.maximumf %parallel_loop3A_655, %parallel_loop3A_663 : vector<16xf32>
        %parallel_loop3A_743 = arith.select %parallel_loop3A_741, %parallel_loop3A_740, %parallel_loop3A_738 : vector<16xi1>, vector<16xi32>
        %parallel_loop3A_744 = arith.constant 16 : i32
        %parallel_loop3A_745 = vector.broadcast %parallel_loop3A_744 : i32 to vector<16xi32>
        %parallel_loop3A_746 = arith.constant 17 : i32
        %parallel_loop3A_747 = vector.broadcast %parallel_loop3A_746 : i32 to vector<16xi32>
        %parallel_loop3A_748 = arith.cmpf ogt, %parallel_loop3A_679, %parallel_loop3A_671 : vector<16xf32>
        %parallel_loop3A_749 = arith.maximumf %parallel_loop3A_671, %parallel_loop3A_679 : vector<16xf32>
        %parallel_loop3A_750 = arith.select %parallel_loop3A_748, %parallel_loop3A_747, %parallel_loop3A_745 : vector<16xi1>, vector<16xi32>
        %parallel_loop3A_751 = arith.cmpf ogt, %parallel_loop3A_700, %parallel_loop3A_693 : vector<16xf32>
        %parallel_loop3A_752 = arith.maximumf %parallel_loop3A_693, %parallel_loop3A_700 : vector<16xf32>
        %parallel_loop3A_753 = arith.select %parallel_loop3A_751, %parallel_loop3A_701, %parallel_loop3A_694 : vector<16xi1>, vector<16xi32>
        %parallel_loop3A_754 = arith.cmpf ogt, %parallel_loop3A_714, %parallel_loop3A_707 : vector<16xf32>
        %parallel_loop3A_755 = arith.maximumf %parallel_loop3A_707, %parallel_loop3A_714 : vector<16xf32>
        %parallel_loop3A_756 = arith.select %parallel_loop3A_754, %parallel_loop3A_715, %parallel_loop3A_708 : vector<16xi1>, vector<16xi32>
        %parallel_loop3A_757 = arith.cmpf ogt, %parallel_loop3A_728, %parallel_loop3A_721 : vector<16xf32>
        %parallel_loop3A_758 = arith.maximumf %parallel_loop3A_721, %parallel_loop3A_728 : vector<16xf32>
        %parallel_loop3A_759 = arith.select %parallel_loop3A_757, %parallel_loop3A_729, %parallel_loop3A_722 : vector<16xi1>, vector<16xi32>
        %parallel_loop3A_760 = arith.cmpf ogt, %parallel_loop3A_742, %parallel_loop3A_735 : vector<16xf32>
        %parallel_loop3A_761 = arith.maximumf %parallel_loop3A_735, %parallel_loop3A_742 : vector<16xf32>
        %parallel_loop3A_762 = arith.select %parallel_loop3A_760, %parallel_loop3A_743, %parallel_loop3A_736 : vector<16xi1>, vector<16xi32>
        %parallel_loop3A_763 = arith.constant 18 : i32
        %parallel_loop3A_764 = vector.broadcast %parallel_loop3A_763 : i32 to vector<16xi32>
        %parallel_loop3A_765 = arith.cmpf ogt, %parallel_loop3A_687, %parallel_loop3A_749 : vector<16xf32>
        %parallel_loop3A_766 = arith.maximumf %parallel_loop3A_749, %parallel_loop3A_687 : vector<16xf32>
        %parallel_loop3A_767 = arith.select %parallel_loop3A_765, %parallel_loop3A_764, %parallel_loop3A_750 : vector<16xi1>, vector<16xi32>
        %parallel_loop3A_768 = arith.cmpf ogt, %parallel_loop3A_755, %parallel_loop3A_752 : vector<16xf32>
        %parallel_loop3A_769 = arith.maximumf %parallel_loop3A_752, %parallel_loop3A_755 : vector<16xf32>
        %parallel_loop3A_770 = arith.select %parallel_loop3A_768, %parallel_loop3A_756, %parallel_loop3A_753 : vector<16xi1>, vector<16xi32>
        %parallel_loop3A_771 = arith.cmpf ogt, %parallel_loop3A_761, %parallel_loop3A_758 : vector<16xf32>
        %parallel_loop3A_772 = arith.maximumf %parallel_loop3A_758, %parallel_loop3A_761 : vector<16xf32>
        %parallel_loop3A_773 = arith.select %parallel_loop3A_771, %parallel_loop3A_762, %parallel_loop3A_759 : vector<16xi1>, vector<16xi32>
        %parallel_loop3A_774 = arith.cmpf ogt, %parallel_loop3A_772, %parallel_loop3A_769 : vector<16xf32>
        %parallel_loop3A_775 = arith.maximumf %parallel_loop3A_769, %parallel_loop3A_772 : vector<16xf32>
        %parallel_loop3A_776 = arith.select %parallel_loop3A_774, %parallel_loop3A_773, %parallel_loop3A_770 : vector<16xi1>, vector<16xi32>
        %parallel_loop3A_777 = arith.cmpf ogt, %parallel_loop3A_766, %parallel_loop3A_775 : vector<16xf32>
        %parallel_loop3A_778 = arith.maximumf %parallel_loop3A_775, %parallel_loop3A_766 : vector<16xf32>
        %parallel_loop3A_779 = arith.select %parallel_loop3A_777, %parallel_loop3A_767, %parallel_loop3A_776 : vector<16xi1>, vector<16xi32>
        %parallel_loop3A_780 = arith.constant 16 : i32
        %parallel_loop3A_781 = vector.broadcast %parallel_loop3A_780 : i32 to vector<16xi32>
        %parallel_loop3A_782 = arith.cmpi slt, %parallel_loop3A_779, %parallel_loop3A_781 : vector<16xi32>
        %parallel_loop3A_783 = arith.constant 15 : i32
        %parallel_loop3A_784 = vector.broadcast %parallel_loop3A_783 : i32 to vector<16xi32>
        %parallel_loop3A_785 = arith.andi %parallel_loop3A_779, %parallel_loop3A_784 : vector<16xi32>
        %parallel_loop3A_786 = vector.shape_cast %parallel_loop3A_785 : vector<16xi32> to vector<16x1xi32>
        %parallel_loop3A_787 = vector.shape_cast %parallel_loop3A_786 : vector<16x1xi32> to vector<16xi32>
        %parallel_loop3A_788 = tpu.dynamic_gather %get3A_98[%parallel_loop3A_787] in [0] : vector<16xf32>, vector<16xi32> -> vector<16xf32>
        %parallel_loop3A_789 = vector.shape_cast %parallel_loop3A_785 : vector<16xi32> to vector<16x1xi32>
        %parallel_loop3A_790 = vector.shape_cast %parallel_loop3A_789 : vector<16x1xi32> to vector<16xi32>
        %parallel_loop3A_791 = tpu.dynamic_gather %get3A_103[%parallel_loop3A_790] in [0] : vector<16xf32>, vector<16xi32> -> vector<16xf32>
        %parallel_loop3A_792 = arith.select %parallel_loop3A_782, %parallel_loop3A_788, %parallel_loop3A_791 : vector<16xi1>, vector<16xf32>
        %parallel_loop3A_793 = vector.shape_cast %parallel_loop3A_785 : vector<16xi32> to vector<16x1xi32>
        %parallel_loop3A_794 = vector.shape_cast %parallel_loop3A_793 : vector<16x1xi32> to vector<16xi32>
        %parallel_loop3A_795 = tpu.dynamic_gather %get3A_108[%parallel_loop3A_794] in [0] : vector<16xf32>, vector<16xi32> -> vector<16xf32>
        %parallel_loop3A_796 = vector.shape_cast %parallel_loop3A_785 : vector<16xi32> to vector<16x1xi32>
        %parallel_loop3A_797 = vector.shape_cast %parallel_loop3A_796 : vector<16x1xi32> to vector<16xi32>
        %parallel_loop3A_798 = tpu.dynamic_gather %get3A_113[%parallel_loop3A_797] in [0] : vector<16xf32>, vector<16xi32> -> vector<16xf32>
        %parallel_loop3A_799 = arith.select %parallel_loop3A_782, %parallel_loop3A_795, %parallel_loop3A_798 : vector<16xi1>, vector<16xf32>
        %parallel_loop3A_800 = arith.subf %parallel_loop3A_778, %parallel_loop3A_792 : vector<16xf32>
        %parallel_loop3A_801 = arith.mulf %parallel_loop3A_800, %parallel_loop3A_799 : vector<16xf32>
        %parallel_loop3A_802 = arith.index_cast %parallel_loop3A_531 : i32 to index
        %parallel_loop3A_803 = arith.index_cast %parallel_loop3A_535 : i32 to index
        %parallel_loop3A_804 = tpu.vector_load %arg6[%parallel_loop3A_802, %parallel_loop3A_803] {strides = array<i32>} : memref<8x256xf32, #tpu.memory_space<vmem>>, vector<1x16xf32>,
        %parallel_loop3A_805 = vector.shape_cast %parallel_loop3A_804 : vector<1x16xf32> to vector<16xf32>
        %parallel_loop3A_806 = vector.shape_cast %parallel_loop3A_801 : vector<16xf32> to vector<1x16xf32>
        tpu.vector_store %arg6[%parallel_loop3A_802, %parallel_loop3A_803], %parallel_loop3A_806 {strides = array<i32>} : memref<8x256xf32, #tpu.memory_space<vmem>>, vector<1x16xf32>,
      } {sc.loop_unroll_factor = 4 : i64, sc.parallel_access}
      %mul3A_441 = arith.constant 16 : i32
      %mul3A_442 = arith.muli %add3A, %mul3A_441 : i32
      %add3A_443 = arith.addi %mul3A_442, %add3A_326 : i32
      %jit3A_444 = arith.constant 128 : i32
      %div3A_445 = arith.divsi %add3A_443, %jit3A_444 : i32
      %sign3A_446 = arith.constant 0 : i32
      %sign3A_447 = arith.cmpi sgt, %add3A_443, %sign3A_446 : i32
      %sign3A_448 = arith.extui %sign3A_447 : i1 to i32
      %sign3A_449 = arith.constant 0 : i32
      %sign3A_450 = arith.cmpi slt, %add3A_443, %sign3A_449 : i32
      %sign3A_451 = arith.extui %sign3A_450 : i1 to i32
      %sign3A_452 = arith.subi %sign3A_448, %sign3A_451 : i32
      %sign3A_453 = arith.constant 0 : i32
      %sign3A_454 = arith.cmpi sgt, %jit3A_444, %sign3A_453 : i32
      %sign3A_455 = arith.extui %sign3A_454 : i1 to i32
      %sign3A_456 = arith.constant 0 : i32
      %sign3A_457 = arith.cmpi slt, %jit3A_444, %sign3A_456 : i32
      %sign3A_458 = arith.extui %sign3A_457 : i1 to i32
      %sign3A_459 = arith.subi %sign3A_455, %sign3A_458 : i32
      %ne3A_460 = arith.cmpi ne, %sign3A_452, %sign3A_459 : i32
      %rem3A_461 = arith.remsi %add3A_443, %jit3A_444 : i32
      %ne3A_462 = arith.constant 0 : i32
      %ne3A_463 = arith.cmpi ne, %rem3A_461, %ne3A_462 : i32
      %and3A_464 = arith.andi %ne3A_460, %ne3A_463 : i1
      %sub3A_465 = arith.constant 1 : i32
      %sub3A_466 = arith.subi %div3A_445, %sub3A_465 : i32
      %select_n3A_467 = arith.select %and3A_464, %sub3A_466, %div3A_445 : i32
      %jit3A_468 = arith.constant 128 : i32
      %eq3A_469 = arith.constant 0 : i32
      %eq3A_470 = arith.cmpi eq, %jit3A_468, %eq3A_469 : i32
      %jit3A_471 = arith.constant 1 : i32
      %select_n3A_472 = arith.select %eq3A_470, %jit3A_471, %jit3A_468 : i32
      %rem3A_473 = arith.remsi %add3A_443, %select_n3A_472 : i32
      %ne3A_474 = arith.constant 0 : i32
      %ne3A_475 = arith.cmpi ne, %rem3A_473, %ne3A_474 : i32
      %lt3A_476 = arith.constant 0 : i32
      %lt3A_477 = arith.cmpi slt, %rem3A_473, %lt3A_476 : i32
      %lt3A_478 = arith.constant 0 : i32
      %lt3A_479 = arith.cmpi slt, %select_n3A_472, %lt3A_478 : i32
      %ne3A_480 = arith.xori %lt3A_477, %lt3A_479 : i1
      %and3A_481 = arith.andi %ne3A_480, %ne3A_475 : i1
      %add3A_482 = arith.addi %rem3A_473, %select_n3A_472 : i32
      %select_n3A_483 = arith.select %and3A_481, %add3A_482, %rem3A_473 : i32
      %jit3A_484 = arith.constant 2 : i32
      %div3A_485 = arith.divsi %select_n3A_483, %jit3A_484 : i32
      %sign3A_486 = arith.constant 0 : i32
      %sign3A_487 = arith.cmpi sgt, %select_n3A_483, %sign3A_486 : i32
      %sign3A_488 = arith.extui %sign3A_487 : i1 to i32
      %sign3A_489 = arith.constant 0 : i32
      %sign3A_490 = arith.cmpi slt, %select_n3A_483, %sign3A_489 : i32
      %sign3A_491 = arith.extui %sign3A_490 : i1 to i32
      %sign3A_492 = arith.subi %sign3A_488, %sign3A_491 : i32
      %sign3A_493 = arith.constant 0 : i32
      %sign3A_494 = arith.cmpi sgt, %jit3A_484, %sign3A_493 : i32
      %sign3A_495 = arith.extui %sign3A_494 : i1 to i32
      %sign3A_496 = arith.constant 0 : i32
      %sign3A_497 = arith.cmpi slt, %jit3A_484, %sign3A_496 : i32
      %sign3A_498 = arith.extui %sign3A_497 : i1 to i32
      %sign3A_499 = arith.subi %sign3A_495, %sign3A_498 : i32
      %ne3A_500 = arith.cmpi ne, %sign3A_492, %sign3A_499 : i32
      %rem3A_501 = arith.remsi %select_n3A_483, %jit3A_484 : i32
      %ne3A_502 = arith.constant 0 : i32
      %ne3A_503 = arith.cmpi ne, %rem3A_501, %ne3A_502 : i32
      %and3A_504 = arith.andi %ne3A_500, %ne3A_503 : i1
      %sub3A_505 = arith.constant 1 : i32
      %sub3A_506 = arith.subi %div3A_485, %sub3A_505 : i32
      %select_n3A_507 = arith.select %and3A_504, %sub3A_506, %div3A_485 : i32
      %mul3A_508 = arith.constant 8 : i32
      %mul3A_509 = arith.muli %select_n3A_507, %mul3A_508 : i32
      %jit3A_510 = arith.constant 2 : i32
      %eq3A_511 = arith.constant 0 : i32
      %eq3A_512 = arith.cmpi eq, %jit3A_510, %eq3A_511 : i32
      %jit3A_513 = arith.constant 1 : i32
      %select_n3A_514 = arith.select %eq3A_512, %jit3A_513, %jit3A_510 : i32
      %rem3A_515 = arith.remsi %select_n3A_483, %select_n3A_514 : i32
      %ne3A_516 = arith.constant 0 : i32
      %ne3A_517 = arith.cmpi ne, %rem3A_515, %ne3A_516 : i32
      %lt3A_518 = arith.constant 0 : i32
      %lt3A_519 = arith.cmpi slt, %rem3A_515, %lt3A_518 : i32
      %lt3A_520 = arith.constant 0 : i32
      %lt3A_521 = arith.cmpi slt, %select_n3A_514, %lt3A_520 : i32
      %ne3A_522 = arith.xori %lt3A_519, %lt3A_521 : i1
      %and3A_523 = arith.andi %ne3A_522, %ne3A_517 : i1
      %add3A_524 = arith.addi %rem3A_515, %select_n3A_514 : i32
      %select_n3A_525 = arith.select %and3A_523, %add3A_524, %rem3A_515 : i32
      %mul3A_526 = arith.constant 256 : i32
      %mul3A_527 = arith.muli %select_n3A_525, %mul3A_526 : i32
      "tpu.region"() ({
        %run_scoped3A = tpu.sem_alloc : memref<!tpu.dma_semaphore, #tpu.memory_space<semaphore_mem>>
        %dma_start3A_529 = tpu.memref_slice %arg4[%select_n3A_467, %mul3A_509, %mul3A_527] : memref<4x512x512xf32, #tpu.memory_space<hbm>> -> memref<1x8x256xf32, #tpu.memory_space<hbm>>
        %dma_start3A_530 = tpu.memref_squeeze %dma_start3A_529 : memref<1x8x256xf32, #tpu.memory_space<hbm>> -> memref<8x256xf32, #tpu.memory_space<hbm>>
        %dma_start3A_531 = tpu.memref_slice %arg4[%select_n3A_467, %mul3A_509, %mul3A_527] : memref<4x512x512xf32, #tpu.memory_space<hbm>> -> memref<1x8x256xf32, #tpu.memory_space<hbm>>
        %dma_start3A_532 = tpu.memref_squeeze %dma_start3A_531 : memref<1x8x256xf32, #tpu.memory_space<hbm>> -> memref<8x256xf32, #tpu.memory_space<hbm>>
        tpu.enqueue_dma source(%arg6 : memref<8x256xf32, #tpu.memory_space<vmem>>) target(%dma_start3A_532 : memref<8x256xf32, #tpu.memory_space<hbm>>) target_semaphore(%run_scoped3A : memref<!tpu.dma_semaphore, #tpu.memory_space<semaphore_mem>>)
        %dma_wait3A_533 = tpu.memref_slice %arg4[%select_n3A_467, %mul3A_509, %mul3A_527] : memref<4x512x512xf32, #tpu.memory_space<hbm>> -> memref<1x8x256xf32, #tpu.memory_space<hbm>>
        %dma_wait3A_534 = tpu.memref_squeeze %dma_wait3A_533 : memref<1x8x256xf32, #tpu.memory_space<hbm>> -> memref<8x256xf32, #tpu.memory_space<hbm>>
        %dma_wait3A_535 = tpu.memref_slice %arg4[%select_n3A_467, %mul3A_509, %mul3A_527] : memref<4x512x512xf32, #tpu.memory_space<hbm>> -> memref<1x8x256xf32, #tpu.memory_space<hbm>>
        %dma_wait3A_536 = tpu.memref_squeeze %dma_wait3A_535 : memref<1x8x256xf32, #tpu.memory_space<hbm>> -> memref<8x256xf32, #tpu.memory_space<hbm>>
        tpu.wait_dma2 semaphore(%run_scoped3A : memref<!tpu.dma_semaphore, #tpu.memory_space<semaphore_mem>>) src(%arg6 : memref<8x256xf32, #tpu.memory_space<vmem>>) dst(%dma_wait3A_536 : memref<8x256xf32, #tpu.memory_space<hbm>>)
        tpu.yield
      }) : () -> ()
      %scan3A_528 = arith.constant 0 : i32
      scf.yield %scan3A_528 : i32
    }
    %scan3A_119 = arith.constant 8 : i32
    return
  }
}

module attributes {stable_mosaic.version = 14 : i64} {
  func.func @_tc_body(%arg0: i32, %arg1: i32, %arg2: memref<19xf32, #tpu.memory_space<smem>>, %arg3: memref<19xf32, #tpu.memory_space<smem>>, %arg4: memref<1x19x64x512xf32, #tpu.memory_space<vmem>>, %arg5: memref<1x64x512xf32, #tpu.memory_space<vmem>>) attributes {dimension_semantics = [#tpu.dimension_semantics<parallel>, #tpu.dimension_semantics<arbitrary>], iteration_bounds = array<i64: 4, 8>, scalar_prefetch = 0 : i64, scratch_operands = 0 : i64, tpu.core_type = #tpu.core_type<tc>, window_params = [{transform_indices = @transform_0, window_bounds = array<i64: 19>}, {transform_indices = @transform_1, window_bounds = array<i64: 19>}, {transform_indices = @transform_2, window_bounds = array<i64: 1, 19, 64, 512>}, {transform_indices = @transform_3, window_bounds = array<i64: 1, 64, 512>}]} {
    %get3A = arith.constant 0 : index
    %get3A_0 = arith.constant 0 : index
    %get3A_1 = arith.constant 0 : index
    %get3A_2 = arith.constant 0 : index
    %get3A_3 = vector.load %arg4[%get3A, %get3A_0, %get3A_1, %get3A_2] : memref<1x19x64x512xf32, #tpu.memory_space<vmem>>, vector<1x1x64x512xf32>
    %get3A_4 = vector.shape_cast %get3A_3 : vector<1x1x64x512xf32> to vector<64x512xf32>
    %get3A_5 = arith.constant 0 : index
    %get3A_6 = memref.load %arg2[%get3A_5] : memref<19xf32, #tpu.memory_space<smem>>
    %get3A_7 = arith.constant 0 : index
    %get3A_8 = memref.load %arg3[%get3A_7] : memref<19xf32, #tpu.memory_space<smem>>
    %get3A_9 = arith.constant 0 : index
    %get3A_10 = arith.constant 1 : index
    %get3A_11 = arith.constant 0 : index
    %get3A_12 = arith.constant 0 : index
    %get3A_13 = vector.load %arg4[%get3A_9, %get3A_10, %get3A_11, %get3A_12] : memref<1x19x64x512xf32, #tpu.memory_space<vmem>>, vector<1x1x64x512xf32>
    %get3A_14 = vector.shape_cast %get3A_13 : vector<1x1x64x512xf32> to vector<64x512xf32>
    %get3A_15 = arith.constant 1 : index
    %get3A_16 = memref.load %arg2[%get3A_15] : memref<19xf32, #tpu.memory_space<smem>>
    %get3A_17 = arith.constant 1 : index
    %get3A_18 = memref.load %arg3[%get3A_17] : memref<19xf32, #tpu.memory_space<smem>>
    %get3A_19 = arith.constant 0 : index
    %get3A_20 = arith.constant 2 : index
    %get3A_21 = arith.constant 0 : index
    %get3A_22 = arith.constant 0 : index
    %get3A_23 = vector.load %arg4[%get3A_19, %get3A_20, %get3A_21, %get3A_22] : memref<1x19x64x512xf32, #tpu.memory_space<vmem>>, vector<1x1x64x512xf32>
    %get3A_24 = vector.shape_cast %get3A_23 : vector<1x1x64x512xf32> to vector<64x512xf32>
    %get3A_25 = arith.constant 2 : index
    %get3A_26 = memref.load %arg2[%get3A_25] : memref<19xf32, #tpu.memory_space<smem>>
    %get3A_27 = arith.constant 2 : index
    %get3A_28 = memref.load %arg3[%get3A_27] : memref<19xf32, #tpu.memory_space<smem>>
    %get3A_29 = arith.constant 0 : index
    %get3A_30 = arith.constant 3 : index
    %get3A_31 = arith.constant 0 : index
    %get3A_32 = arith.constant 0 : index
    %get3A_33 = vector.load %arg4[%get3A_29, %get3A_30, %get3A_31, %get3A_32] : memref<1x19x64x512xf32, #tpu.memory_space<vmem>>, vector<1x1x64x512xf32>
    %get3A_34 = vector.shape_cast %get3A_33 : vector<1x1x64x512xf32> to vector<64x512xf32>
    %get3A_35 = arith.constant 3 : index
    %get3A_36 = memref.load %arg2[%get3A_35] : memref<19xf32, #tpu.memory_space<smem>>
    %get3A_37 = arith.constant 3 : index
    %get3A_38 = memref.load %arg3[%get3A_37] : memref<19xf32, #tpu.memory_space<smem>>
    %get3A_39 = arith.constant 0 : index
    %get3A_40 = arith.constant 4 : index
    %get3A_41 = arith.constant 0 : index
    %get3A_42 = arith.constant 0 : index
    %get3A_43 = vector.load %arg4[%get3A_39, %get3A_40, %get3A_41, %get3A_42] : memref<1x19x64x512xf32, #tpu.memory_space<vmem>>, vector<1x1x64x512xf32>
    %get3A_44 = vector.shape_cast %get3A_43 : vector<1x1x64x512xf32> to vector<64x512xf32>
    %get3A_45 = arith.constant 4 : index
    %get3A_46 = memref.load %arg2[%get3A_45] : memref<19xf32, #tpu.memory_space<smem>>
    %get3A_47 = arith.constant 4 : index
    %get3A_48 = memref.load %arg3[%get3A_47] : memref<19xf32, #tpu.memory_space<smem>>
    %get3A_49 = arith.constant 0 : index
    %get3A_50 = arith.constant 5 : index
    %get3A_51 = arith.constant 0 : index
    %get3A_52 = arith.constant 0 : index
    %get3A_53 = vector.load %arg4[%get3A_49, %get3A_50, %get3A_51, %get3A_52] : memref<1x19x64x512xf32, #tpu.memory_space<vmem>>, vector<1x1x64x512xf32>
    %get3A_54 = vector.shape_cast %get3A_53 : vector<1x1x64x512xf32> to vector<64x512xf32>
    %get3A_55 = arith.constant 5 : index
    %get3A_56 = memref.load %arg2[%get3A_55] : memref<19xf32, #tpu.memory_space<smem>>
    %get3A_57 = arith.constant 5 : index
    %get3A_58 = memref.load %arg3[%get3A_57] : memref<19xf32, #tpu.memory_space<smem>>
    %get3A_59 = arith.constant 0 : index
    %get3A_60 = arith.constant 6 : index
    %get3A_61 = arith.constant 0 : index
    %get3A_62 = arith.constant 0 : index
    %get3A_63 = vector.load %arg4[%get3A_59, %get3A_60, %get3A_61, %get3A_62] : memref<1x19x64x512xf32, #tpu.memory_space<vmem>>, vector<1x1x64x512xf32>
    %get3A_64 = vector.shape_cast %get3A_63 : vector<1x1x64x512xf32> to vector<64x512xf32>
    %get3A_65 = arith.constant 6 : index
    %get3A_66 = memref.load %arg2[%get3A_65] : memref<19xf32, #tpu.memory_space<smem>>
    %get3A_67 = arith.constant 6 : index
    %get3A_68 = memref.load %arg3[%get3A_67] : memref<19xf32, #tpu.memory_space<smem>>
    %get3A_69 = arith.constant 0 : index
    %get3A_70 = arith.constant 7 : index
    %get3A_71 = arith.constant 0 : index
    %get3A_72 = arith.constant 0 : index
    %get3A_73 = vector.load %arg4[%get3A_69, %get3A_70, %get3A_71, %get3A_72] : memref<1x19x64x512xf32, #tpu.memory_space<vmem>>, vector<1x1x64x512xf32>
    %get3A_74 = vector.shape_cast %get3A_73 : vector<1x1x64x512xf32> to vector<64x512xf32>
    %get3A_75 = arith.constant 7 : index
    %get3A_76 = memref.load %arg2[%get3A_75] : memref<19xf32, #tpu.memory_space<smem>>
    %get3A_77 = arith.constant 7 : index
    %get3A_78 = memref.load %arg3[%get3A_77] : memref<19xf32, #tpu.memory_space<smem>>
    %get3A_79 = arith.constant 0 : index
    %get3A_80 = arith.constant 8 : index
    %get3A_81 = arith.constant 0 : index
    %get3A_82 = arith.constant 0 : index
    %get3A_83 = vector.load %arg4[%get3A_79, %get3A_80, %get3A_81, %get3A_82] : memref<1x19x64x512xf32, #tpu.memory_space<vmem>>, vector<1x1x64x512xf32>
    %get3A_84 = vector.shape_cast %get3A_83 : vector<1x1x64x512xf32> to vector<64x512xf32>
    %get3A_85 = arith.constant 8 : index
    %get3A_86 = memref.load %arg2[%get3A_85] : memref<19xf32, #tpu.memory_space<smem>>
    %get3A_87 = arith.constant 8 : index
    %get3A_88 = memref.load %arg3[%get3A_87] : memref<19xf32, #tpu.memory_space<smem>>
    %get3A_89 = arith.constant 0 : index
    %get3A_90 = arith.constant 9 : index
    %get3A_91 = arith.constant 0 : index
    %get3A_92 = arith.constant 0 : index
    %get3A_93 = vector.load %arg4[%get3A_89, %get3A_90, %get3A_91, %get3A_92] : memref<1x19x64x512xf32, #tpu.memory_space<vmem>>, vector<1x1x64x512xf32>
    %get3A_94 = vector.shape_cast %get3A_93 : vector<1x1x64x512xf32> to vector<64x512xf32>
    %get3A_95 = arith.constant 9 : index
    %get3A_96 = memref.load %arg2[%get3A_95] : memref<19xf32, #tpu.memory_space<smem>>
    %get3A_97 = arith.constant 9 : index
    %get3A_98 = memref.load %arg3[%get3A_97] : memref<19xf32, #tpu.memory_space<smem>>
    %get3A_99 = arith.constant 0 : index
    %get3A_100 = arith.constant 10 : index
    %get3A_101 = arith.constant 0 : index
    %get3A_102 = arith.constant 0 : index
    %get3A_103 = vector.load %arg4[%get3A_99, %get3A_100, %get3A_101, %get3A_102] : memref<1x19x64x512xf32, #tpu.memory_space<vmem>>, vector<1x1x64x512xf32>
    %get3A_104 = vector.shape_cast %get3A_103 : vector<1x1x64x512xf32> to vector<64x512xf32>
    %get3A_105 = arith.constant 10 : index
    %get3A_106 = memref.load %arg2[%get3A_105] : memref<19xf32, #tpu.memory_space<smem>>
    %get3A_107 = arith.constant 10 : index
    %get3A_108 = memref.load %arg3[%get3A_107] : memref<19xf32, #tpu.memory_space<smem>>
    %get3A_109 = arith.constant 0 : index
    %get3A_110 = arith.constant 11 : index
    %get3A_111 = arith.constant 0 : index
    %get3A_112 = arith.constant 0 : index
    %get3A_113 = vector.load %arg4[%get3A_109, %get3A_110, %get3A_111, %get3A_112] : memref<1x19x64x512xf32, #tpu.memory_space<vmem>>, vector<1x1x64x512xf32>
    %get3A_114 = vector.shape_cast %get3A_113 : vector<1x1x64x512xf32> to vector<64x512xf32>
    %get3A_115 = arith.constant 11 : index
    %get3A_116 = memref.load %arg2[%get3A_115] : memref<19xf32, #tpu.memory_space<smem>>
    %get3A_117 = arith.constant 11 : index
    %get3A_118 = memref.load %arg3[%get3A_117] : memref<19xf32, #tpu.memory_space<smem>>
    %get3A_119 = arith.constant 0 : index
    %get3A_120 = arith.constant 12 : index
    %get3A_121 = arith.constant 0 : index
    %get3A_122 = arith.constant 0 : index
    %get3A_123 = vector.load %arg4[%get3A_119, %get3A_120, %get3A_121, %get3A_122] : memref<1x19x64x512xf32, #tpu.memory_space<vmem>>, vector<1x1x64x512xf32>
    %get3A_124 = vector.shape_cast %get3A_123 : vector<1x1x64x512xf32> to vector<64x512xf32>
    %get3A_125 = arith.constant 12 : index
    %get3A_126 = memref.load %arg2[%get3A_125] : memref<19xf32, #tpu.memory_space<smem>>
    %get3A_127 = arith.constant 12 : index
    %get3A_128 = memref.load %arg3[%get3A_127] : memref<19xf32, #tpu.memory_space<smem>>
    %get3A_129 = arith.constant 0 : index
    %get3A_130 = arith.constant 13 : index
    %get3A_131 = arith.constant 0 : index
    %get3A_132 = arith.constant 0 : index
    %get3A_133 = vector.load %arg4[%get3A_129, %get3A_130, %get3A_131, %get3A_132] : memref<1x19x64x512xf32, #tpu.memory_space<vmem>>, vector<1x1x64x512xf32>
    %get3A_134 = vector.shape_cast %get3A_133 : vector<1x1x64x512xf32> to vector<64x512xf32>
    %get3A_135 = arith.constant 13 : index
    %get3A_136 = memref.load %arg2[%get3A_135] : memref<19xf32, #tpu.memory_space<smem>>
    %get3A_137 = arith.constant 13 : index
    %get3A_138 = memref.load %arg3[%get3A_137] : memref<19xf32, #tpu.memory_space<smem>>
    %get3A_139 = arith.constant 0 : index
    %get3A_140 = arith.constant 14 : index
    %get3A_141 = arith.constant 0 : index
    %get3A_142 = arith.constant 0 : index
    %get3A_143 = vector.load %arg4[%get3A_139, %get3A_140, %get3A_141, %get3A_142] : memref<1x19x64x512xf32, #tpu.memory_space<vmem>>, vector<1x1x64x512xf32>
    %get3A_144 = vector.shape_cast %get3A_143 : vector<1x1x64x512xf32> to vector<64x512xf32>
    %get3A_145 = arith.constant 14 : index
    %get3A_146 = memref.load %arg2[%get3A_145] : memref<19xf32, #tpu.memory_space<smem>>
    %get3A_147 = arith.constant 14 : index
    %get3A_148 = memref.load %arg3[%get3A_147] : memref<19xf32, #tpu.memory_space<smem>>
    %get3A_149 = arith.constant 0 : index
    %get3A_150 = arith.constant 15 : index
    %get3A_151 = arith.constant 0 : index
    %get3A_152 = arith.constant 0 : index
    %get3A_153 = vector.load %arg4[%get3A_149, %get3A_150, %get3A_151, %get3A_152] : memref<1x19x64x512xf32, #tpu.memory_space<vmem>>, vector<1x1x64x512xf32>
    %get3A_154 = vector.shape_cast %get3A_153 : vector<1x1x64x512xf32> to vector<64x512xf32>
    %get3A_155 = arith.constant 15 : index
    %get3A_156 = memref.load %arg2[%get3A_155] : memref<19xf32, #tpu.memory_space<smem>>
    %get3A_157 = arith.constant 15 : index
    %get3A_158 = memref.load %arg3[%get3A_157] : memref<19xf32, #tpu.memory_space<smem>>
    %get3A_159 = arith.constant 0 : index
    %get3A_160 = arith.constant 16 : index
    %get3A_161 = arith.constant 0 : index
    %get3A_162 = arith.constant 0 : index
    %get3A_163 = vector.load %arg4[%get3A_159, %get3A_160, %get3A_161, %get3A_162] : memref<1x19x64x512xf32, #tpu.memory_space<vmem>>, vector<1x1x64x512xf32>
    %get3A_164 = vector.shape_cast %get3A_163 : vector<1x1x64x512xf32> to vector<64x512xf32>
    %get3A_165 = arith.constant 16 : index
    %get3A_166 = memref.load %arg2[%get3A_165] : memref<19xf32, #tpu.memory_space<smem>>
    %get3A_167 = arith.constant 16 : index
    %get3A_168 = memref.load %arg3[%get3A_167] : memref<19xf32, #tpu.memory_space<smem>>
    %get3A_169 = arith.constant 0 : index
    %get3A_170 = arith.constant 17 : index
    %get3A_171 = arith.constant 0 : index
    %get3A_172 = arith.constant 0 : index
    %get3A_173 = vector.load %arg4[%get3A_169, %get3A_170, %get3A_171, %get3A_172] : memref<1x19x64x512xf32, #tpu.memory_space<vmem>>, vector<1x1x64x512xf32>
    %get3A_174 = vector.shape_cast %get3A_173 : vector<1x1x64x512xf32> to vector<64x512xf32>
    %get3A_175 = arith.constant 17 : index
    %get3A_176 = memref.load %arg2[%get3A_175] : memref<19xf32, #tpu.memory_space<smem>>
    %get3A_177 = arith.constant 17 : index
    %get3A_178 = memref.load %arg3[%get3A_177] : memref<19xf32, #tpu.memory_space<smem>>
    %get3A_179 = arith.constant 0 : index
    %get3A_180 = arith.constant 18 : index
    %get3A_181 = arith.constant 0 : index
    %get3A_182 = arith.constant 0 : index
    %get3A_183 = vector.load %arg4[%get3A_179, %get3A_180, %get3A_181, %get3A_182] : memref<1x19x64x512xf32, #tpu.memory_space<vmem>>, vector<1x1x64x512xf32>
    %get3A_184 = vector.shape_cast %get3A_183 : vector<1x1x64x512xf32> to vector<64x512xf32>
    %get3A_185 = arith.constant 18 : index
    %get3A_186 = memref.load %arg2[%get3A_185] : memref<19xf32, #tpu.memory_space<smem>>
    %get3A_187 = arith.constant 18 : index
    %get3A_188 = memref.load %arg3[%get3A_187] : memref<19xf32, #tpu.memory_space<smem>>
    %gt3A = arith.cmpf ogt, %get3A_14, %get3A_4 : vector<64x512xf32>
    %max3A = arith.maximumf %get3A_4, %get3A_14 : vector<64x512xf32>
    %broadcast_in_dim3A = vector.broadcast %get3A_16 : f32 to vector<64x512xf32>
    %broadcast_in_dim3A_189 = vector.broadcast %get3A_6 : f32 to vector<64x512xf32>
    %select_n3A = arith.select %gt3A, %broadcast_in_dim3A, %broadcast_in_dim3A_189 : vector<64x512xi1>, vector<64x512xf32>
    %broadcast_in_dim3A_190 = vector.broadcast %get3A_18 : f32 to vector<64x512xf32>
    %broadcast_in_dim3A_191 = vector.broadcast %get3A_8 : f32 to vector<64x512xf32>
    %select_n3A_192 = arith.select %gt3A, %broadcast_in_dim3A_190, %broadcast_in_dim3A_191 : vector<64x512xi1>, vector<64x512xf32>
    %gt3A_193 = arith.cmpf ogt, %get3A_34, %get3A_24 : vector<64x512xf32>
    %max3A_194 = arith.maximumf %get3A_24, %get3A_34 : vector<64x512xf32>
    %broadcast_in_dim3A_195 = vector.broadcast %get3A_36 : f32 to vector<64x512xf32>
    %broadcast_in_dim3A_196 = vector.broadcast %get3A_26 : f32 to vector<64x512xf32>
    %select_n3A_197 = arith.select %gt3A_193, %broadcast_in_dim3A_195, %broadcast_in_dim3A_196 : vector<64x512xi1>, vector<64x512xf32>
    %broadcast_in_dim3A_198 = vector.broadcast %get3A_38 : f32 to vector<64x512xf32>
    %broadcast_in_dim3A_199 = vector.broadcast %get3A_28 : f32 to vector<64x512xf32>
    %select_n3A_200 = arith.select %gt3A_193, %broadcast_in_dim3A_198, %broadcast_in_dim3A_199 : vector<64x512xi1>, vector<64x512xf32>
    %gt3A_201 = arith.cmpf ogt, %get3A_54, %get3A_44 : vector<64x512xf32>
    %max3A_202 = arith.maximumf %get3A_44, %get3A_54 : vector<64x512xf32>
    %broadcast_in_dim3A_203 = vector.broadcast %get3A_56 : f32 to vector<64x512xf32>
    %broadcast_in_dim3A_204 = vector.broadcast %get3A_46 : f32 to vector<64x512xf32>
    %select_n3A_205 = arith.select %gt3A_201, %broadcast_in_dim3A_203, %broadcast_in_dim3A_204 : vector<64x512xi1>, vector<64x512xf32>
    %broadcast_in_dim3A_206 = vector.broadcast %get3A_58 : f32 to vector<64x512xf32>
    %broadcast_in_dim3A_207 = vector.broadcast %get3A_48 : f32 to vector<64x512xf32>
    %select_n3A_208 = arith.select %gt3A_201, %broadcast_in_dim3A_206, %broadcast_in_dim3A_207 : vector<64x512xi1>, vector<64x512xf32>
    %gt3A_209 = arith.cmpf ogt, %get3A_74, %get3A_64 : vector<64x512xf32>
    %max3A_210 = arith.maximumf %get3A_64, %get3A_74 : vector<64x512xf32>
    %broadcast_in_dim3A_211 = vector.broadcast %get3A_76 : f32 to vector<64x512xf32>
    %broadcast_in_dim3A_212 = vector.broadcast %get3A_66 : f32 to vector<64x512xf32>
    %select_n3A_213 = arith.select %gt3A_209, %broadcast_in_dim3A_211, %broadcast_in_dim3A_212 : vector<64x512xi1>, vector<64x512xf32>
    %broadcast_in_dim3A_214 = vector.broadcast %get3A_78 : f32 to vector<64x512xf32>
    %broadcast_in_dim3A_215 = vector.broadcast %get3A_68 : f32 to vector<64x512xf32>
    %select_n3A_216 = arith.select %gt3A_209, %broadcast_in_dim3A_214, %broadcast_in_dim3A_215 : vector<64x512xi1>, vector<64x512xf32>
    %gt3A_217 = arith.cmpf ogt, %get3A_94, %get3A_84 : vector<64x512xf32>
    %max3A_218 = arith.maximumf %get3A_84, %get3A_94 : vector<64x512xf32>
    %broadcast_in_dim3A_219 = vector.broadcast %get3A_96 : f32 to vector<64x512xf32>
    %broadcast_in_dim3A_220 = vector.broadcast %get3A_86 : f32 to vector<64x512xf32>
    %select_n3A_221 = arith.select %gt3A_217, %broadcast_in_dim3A_219, %broadcast_in_dim3A_220 : vector<64x512xi1>, vector<64x512xf32>
    %broadcast_in_dim3A_222 = vector.broadcast %get3A_98 : f32 to vector<64x512xf32>
    %broadcast_in_dim3A_223 = vector.broadcast %get3A_88 : f32 to vector<64x512xf32>
    %select_n3A_224 = arith.select %gt3A_217, %broadcast_in_dim3A_222, %broadcast_in_dim3A_223 : vector<64x512xi1>, vector<64x512xf32>
    %gt3A_225 = arith.cmpf ogt, %get3A_114, %get3A_104 : vector<64x512xf32>
    %max3A_226 = arith.maximumf %get3A_104, %get3A_114 : vector<64x512xf32>
    %broadcast_in_dim3A_227 = vector.broadcast %get3A_116 : f32 to vector<64x512xf32>
    %broadcast_in_dim3A_228 = vector.broadcast %get3A_106 : f32 to vector<64x512xf32>
    %select_n3A_229 = arith.select %gt3A_225, %broadcast_in_dim3A_227, %broadcast_in_dim3A_228 : vector<64x512xi1>, vector<64x512xf32>
    %broadcast_in_dim3A_230 = vector.broadcast %get3A_118 : f32 to vector<64x512xf32>
    %broadcast_in_dim3A_231 = vector.broadcast %get3A_108 : f32 to vector<64x512xf32>
    %select_n3A_232 = arith.select %gt3A_225, %broadcast_in_dim3A_230, %broadcast_in_dim3A_231 : vector<64x512xi1>, vector<64x512xf32>
    %gt3A_233 = arith.cmpf ogt, %get3A_134, %get3A_124 : vector<64x512xf32>
    %max3A_234 = arith.maximumf %get3A_124, %get3A_134 : vector<64x512xf32>
    %broadcast_in_dim3A_235 = vector.broadcast %get3A_136 : f32 to vector<64x512xf32>
    %broadcast_in_dim3A_236 = vector.broadcast %get3A_126 : f32 to vector<64x512xf32>
    %select_n3A_237 = arith.select %gt3A_233, %broadcast_in_dim3A_235, %broadcast_in_dim3A_236 : vector<64x512xi1>, vector<64x512xf32>
    %broadcast_in_dim3A_238 = vector.broadcast %get3A_138 : f32 to vector<64x512xf32>
    %broadcast_in_dim3A_239 = vector.broadcast %get3A_128 : f32 to vector<64x512xf32>
    %select_n3A_240 = arith.select %gt3A_233, %broadcast_in_dim3A_238, %broadcast_in_dim3A_239 : vector<64x512xi1>, vector<64x512xf32>
    %gt3A_241 = arith.cmpf ogt, %get3A_154, %get3A_144 : vector<64x512xf32>
    %max3A_242 = arith.maximumf %get3A_144, %get3A_154 : vector<64x512xf32>
    %broadcast_in_dim3A_243 = vector.broadcast %get3A_156 : f32 to vector<64x512xf32>
    %broadcast_in_dim3A_244 = vector.broadcast %get3A_146 : f32 to vector<64x512xf32>
    %select_n3A_245 = arith.select %gt3A_241, %broadcast_in_dim3A_243, %broadcast_in_dim3A_244 : vector<64x512xi1>, vector<64x512xf32>
    %broadcast_in_dim3A_246 = vector.broadcast %get3A_158 : f32 to vector<64x512xf32>
    %broadcast_in_dim3A_247 = vector.broadcast %get3A_148 : f32 to vector<64x512xf32>
    %select_n3A_248 = arith.select %gt3A_241, %broadcast_in_dim3A_246, %broadcast_in_dim3A_247 : vector<64x512xi1>, vector<64x512xf32>
    %gt3A_249 = arith.cmpf ogt, %get3A_174, %get3A_164 : vector<64x512xf32>
    %max3A_250 = arith.maximumf %get3A_164, %get3A_174 : vector<64x512xf32>
    %broadcast_in_dim3A_251 = vector.broadcast %get3A_176 : f32 to vector<64x512xf32>
    %broadcast_in_dim3A_252 = vector.broadcast %get3A_166 : f32 to vector<64x512xf32>
    %select_n3A_253 = arith.select %gt3A_249, %broadcast_in_dim3A_251, %broadcast_in_dim3A_252 : vector<64x512xi1>, vector<64x512xf32>
    %broadcast_in_dim3A_254 = vector.broadcast %get3A_178 : f32 to vector<64x512xf32>
    %broadcast_in_dim3A_255 = vector.broadcast %get3A_168 : f32 to vector<64x512xf32>
    %select_n3A_256 = arith.select %gt3A_249, %broadcast_in_dim3A_254, %broadcast_in_dim3A_255 : vector<64x512xi1>, vector<64x512xf32>
    %gt3A_257 = arith.cmpf ogt, %max3A_194, %max3A : vector<64x512xf32>
    %max3A_258 = arith.maximumf %max3A, %max3A_194 : vector<64x512xf32>
    %select_n3A_259 = arith.select %gt3A_257, %select_n3A_197, %select_n3A : vector<64x512xi1>, vector<64x512xf32>
    %select_n3A_260 = arith.select %gt3A_257, %select_n3A_200, %select_n3A_192 : vector<64x512xi1>, vector<64x512xf32>
    %gt3A_261 = arith.cmpf ogt, %max3A_210, %max3A_202 : vector<64x512xf32>
    %max3A_262 = arith.maximumf %max3A_202, %max3A_210 : vector<64x512xf32>
    %select_n3A_263 = arith.select %gt3A_261, %select_n3A_213, %select_n3A_205 : vector<64x512xi1>, vector<64x512xf32>
    %select_n3A_264 = arith.select %gt3A_261, %select_n3A_216, %select_n3A_208 : vector<64x512xi1>, vector<64x512xf32>
    %gt3A_265 = arith.cmpf ogt, %max3A_226, %max3A_218 : vector<64x512xf32>
    %max3A_266 = arith.maximumf %max3A_218, %max3A_226 : vector<64x512xf32>
    %select_n3A_267 = arith.select %gt3A_265, %select_n3A_229, %select_n3A_221 : vector<64x512xi1>, vector<64x512xf32>
    %select_n3A_268 = arith.select %gt3A_265, %select_n3A_232, %select_n3A_224 : vector<64x512xi1>, vector<64x512xf32>
    %gt3A_269 = arith.cmpf ogt, %max3A_242, %max3A_234 : vector<64x512xf32>
    %max3A_270 = arith.maximumf %max3A_234, %max3A_242 : vector<64x512xf32>
    %select_n3A_271 = arith.select %gt3A_269, %select_n3A_245, %select_n3A_237 : vector<64x512xi1>, vector<64x512xf32>
    %select_n3A_272 = arith.select %gt3A_269, %select_n3A_248, %select_n3A_240 : vector<64x512xi1>, vector<64x512xf32>
    %gt3A_273 = arith.cmpf ogt, %get3A_184, %max3A_250 : vector<64x512xf32>
    %max3A_274 = arith.maximumf %max3A_250, %get3A_184 : vector<64x512xf32>
    %broadcast_in_dim3A_275 = vector.broadcast %get3A_186 : f32 to vector<64x512xf32>
    %select_n3A_276 = arith.select %gt3A_273, %broadcast_in_dim3A_275, %select_n3A_253 : vector<64x512xi1>, vector<64x512xf32>
    %broadcast_in_dim3A_277 = vector.broadcast %get3A_188 : f32 to vector<64x512xf32>
    %select_n3A_278 = arith.select %gt3A_273, %broadcast_in_dim3A_277, %select_n3A_256 : vector<64x512xi1>, vector<64x512xf32>
    %gt3A_279 = arith.cmpf ogt, %max3A_262, %max3A_258 : vector<64x512xf32>
    %max3A_280 = arith.maximumf %max3A_258, %max3A_262 : vector<64x512xf32>
    %select_n3A_281 = arith.select %gt3A_279, %select_n3A_263, %select_n3A_259 : vector<64x512xi1>, vector<64x512xf32>
    %select_n3A_282 = arith.select %gt3A_279, %select_n3A_264, %select_n3A_260 : vector<64x512xi1>, vector<64x512xf32>
    %gt3A_283 = arith.cmpf ogt, %max3A_270, %max3A_266 : vector<64x512xf32>
    %max3A_284 = arith.maximumf %max3A_266, %max3A_270 : vector<64x512xf32>
    %select_n3A_285 = arith.select %gt3A_283, %select_n3A_271, %select_n3A_267 : vector<64x512xi1>, vector<64x512xf32>
    %select_n3A_286 = arith.select %gt3A_283, %select_n3A_272, %select_n3A_268 : vector<64x512xi1>, vector<64x512xf32>
    %gt3A_287 = arith.cmpf ogt, %max3A_284, %max3A_280 : vector<64x512xf32>
    %max3A_288 = arith.maximumf %max3A_280, %max3A_284 : vector<64x512xf32>
    %select_n3A_289 = arith.select %gt3A_287, %select_n3A_285, %select_n3A_281 : vector<64x512xi1>, vector<64x512xf32>
    %select_n3A_290 = arith.select %gt3A_287, %select_n3A_286, %select_n3A_282 : vector<64x512xi1>, vector<64x512xf32>
    %gt3A_291 = arith.cmpf ogt, %max3A_274, %max3A_288 : vector<64x512xf32>
    %max3A_292 = arith.maximumf %max3A_288, %max3A_274 : vector<64x512xf32>
    %select_n3A_293 = arith.select %gt3A_291, %select_n3A_276, %select_n3A_289 : vector<64x512xi1>, vector<64x512xf32>
    %select_n3A_294 = arith.select %gt3A_291, %select_n3A_278, %select_n3A_290 : vector<64x512xi1>, vector<64x512xf32>
    %sub3A = arith.subf %max3A_292, %select_n3A_293 : vector<64x512xf32>
    %mul3A = arith.mulf %sub3A, %select_n3A_294 : vector<64x512xf32>
    %swap3A = arith.constant 0 : index
    %swap3A_295 = arith.constant 0 : index
    %swap3A_296 = arith.constant 0 : index
    %swap3A_297 = vector.load %arg5[%swap3A, %swap3A_295, %swap3A_296] : memref<1x64x512xf32, #tpu.memory_space<vmem>>, vector<1x64x512xf32>
    %swap3A_298 = vector.shape_cast %swap3A_297 : vector<1x64x512xf32> to vector<64x512xf32>
    %swap3A_299 = vector.shape_cast %mul3A : vector<64x512xf32> to vector<1x64x512xf32>
    tpu.vector_store %arg5[%swap3A, %swap3A_295, %swap3A_296], %swap3A_299 {strides = array<i32>} : memref<1x64x512xf32, #tpu.memory_space<vmem>>, vector<1x64x512xf32>,
    return
  }
  func.func @transform_0(%arg0: i32, %arg1: i32) -> i32 {
    %c0_i32 = arith.constant 0 : i32
    %c0_i32_0 = arith.constant 0 : i32
    return %c0_i32 : i32
  }
  func.func @transform_1(%arg0: i32, %arg1: i32) -> i32 {
    %c0_i32 = arith.constant 0 : i32
    %c0_i32_0 = arith.constant 0 : i32
    return %c0_i32 : i32
  }
  func.func @transform_2(%arg0: i32, %arg1: i32) -> (i32, i32, i32, i32) {
    %add3A = arith.constant 4 : i32
    %add3A_0 = arith.addi %arg0, %add3A : i32
    %c0_i32 = arith.constant 0 : i32
    %c0_i32_1 = arith.constant 0 : i32
    %c0_i32_2 = arith.constant 0 : i32
    return %add3A_0, %c0_i32, %arg1, %c0_i32_1 : i32, i32, i32, i32
  }
  func.func @transform_3(%arg0: i32, %arg1: i32) -> (i32, i32, i32) {
    %add3A = arith.constant 4 : i32
    %add3A_0 = arith.addi %arg0, %add3A : i32
    %c0_i32 = arith.constant 0 : i32
    %c0_i32_1 = arith.constant 0 : i32
    return %add3A_0, %arg1, %c0_i32 : i32, i32, i32
  }
}

</mosaic_0001>

<sc_bundles>
// kernel: kernel.4.cloned.1.call-start
scs
__scs_entry_jumppad:
0x0: {  	(pc) =	sbr.rel $0x88, $3  }
0x1: {  	(tag) =	ssettag $0x0;
	lr =	simm.s32 $0x1  }
0x2: {  	[smem:$0x3F9E] =	sst lr;
	_ =	strace $0xD0000000  }
0x3: {  	_ = 	snop  }
0x4: {  	_ = 	snop  }
0x5: {  	_ = 	snop  }
0x6: {  	_ = 	snop  }
0x7: {  	_ = 	snop  }
__scs_overlays_trampoline_lowered:
0x8: {  	[smem:$0x3FAD] =	sst s0  }
0x9: {  	[smem:$0x3FAE] =	sst s1  }
0xa: {  	[smem:$0x3FAF] =	sst s2  }
0xb: {  	[smem:$0x3FB0] =	sst s3  }
0xc: {  	[smem:$0x3FB1] =	sst s4  }
0xd: {  	[smem:$0x3FB2] =	sst s5  }
0xe: {  	[smem:$0x3FB3] =	sst s6  }
0xf: {  	[smem:$0x3FB4] =	sst s7  }
0x10: {  	[smem:$0x3FB5] =	sst s8  }
0x11: {  	[smem:$0x3FB6] =	sst s9;
	s0 =	simm.s32 @!p0 $0x0  }
0x12: {  	s1 =	sld [smem:$0x3F9C];
	s0 =	simm.s32 @p0 $0x1  }
0x13: {  	[smem:$0x3FB7] =	sst s0;
	s0 =	simm.s32 @!p1 $0x0  }
0x14: {  	s2 =	sld [smem:$0x3F9B];
	s0 =	simm.s32 @p1 $0x1  }
0x15: {  	[smem:$0x3FB8] =	sst s0;
	s0 =	simm.s32 @!p2 $0x0  }
0x16: {  	s3 =	sld [smem:$0x3FDB];
	s0 =	simm.s32 @p2 $0x1  }
0x17: {  	s4 =	simm.s32 $0x1BF5;
	[smem:$0x3FBA] =	sst s0  }
0x18: {  	s0 =	sld [smem:$0x3F9D];
	_ =	swait.ge [sflag:s4], $0x0  }
0x19: {  	s7 =	sld [smem:$0x3F9E]  }
0x1a: {  	s8 =	sadd.s32 $0xFFFFE003, lr  }
0x1b: {  	s9 =	sadd.s32 $0xFFFFFEF7, lr;
	s5 =	simm.s32 $0xFFFFFFFF;
	p2 =	slt.u32 s8, $0xFFFFF086  }
0x1c: {  	p1 =	slt.u32 s9, $0xF7A;
	s5 =	simm.s32 @!p2 $0x0  }
0x1d: {  	s5 =	simm.s32 @p1 $0x1;
	p0 =	seq.s32 s7, s2  }
0x1e: {  	s7 =	smul.u32 @!p0 $0xF7A, s2;
	p2 =	seq.s32 @!p0 s5, $0x0  }
0x1f: {  	s9 =	smul.u32 $0xF7A, s1;
	s8 =	simm.s32 @!p0 $0x1BF5;
	p2 =	por !p2, p0  }
0x20: {  	[sflag:s8] =	ssyncset.s32 @!p0 $0xFFFFF086;
	s6 =	sadd.s32 @!p0 s3, s7;
	s7 =	simm.s32 @!p0 $0x108  }
0x21: {  	s3 =	sadd.s32 s3, s9;
	s6 =	sadd.s32 @!p0 $0x88, s6;
	s7 =	simm.s32 @p2 $0x1082  }
0x22: {  	[simem:s7], [sflag:s8] =	dma.local @!p0 [hbm:s6], $0xF7A  }
0x23: {  	s9 =	sor.u32 $0xD0000000, s2;
	s6 =	simm.s32 $0x108;
	_ =	swait.ge @!p0 [sflag:s8], $0x0  }
0x24: {  	s3 =	sadd.s32 $0x88, s3;
	s6 =	simm.s32 @!p1 $0x1082;
	[sflag:s4] =	ssyncset.s32 $0xFFFFF086  }
0x25: {  	[simem:s6], [sflag:s4] =	dma.local [hbm:s3], $0xF7A  }
0x26: {  	[smem:$0x3F9E] =	sst s1;
	(tag) =	ssettag s2;
	_ =	strace s9  }
0x27: {  	s1 =	sld [smem:$0x3FAE]  }
0x28: {  	s2 =	sld [smem:$0x3FAF]  }
0x29: {  	s4 =	sld [smem:$0x3FB1]  }
0x2a: {  	p0 =	seq.s32 s5, $0x0;
	s5 =	sld [smem:$0x3FB2]  }
0x2b: {  	s6 =	sld [smem:$0x3FB3]  }
0x2c: {  	s7 =	sld [smem:$0x3FB4]  }
0x2d: {  	s3 =	simm.s32 $0x108;
	s8 =	sld [smem:$0x3FB5]  }
0x2e: {  	s3 =	simm.s32 @!p0 $0x1082;
	s9 =	sld [smem:$0x3FB6]  }
0x2f: {  	lr =	sadd.s32 s0, s3;
	s0 =	sld [smem:$0x3FAD]  }
0x30: {  	s3 =	sld [smem:$0x3FB0]  }
0x31: {  	[smem:$0x3FB9] =	sst s10  }
0x32: {  	s10 =	sld [smem:$0x3FB7];
	_ =	sdelay $0x3  }
0x33: {  	p0 =	seq.s32 s10, $0x1;
	s10 =	sld [smem:$0x3FB9];
	_ =	sdelay $0x3  }
0x34: {  	[smem:$0x3FB9] =	sst s10  }
0x35: {  	s10 =	sld [smem:$0x3FB8];
	_ =	sdelay $0x3  }
0x36: {  	p1 =	seq.s32 s10, $0x1;
	s10 =	sld [smem:$0x3FB9];
	_ =	sdelay $0x3  }
0x37: {  	[smem:$0x3FB9] =	sst s10  }
0x38: {  	s10 =	sld [smem:$0x3FBA]  }
0x39: {  	_ = 	snop;
	(pc) =	sbr.ind lr, $3  }
0x3a: {  	_ = 	snop  }
0x3b: {  	_ = 	snop  }
0x3c: {  	p2 =	seq.s32 s10, $0x1;
	s10 =	sld [smem:$0x3FB9]  }
0x3d: {  	_ =	shalt  }
0x3e: {  	_ =	shalt  }
0x3f: {  	_ =	shalt  }
0x40: {  	_ =	shalt  }
0x41: {  	_ =	shalt  }
0x42: {  	_ =	shalt  }
0x43: {  	_ =	shalt  }
0x44: {  	_ =	shalt  }
0x45: {  	_ =	shalt  }
0x46: {  	_ =	shalt  }
0x47: {  	_ =	shalt  }
0x48: {  	_ =	shalt  }
0x49: {  	_ =	shalt  }
0x4a: {  	_ =	shalt  }
0x4b: {  	_ =	shalt  }
0x4c: {  	_ =	shalt  }
0x4d: {  	_ =	shalt  }
0x4e: {  	_ =	shalt  }
0x4f: {  	_ =	shalt  }
0x50: {  	_ =	shalt  }
0x51: {  	_ =	shalt  }
0x52: {  	_ =	shalt  }
0x53: {  	_ =	shalt  }
0x54: {  	_ =	shalt  }
0x55: {  	_ =	shalt  }
0x56: {  	_ =	shalt  }
0x57: {  	_ =	shalt  }
0x58: {  	_ =	shalt  }
0x59: {  	_ =	shalt  }
0x5a: {  	_ =	shalt  }
0x5b: {  	_ =	shalt  }
0x5c: {  	_ =	shalt  }
0x5d: {  	_ =	shalt  }
0x5e: {  	_ =	shalt  }
0x5f: {  	_ =	shalt  }
0x60: {  	_ =	shalt  }
0x61: {  	_ =	shalt  }
0x62: {  	_ =	shalt  }
0x63: {  	_ =	shalt  }
0x64: {  	_ =	shalt  }
0x65: {  	_ =	shalt  }
0x66: {  	_ =	shalt  }
0x67: {  	_ =	shalt  }
0x68: {  	_ =	shalt  }
0x69: {  	_ =	shalt  }
0x6a: {  	_ =	shalt  }
0x6b: {  	_ =	shalt  }
0x6c: {  	_ =	shalt  }
0x6d: {  	_ =	shalt  }
0x6e: {  	_ =	shalt  }
0x6f: {  	_ =	shalt  }
0x70: {  	_ =	shalt  }
0x71: {  	_ =	shalt  }
0x72: {  	_ =	shalt  }
0x73: {  	_ =	shalt  }
0x74: {  	_ =	shalt  }
0x75: {  	_ =	shalt  }
0x76: {  	_ =	shalt  }
0x77: {  	_ =	shalt  }
0x78: {  	_ =	shalt  }
0x79: {  	_ =	shalt  }
0x7a: {  	_ =	shalt  }
0x7b: {  	_ =	shalt  }
0x7c: {  	_ =	shalt  }
0x7d: {  	_ =	shalt  }
0x7e: {  	_ =	shalt  }
0x7f: {  	_ =	shalt  }
0x80: {  	_ =	shalt  }
0x81: {  	_ =	shalt  }
0x82: {  	_ =	shalt  }
0x83: {  	_ =	shalt  }
0x84: {  	_ =	shalt  }
0x85: {  	_ =	shalt  }
0x86: {  	_ =	shalt  }
0x87: {  	_ =	shalt  }
.Lfunc_end0:
.L_simem_size_0:
called_computation_lowered:
.L_overlay_start_0:
0x88: {  	s2 =	sld [smem:$0x3FD9]  }
0x89: {  	s3 =	sld [smem:$0x3FFE];
	_ =	sdelay $0x1  }
0x8a: {  	s1 =	srdreg.scid  }
0x8b: {  	s0 =	sand.u32 $0x1, s1  }
0x8c: {  	s17 =	sshll.u32 s0, $0xA;
	s2 =	sadd.s32 s3, s2  }
0x8d: {  	s2 =	sadd.s32 s2, s17  }
0x8e: {  	[smem:$0x3FC5] =	sst s2  }
0x8f: {  	_ = 	snop  }
0x90: {  	s2 =	sld [smem:$0x3FC9];
	(tm) =	ssettm $0x1  }
0x91: {  	s18 =	sld [smem:$0x3FFB];
	_ =	sdelay $0x3  }
0x92: {  	_ =	strace s18  }
0x93: {  	s3 =	sld [smem:$0x3FFC];
	_ =	sdelay $0x3  }
0x94: {  	_ =	strace s3  }
0x95: {  	s3 =	sld [smem:$0x3FFD];
	_ =	sdelay $0x3  }
0x96: {  	_ =	strace s3  }
0x97: {  	_ =	strace $0x8FFFFFFF  }
0x98: {  	s19 =	sld [smem:$0x3FDB];
	_ =	sdelay $0x1  }
0x99: {  	s4 =	simm.s32 $_scs_section_size  }
0x9a: {  	s5 =	simm.s32 $_size__tile_overlayer_lowered;
	s6 =	simm.s32 $_tile_overlayer_lowered  }
0x9b: {  	s22 =	simm.s32 $0x1BFF;
	s21 =	sshll.u32 s6, $0x1;
	s3 =	sadd.s32 s4, s19  }
0x9c: {  	s7 =	simm.s32 $0x0;
	s20 =	sshll.u32 s5, $0x1;
	s5 =	sadd.s32 s21, s3  }
0x9d: {  	[timem:s7], [sflag:s22] =	dma.local [hbm:s5], s20  }
0x9e: {  	_ =	swait.ge [sflag:s22], s20  }
0x9f: {  	s4 =	ssub.s32 $0x0, s20;
	[sflag:s22] =	ssyncset.done $0x0  }
0xa0: {  	[sflag:s22] =	ssyncadd.s32 s4;
	_ =	sdelay $0x1  }
0xa1: {  	s23 =	simm.s32 $0x1B8B  }
0xa2: {  	_ =	swait.ge [sflag:s23], $0x1  }
0xa3: {  	[sflag:s23] =	ssyncset.done $0x0  }
0xa4: {  	s25 =	simm.s32 $0x1B8E;
	s24 =	sld [smem:$0x3FFE];
	[sflag:s23] =	ssyncadd.s32 $0xFFFFFFFF  }
0xa5: {  	s26 =	simm.s32 $execute0_lowered;
	[smem:$0x3FD2] =	sst s25  }
0xa6: {  	s5 =	sshll.u32 s26, $0x1;
	_ =	strace $0x80000046;
	[dreg:$0x1] =	wrdreg $0xFFFFFFFF  }
0xa7: {  	s28 =	simm.s32 $_size_execute0_lowered;
	s3 =	sadd.s32 s3, s5;
	[dreg:$0x0] =	wrdreg $0x0  }
0xa8: {  	s5 =	sshll.u32 s28, $0x1;
	[dreg:$0x2] =	wrdreg s3  }
0xa9: {  	[dreg:$0x3] =	wrdreg s5  }
0xaa: {  	[dreg:$0x4] =	wrdreg $0xC0  }
0xab: {  	_ =	task [dreg:s7], $0x5FFFF  }
0xac: {  	[dreg:$0x1] =	wrdreg $0xFFFFFFFF  }
0xad: {  	[dreg:$0x0] =	wrdreg $0x60  }
0xae: {  	[dreg:$0x2] =	wrdreg s2  }
0xaf: {  	[dreg:$0x3] =	wrdreg s24  }
0xb0: {  	[dreg:$0x4] =	wrdreg $0x9  }
0xb1: {  	_ =	task.clear_ibuf [dreg:s7], $0x5FFFF;
	_ =	strace $0x90000046  }
0xb2: {  	s29 =	simm.s32 $0x9;
	_ =	strace $0x80000048  }
0xb3: {  	_ =	swait.ge [sflag:s29], $0x1  }
0xb4: {  	[sflag:s29] =	ssyncadd.s32 $0xFFFFFFFF  }
0xb5: {  	_ =	strace $0x90000048  }
0xb6: {  	_ =	sfence  }
0xb7: {  	s30 =	sld [smem:$0x0];
	_ =	sdelay $0x2  }
0xb8: {  	s31 =	sshll.u32 s1, $0xD;
	s1 =	sshrl.u32 s1, $0x2  }
0xb9: {  	s3 =	sand.u32 $0x4000, s31;
	s1 =	sadd.s32 s1, s30  }
0xba: {  	s0 =	sor.u32 s3, s0;
	s1 =	sshll.u32 s1, $0x11  }
0xbb: {  	s0 =	sor.u32 s1, s0  }
0xbc: {  	s0 =	sadd.s32 $0x8F2B, s0  }
0xbd: {  	[sflag:s0] =	ssyncadd.remote.s32 $0x1  }
0xbe: {  	_ =	sfence.sel $0xFFFF  }
0xbf: {  	[dreg:$0x0] =	wrdreg $0xFFFFFFFF;
	(pc) =	sbr.abs _section_cstart, $3  }
0xc0: {  	[dreg:$0x1] =	wrdreg $0xFFFFFFFF  }
0xc1: {  	_ =	task.clear_ibuf [dreg:s7], $0x2FFFF;
	_ =	strace $0x9FFFFFFF  }
0xc2: {  	(tm) =	ssettm $0x7FFFFFFF  }
0xc3: {  	_ =	shalt  }
tec
execute0_lowered:
.L_overlay_start_1:
0x0: {  	(tag) =	ssettag $0x1  }
0x1: {  	s5 =	rddreg [dreg:$0x0]  }
0x2: {  	s0 =	srdreg.scid;
	s1 =	rddreg [dreg:$0x1]  }
0x3: {  	s4 =	stileid.u32;
	s6 =	simm.s32 $0x0;
	s0 =	sand.u32 $0x1, s0  }
0x4: {  	s2 =	sshll.u32 s4, $0x5;
	s21 =	sshrl.u32 s4, $0x2;
	[smem:$0x7FF] =	sst s6  }
0x5: {  	s24 =	sadd.s32 $0x800, s1;
	s25 =	sshll.u32 s4, $0xD;
	s29 =	sadd.s32 $0x100, s5  }
0x6: {  	s3 =	sshll.u32 s0, $0x4;
	_ =	strace $0x80000047;
	[smem:$0x7F3] =	sst s24  }
0x7: {  	s22 =	smul.u32 $0x4C0000, s21;
	s4 =	sand.u32 $0x18000, s25;
	[smem:$0x7F8] =	sst s29  }
0x8: {  	s0 =	ssub.s32 $0x2, s0;
	s7 =	sor.u32 s3, s2;
	[smem:$0x7F5] =	sst s4  }
0x9: {  	s26 =	sshrl.u32 s0, $0x1;
	s4 =	sadd.s32 s4, s1;
	[smem:$0x7F4] =	sst s22  }
0xa: {  	s1 =	sadd.s32 $0xB00, s1;
	s23 =	sshll.u32 s7, $0xB;
	[smem:$0x7FA] =	sst s7  }
0xb: {  	s0 =	ssub.s32 s0, s26;
	s28 =	sand.u32 $0x70, s7;
	[smem:$0x7FC] =	sst s1  }
0xc: {  	s30 =	sadd.s32 $0xA00, s4;
	s2 =	sand.u32 $0x38000, s23;
	[smem:$0x7F7] =	sst s28  }
0xd: {  	s31 =	sor.u32 $0x2, s7;
	[smem:$0x7F9] =	sst s30;
	s2 =	sor.u32 s22, s2  }
0xe: {  	v1 =	vimm.s32 $0x2;
	[smem:$0x7FB] =	sst s31;
	s0 =	smax.u32 s0, $0x1;
	s2 =	sshrl.u32 s2, $0x3  }
0xf: {  	v2 =	vimm.s32 $0x4;
	v3 =	vimm.s32 $0x6;
	v4 =	vimm.s32 $0x8;
	[smem:$0x7FD] =	sst s0;
	s2 =	sadd.s32 s5, s2  }
0x10: {  	v5 =	vimm.s32 $0xA;
	v6 =	vimm.s32 $0xC;
	v7 =	vimm.s32 $0xE;
	s1 =	simm.s32 $0x0;
	[smem:$0x7F6] =	sst s2  }
.LBB2_1:
0x11: {  	s28 =	sld [smem:$0x7F6]  }
0x12: {  	s0 =	simm.s32 $0x0  }
0x13: {  	s2 =	simm.s32 $0x800;
	s3 =	simm.s32 $0x40000;
	s29 =	sld [smem:$0x7F3]  }
0x14: {  	[tilespmem:s0], [sflag:$0x1] =	stream.strided.gather [hbm4b:s28+s2], $0x9800, s3, s2, $0x38;
	[tilespmem:$0x13C00] =	vst v63  }
0x15: {  	[smem:$0x7F2] =	sst s1;
	s30 =	simm.s32 $0x13800;
	s31 =	simm.s32 $0x3  }
0x16: {  	[tilespmem:s30], [sflag:$0x3] =	stream.linear.gather [hbm4b:s29+s0], $0x400, $0x38;
	[tilespmem:$0x13C00] =	vst v63  }
0x17: {  	_ =	swait.ge [sflag:s31], $0x400  }
0x18: {  	[sflag:s31] =	ssyncset.done $0x0  }
0x19: {  	[sflag:s31] =	ssyncadd.s32 $0xFFFFFC00  }
0x1a: {  	v8 =	vld [tilespmem:$0x13800];
	_ =	sdelay $0x4  }
0x1b: {  	[tilespmem:$0x1FFC0] =	vst v8;
	v8 =	vld [tilespmem:$0x13880];
	_ =	sdelay $0x4  }
0x1c: {  	[tilespmem:$0x1FFD0] =	vst v8;
	v8 =	vld [tilespmem:$0x13900];
	_ =	sdelay $0x4  }
0x1d: {  	[tilespmem:$0x1FFE0] =	vst v8;
	v8 =	vld [tilespmem:$0x13980];
	_ =	sdelay $0x4  }
0x1e: {  	s1 =	simm.s32 $0x0;
	[tilespmem:$0x1FFF0] =	vst v8  }
.LBB2_2:
0x1f: {  	s0 =	sld [smem:$0x7FA];
	_ =	sdelay $0x1  }
0x20: {  	[smem:$0x7EF] =	sst s1;
	s23 =	sshll.u32 s1, $0x1  }
0x21: {  	[smem:$0x7F0] =	sst s23;
	s0 =	sor.u32 s0, s23  }
0x22: {  	s2 =	simm.s32 $0x1;
	[smem:$0x7F1] =	sst s0  }
0x23: {  	_ =	swait.ge [sflag:s2], $0x9800  }
0x24: {  	s24 =	sld [smem:$0x7F4]  }
0x25: {  	s0 =	sshll.u32 s0, $0xB  }
0x26: {  	s0 =	sand.u32 $0x3F000, s0;
	s25 =	sld [smem:$0x7F8]  }
0x27: {  	s26 =	simm.s32 $0x800;
	s28 =	simm.s32 $0x40000;
	s0 =	sor.u32 s24, s0  }
0x28: {  	s3 =	simm.s32 $0x9800;
	[sflag:s2] =	ssyncset.done $0x0;
	s0 =	sshrl.u32 s0, $0x3  }
0x29: {  	s29 =	simm.s32 $0x0;
	[sflag:s2] =	ssyncadd.s32 $0xFFFF6800;
	s0 =	sadd.s32 s0, s25  }
0x2a: {  	[tilespmem:s3], [sflag:$0x2] =	stream.strided.gather [hbm4b:s0+s26], $0x9800, s28, s26, $0x38;
	[tilespmem:$0x13C00] =	vst v63  }
0x2b: {  	s1 =	sand.u32 $0x40, s29;
	s30 =	sand.u32 $0x400, s29;
	s0 =	sand.u32 $0x380, s29  }
0x2c: {  	s31 =	sor.u32 $0x30, s1;
	s14 =	sor.u32 s0, s30  }
0x2d: {  	v8 =	vld [tilespmem:$0x1FFC0];
	s6 =	sor.u32 $0x8000, s14;
	s0 =	sor.u32 s31, s14  }
0x2e: {  	s2 =	sor.u32 $0x8800, s14;
	v12 =	vld [tilespmem:s0+$0x0];
	s4 =	sor.u32 s31, s6  }
0x2f: {  	s21 =	sor.u32 $0x800, s14;
	s9 =	sor.u32 s31, s2;
	v13 =	vld [tilespmem:s4+$0x0]  }
0x30: {  	s29 =	sor.u32 $0x1000, s14;
	s5 =	sor.u32 s31, s21;
	v15 =	vld [tilespmem:s9+$0x0]  }
0x31: {  	s28 =	sor.u32 $0x1800, s14;
	s10 =	sor.u32 s31, s29;
	v16 =	vld [tilespmem:s5+$0x0]  }
0x32: {  	s23 =	sor.u32 $0x2000, s14;
	s11 =	sor.u32 s31, s28;
	v17 =	vld [tilespmem:s10+$0x0]  }
0x33: {  	s20 =	sor.u32 $0x2800, s14;
	s12 =	sor.u32 s31, s23;
	v18 =	vld [tilespmem:s11+$0x0]  }
0x34: {  	s13 =	sor.u32 $0x3000, s14;
	s15 =	sor.u32 s31, s20;
	v19 =	vld [tilespmem:s12+$0x0]  }
0x35: {  	s7 =	sor.u32 $0x5800, s14;
	s16 =	sor.u32 s31, s13;
	v20 =	vld [tilespmem:s15+$0x0]  }
0x36: {  	s24 =	sor.u32 s31, s7;
	v21 =	vld [tilespmem:s16+$0x0]  }
0x37: {  	s12 =	sor.u32 $0x3800, s14;
	v26 =	vld [tilespmem:s24+$0x0];
	s16 =	sor.u32 s1, s21  }
0x38: {  	s11 =	sor.u32 $0x4000, s14;
	s17 =	sor.u32 s31, s12;
	v14 =	vld [tilespmem:s16+$0x0]  }
0x39: {  	s10 =	sor.u32 $0x4800, s14;
	s18 =	sor.u32 s31, s11;
	v22 =	vld [tilespmem:s17+$0x0]  }
0x3a: {  	s9 =	sor.u32 $0x5000, s14;
	s19 =	sor.u32 s31, s10;
	v23 =	vld [tilespmem:s18+$0x0]  }
0x3b: {  	s4 =	sor.u32 $0x6000, s14;
	s22 =	sor.u32 s31, s9;
	v24 =	vld [tilespmem:s19+$0x0]  }
0x3c: {  	s15 =	sor.u32 $0x7000, s14;
	s25 =	sor.u32 s31, s4;
	v25 =	vld [tilespmem:s22+$0x0]  }
0x3d: {  	s5 =	sor.u32 $0x7800, s14;
	s26 =	sor.u32 s31, s15;
	v27 =	vld [tilespmem:s25+$0x0]  }
0x3e: {  	s30 =	sor.u32 s31, s5;
	v29 =	vld [tilespmem:s26+$0x0]  }
0x3f: {  	v30 =	vld [tilespmem:s30+$0x0];
	s18 =	sor.u32 s1, s29  }
0x40: {  	s17 =	sor.u32 $0x6800, s14;
	s30 =	sor.u32 s1, s9;
	v31 =	vld [tilespmem:s18+$0x0]  }
0x41: {  	s8 =	sor.u32 s31, s17;
	v36 =	vld [tilespmem:s30+$0x0]  }
0x42: {  	s18 =	sor.u32 s1, s23;
	v28 =	vld [tilespmem:s8+$0x0]  }
0x43: {  	s19 =	sor.u32 s1, s20;
	v33 =	vld [tilespmem:s18+$0x0]  }
0x44: {  	s22 =	sor.u32 s1, s13;
	vm3 =	vgt.f32 v16, v12;
	vm4 =	vgt.f32 v18, v17;
	v12 =	vmax.f32 v12, v16;
	v16 =	vld [tilespmem:s19+$0x0]  }
0x45: {  	s8 =	sor.u32 $0x9000, s14;
	s18 =	sor.u32 s1, s4;
	vm1 =	vgt.f32 v20, v19;
	v17 =	vmax.f32 v17, v18;
	v18 =	vmax.f32 v19, v20;
	v20 =	vld [tilespmem:s22+$0x0]  }
0x46: {  	v0 =	vimm.s32 $0x0;
	s3 =	sor.u32 s31, s8;
	vm0 =	vgt.f32 v15, v13;
	v13 =	vmax.f32 v13, v15;
	v41 =	vld [tilespmem:s18+$0x0]  }
0x47: {  	s31 =	sor.u32 s1, s28;
	v15 =	vld [tilespmem:s3+$0x0];
	vm5 =	vgt.f32 v22, v21;
	vm6 =	vgt.f32 v24, v23;
	vm2 =	vgt.f32 v26, v25  }
0x48: {  	s22 =	sor.u32 s1, s15;
	v32 =	vld [tilespmem:s31+$0x0];
	vm8 =	vgt.f32 v30, v29;
	v19 =	vmax.f32 v21, v22;
	v21 =	vmax.f32 v23, v24  }
0x49: {  	s24 =	sor.u32 s1, s12;
	v42 =	vld [tilespmem:s22+$0x0];
	v22 =	vmax.f32 v25, v26;
	v25 =	vmax.f32 v29, v30;
	v26 =	vsel vm0, $0x1, v0  }
0x4a: {  	s26 =	sor.u32 s1, s10;
	v24 =	vld [tilespmem:s24+$0x0];
	v29 =	vsel vm4, $0x3, v1;
	v34 =	vsel vm5, $0x7, v3;
	v35 =	vsel vm6, $0x9, v4  }
0x4b: {  	s16 =	sor.u32 $0x10, s1;
	s31 =	sor.u32 s1, s7;
	v30 =	vld [tilespmem:s26+$0x0];
	v37 =	vsel vm2, $0xB, v5;
	v39 =	vsel vm8, $0xF, v7;
	vm2 =	vgt.f32 v19, v18  }
0x4c: {  	s22 =	sor.u32 s16, s13;
	v40 =	vld [tilespmem:s31+$0x0];
	vm7 =	vgt.f32 v28, v27;
	v23 =	vmax.f32 v27, v28;
	v27 =	vsel vm3, $0x1, v0  }
0x4d: {  	s24 =	sor.u32 s1, s5;
	v63 =	vld [tilespmem:s22+$0x0];
	vm3 =	vgt.f32 v22, v21;
	v21 =	vmax.f32 v21, v22;
	v38 =	vsel vm7, $0xD, v6  }
0x4e: {  	s31 =	sor.u32 s16, s23;
	v59 =	vld [tilespmem:s24+$0x0];
	vm4 =	vgt.f32 v25, v23;
	v22 =	vmax.f32 v23, v25;
	v25 =	vsel vm3, v37, v35  }
0x4f: {  	s25 =	sor.u32 s1, s11;
	v60 =	vld [tilespmem:s31+$0x0];
	vm0 =	vgt.f32 v15, v13;
	v13 =	vmax.f32 v13, v15;
	v15 =	vsel vm1, $0x5, v2  }
0x50: {  	s19 =	sor.u32 s1, s17;
	v28 =	vld [tilespmem:s25+$0x0];
	vm1 =	vgt.f32 v17, v12;
	v12 =	vmax.f32 v12, v17;
	v17 =	vmax.f32 v18, v19  }
0x51: {  	s25 =	sor.u32 s16, s21;
	v19 =	vld [tilespmem:s19+$0x0];
	v18 =	vsel vm1, v29, v27;
	v23 =	vsel vm2, v34, v15;
	v27 =	vsel vm4, v39, v38  }
0x52: {  	s19 =	sor.u32 s16, s20;
	vm1 =	vgt.f32 v17, v12;
	v12 =	vmax.f32 v12, v17;
	v17 =	vmax.f32 v21, v22;
	v15 =	vld [tilespmem:s25+$0x0]  }
0x53: {  	s26 =	sor.u32 s16, s29;
	v62 =	vld [tilespmem:s19+$0x0];
	v18 =	vsel vm1, v23, v18;
	vm1 =	vgt.f32 v22, v21;
	v21 =	vmax.f32 v12, v17  }
0x54: {  	s25 =	sor.u32 s16, s11;
	v22 =	vld [tilespmem:s26+$0x0];
	v23 =	vsel vm1, v27, v25;
	vm1 =	vgt.f32 v17, v12;
	vm2 =	vgt.f32 v13, v21  }
0x55: {  	s30 =	sor.u32 s16, s28;
	v47 =	vld [tilespmem:s25+$0x0];
	v17 =	vsel vm0, $0x2, v26;
	v23 =	vsel vm1, v23, v18;
	vm0 =	vmneg vm2  }
0x56: {  	v12 =	vld [tilespmem:s30+$0x0];
	v17 =	vsel vm0, v23, v17  }
0x57: {  	s24 =	sor.u32 s16, s12;
	v23 =	vperm.xlane v8, v17;
	v8 =	vld [tilespmem:$0x1FFD0]  }
0x58: {  	s26 =	sor.u32 s16, s10;
	v13 =	vmax.f32 v21, v13;
	v21 =	vld [tilespmem:s24+$0x0]  }
0x59: {  	s19 =	sor.u32 s16, s4;
	v48 =	vld [tilespmem:s26+$0x0]  }
0x5a: {  	vm9 =	vgt.f32 v16, v33;
	s25 =	sor.u32 s16, s5;
	v26 =	vmax.f32 v33, v16;
	v16 =	vld [tilespmem:s19+$0x0]  }
0x5b: {  	v61 =	vmax.f32 v20, v24;
	vm10 =	vgt.f32 v24, v20;
	v24 =	vld [tilespmem:s25+$0x0]  }
0x5c: {  	s30 =	sor.u32 s16, s9;
	v25 =	vperm.xlane v8, v17;
	v8 =	vld [tilespmem:$0x1FFE0]  }
0x5d: {  	s3 =	sor.u32 $0x20, s1;
	vm8 =	vgt.f32 v32, v31;
	s24 =	sor.u32 s16, s15;
	v50 =	vld [tilespmem:s30+$0x0]  }
0x5e: {  	v44 =	vmax.f32 v36, v40;
	v46 =	vmax.f32 v42, v59;
	vm11 =	vgt.f32 v59, v42;
	s26 =	sor.u32 s3, s21;
	v20 =	vld [tilespmem:s24+$0x0]  }
0x5f: {  	s22 =	sor.u32 s16, s17;
	v10 =	vsel vm10, $0x7, v3;
	v43 =	vmax.f32 v28, v30;
	v18 =	vmax.f32 v31, v32;
	v32 =	vld [tilespmem:s26+$0x0]  }
0x60: {  	v42 =	vsel vm11, $0xF, v7;
	v45 =	vmax.f32 v41, v19;
	vm4 =	vgt.f32 v19, v41;
	v19 =	vld [tilespmem:s22+$0x0]  }
0x61: {  	s20 =	sor.u32 s3, s20;
	v49 =	vmax.f32 v43, v44;
	v23 =	vsel vm0, v23, v25;
	v25 =	vperm.xlane v8, v17;
	v8 =	vld [tilespmem:$0x1FFF0]  }
0x62: {  	s9 =	sor.u32 s3, s9;
	vm1 =	vgt.f32 v40, v36;
	v51 =	vmax.f32 v60, v62;
	vm7 =	vgt.f32 v62, v60;
	v60 =	vld [tilespmem:s20+$0x0]  }
0x63: {  	v40 =	vsel vm8, $0x3, v1;
	v36 =	vsel vm1, $0xB, v5;
	s22 =	sor.u32 s3, s15;
	v62 =	vld [tilespmem:s9+$0x0];
	v27 =	vmax.f32 v22, v12  }
0x64: {  	s13 =	sor.u32 s3, s13;
	vm6 =	vgt.f32 v12, v22;
	v22 =	vmax.f32 v47, v48;
	vm3 =	vgt.f32 v48, v47;
	v48 =	vld [tilespmem:s22+$0x0]  }
0x65: {  	s19 =	sor.u32 s3, s23;
	v38 =	vsel vm4, $0xD, v6;
	vm15 =	vgt.f32 v24, v20;
	v20 =	vmax.f32 v20, v24;
	v24 =	vld [tilespmem:s13+$0x0]  }
0x66: {  	s12 =	sor.u32 s3, s12;
	vm8 =	vgt.f32 v19, v16;
	v16 =	vmax.f32 v16, v19;
	v19 =	vld [tilespmem:s19+$0x0];
	v17 =	vperm.xlane v8, v17  }
0x67: {  	s30 =	sor.u32 s3, s29;
	vm4 =	vgt.f32 v61, v26;
	v13 =	vsub.f32 v13, v23;
	v23 =	vmax.f32 v26, v61;
	v26 =	vld [tilespmem:s12+$0x0]  }
0x68: {  	s31 =	sor.u32 s16, s7;
	vm1 =	vgt.f32 v44, v43;
	v17 =	vsel vm0, v25, v17;
	vm0 =	vgt.f32 v30, v28;
	v28 =	vld [tilespmem:s30+$0x0]  }
0x69: {  	v31 =	vmax.f32 v45, v46;
	vm2 =	vgt.f32 v21, v63;
	v25 =	vmul.f32 v17, v13;
	v13 =	vld [tilespmem:s31+$0x0];
	s31 =	sor.u32 s3, s28  }
0x6a: {  	s11 =	sor.u32 s3, s11;
	v43 =	vsel vm7, $0x5, v2;
	v12 =	vmax.f32 v49, v31;
	v33 =	vsel vm2, $0x7, v3;
	v9 =	vld [tilespmem:s31+$0x0]  }
0x6b: {  	v44 =	vsel vm3, $0x9, v4;
	v56 =	vsel vm15, $0xF, v7;
	v53 =	vmax.f32 v16, v20;
	v61 =	vld [tilespmem:s11+$0x0];
	s12 =	sor.u32 s3, s14  }
0x6c: {  	s7 =	sor.u32 s3, s7;
	v55 =	vsel vm8, $0xD, v6;
	vm2 =	vgt.f32 v20, v16;
	vm3 =	vgt.f32 v60, v19;
	v52 =	vld [tilespmem:s12+$0x0]  }
0x6d: {  	s18 =	sor.u32 s1, s14;
	v30 =	vsel vm9, $0x5, v2;
	v17 =	vmax.f32 v63, v21;
	v11 =	vsel vm0, $0x9, v4;
	v63 =	vld [tilespmem:s7+$0x0]  }
0x6e: {  	s10 =	sor.u32 s3, s10;
	vm0 =	vgt.f32 v46, v45;
	v16 =	vsel vm4, v10, v30;
	v10 =	vld [tilespmem:s18+$0x0];
	vm5 =	vgt.f32 v13, v50  }
0x6f: {  	s4 =	sor.u32 s3, s4;
	v21 =	vmax.f32 v50, v13;
	vm7 =	vgt.f32 v9, v28;
	v54 =	vmax.f32 v28, v9;
	v28 =	vld [tilespmem:s10+$0x0]  }
0x70: {  	s21 =	sor.u32 s3, s17;
	v39 =	vmax.f32 v22, v21;
	v45 =	vsel vm5, $0xB, v5;
	vm5 =	vgt.f32 v21, v22;
	v21 =	vld [tilespmem:s4+$0x0]  }
0x71: {  	s23 =	sor.u32 s3, s5;
	v41 =	vmax.f32 v19, v60;
	v58 =	vsel vm3, $0x5, v2;
	vm8 =	vgt.f32 v26, v24;
	v22 =	vld [tilespmem:s21+$0x0]  }
0x72: {  	v59 =	vsel vm8, $0x7, v3;
	v29 =	vmax.f32 v51, v17;
	v50 =	vsel vm6, $0x3, v1;
	v9 =	vld [tilespmem:s23+$0x0]  }
0x73: {  	vm6 =	vgt.f32 v17, v51;
	v17 =	vmax.f32 v24, v26;
	v26 =	vmax.f32 v62, v63  }
0x74: {  	v19 =	vmax.f32 v41, v17;
	v13 =	vmax.f32 v39, v53;
	v57 =	vsel vm7, $0x3, v1  }
0x75: {  	s25 =	sor.u32 s1, s2;
	vm7 =	vgt.f32 v32, v52;
	vm3 =	vgt.f32 v28, v61;
	v20 =	vmax.f32 v61, v28  }
0x76: {  	v34 =	vld [tilespmem:s25+$0x0];
	s28 =	sor.u32 s16, s2;
	s2 =	sor.u32 s3, s2;
	vm4 =	vgt.f32 v22, v21;
	v60 =	vmax.f32 v21, v22;
	v21 =	vsel vm6, v33, v43  }
0x77: {  	s24 =	sor.u32 s1, s6;
	v47 =	vld [tilespmem:s2+$0x0];
	v22 =	vsel vm5, v45, v44;
	v37 =	vmax.f32 v48, v9;
	vm5 =	vgt.f32 v14, v10  }
0x78: {  	s29 =	sor.u32 s3, s6;
	v28 =	vld [tilespmem:s24+$0x0];
	v14 =	vmax.f32 v10, v14;
	v10 =	vmax.f32 v52, v32;
	v24 =	vsel vm3, $0x9, v4  }
0x79: {  	s11 =	sor.u32 s16, s14;
	v44 =	vld [tilespmem:s29+$0x0];
	vm3 =	vgt.f32 v17, v41;
	v17 =	vsel vm1, v36, v11;
	vm1 =	vgt.f32 v63, v62  }
0x7a: {  	v11 =	vld [tilespmem:s11+$0x0];
	v46 =	vmax.f32 v60, v37;
	v30 =	vsel vm1, $0xB, v5;
	vm1 =	vgt.f32 v26, v20  }
0x7b: {  	s26 =	sor.u32 s16, s6;
	v45 =	vld [tilespmem:s28+$0x0];
	v26 =	vmax.f32 v20, v26;
	v20 =	vsel vm0, v42, v38;
	v42 =	vsel vm4, $0xD, v6  }
0x7c: {  	v41 =	vld [tilespmem:s26+$0x0];
	vm4 =	vgt.f32 v9, v48;
	v9 =	vmax.f32 v14, v18;
	v48 =	vmax.f32 v10, v54  }
0x7d: {  	vm0 =	vgt.f32 v31, v49;
	v38 =	vmax.f32 v9, v23;
	v31 =	vmax.f32 v48, v19  }
0x7e: {  	v32 =	vmax.f32 v26, v46;
	v52 =	vsel vm4, $0xF, v7;
	vm4 =	vgt.f32 v23, v9  }
0x7f: {  	v43 =	vmax.f32 v28, v34;
	v35 =	vmax.f32 v44, v47;
	vm6 =	vgt.f32 v15, v11  }
0x80: {  	v15 =	vmax.f32 v11, v15;
	v11 =	vsel vm5, $0x1, v0;
	vm5 =	vgt.f32 v18, v14  }
0x81: {  	v36 =	vmax.f32 v41, v45;
	v18 =	vmax.f32 v38, v12;
	v14 =	vmax.f32 v31, v32  }
0x82: {  	v61 =	vmax.f32 v15, v27;
	v62 =	vsel vm6, $0x1, v0;
	vm8 =	vgt.f32 v27, v15  }
0x83: {  	s31 =	sor.u32 s3, s8;
	v27 =	vsel vm7, $0x1, v0;
	vm7 =	vgt.f32 v54, v10;
	vm6 =	vgt.f32 v37, v60  }
0x84: {  	s1 =	sor.u32 s1, s8;
	[tilespmem:s0+$0x13000] =	vst v25;
	v25 =	vld [tilespmem:s31+$0x0];
	v51 =	vsel vm5, v40, v11;
	vm5 =	vgt.f32 v53, v39;
	v39 =	vsel vm3, v59, v58  }
0x85: {  	s30 =	sor.u32 s16, s8;
	s3 =	simm.s32 $0x20;
	v37 =	vld [tilespmem:s1+$0x0];
	v33 =	vmax.f32 v61, v29;
	v49 =	vsel vm8, v50, v62;
	v50 =	vsel vm2, v56, v55  }
0x86: {  	s0 =	simm.s32 $0x200;
	s21 =	simm.s32 $0x0;
	v40 =	vld [tilespmem:s30+$0x0];
	s1 =	simm.s32 $0x40;
	vm2 =	vgt.f32 v29, v61;
	v29 =	vsel vm7, v57, v27;
	v15 =	vmax.f32 v33, v13  }
.LBB2_3:
0x87: {  	[dreg:$0x4] =	wrdreg s3  }
0x88: {  	s4 =	rddreg [dreg:$0x4]  }
0x89: {  	s2 =	sand.u32 $0x40, s1;
	s14 =	sand.u32 $0x400, s0;
	s4 =	sand.u32 $0x380, s4  }
0x8a: {  	s7 =	sor.u32 $0x30, s2;
	s5 =	sor.u32 s4, s14  }
0x8b: {  	s8 =	sor.u32 $0x10, s2;
	s20 =	sor.u32 $0x8000, s5;
	s3 =	sor.u32 s7, s5  }
0x8c: {  	v30 =	vsel vm1, v30, v24;
	s4 =	sor.u32 s2, s5;
	s16 =	sor.u32 $0x8800, s5;
	s6 =	sor.u32 s8, s5  }
0x8d: {  	v42 =	vsel vm6, v52, v42;
	vm7 =	vgt.f32 v19, v48;
	vm11 =	vgt.f32 v46, v26;
	v8 =	vld [tilespmem:$0x1FFC0];
	s9 =	sor.u32 $0x1800, s5;
	s31 =	sor.u32 $0x4000, s5;
	[dreg:$0x6] =	wrdreg s3  }
0x8e: {  	vm8 =	vgt.f32 v34, v28;
	vm6 =	vgt.f32 v45, v41;
	vm10 =	vgt.f32 v47, v44;
	[dreg:$0x7] =	wrdreg s4;
	v19 =	vld [tilespmem:s3+$0x0];
	s15 =	sor.u32 s7, s20;
	s3 =	sor.u32 $0x800, s5  }
0x8f: {  	v26 =	vsel vm4, v16, v51;
	v28 =	vsel vm0, v20, v17;
	vm9 =	vgt.f32 v12, v38;
	v9 =	vld [tilespmem:$0x1FFD0];
	[dreg:$0x8] =	wrdreg s6;
	s17 =	sor.u32 s7, s16;
	s4 =	sor.u32 $0x1000, s5  }
0x90: {  	v12 =	vsel vm2, v21, v49;
	v21 =	vsel vm5, v50, v22;
	vm2 =	vgt.f32 v13, v33;
	v10 =	vld [tilespmem:$0x1FFE0];
	s24 =	sor.u32 s2, s9;
	s25 =	sor.u32 s7, s9;
	s10 =	sor.u32 s7, s3  }
0x91: {  	v0 =	vimm.s32 $0x0;
	v29 =	vsel vm7, v39, v29;
	v30 =	vsel vm11, v42, v30;
	v17 =	vld [tilespmem:s17+$0x0];
	s22 =	sor.u32 s2, s4;
	s23 =	sor.u32 s7, s4;
	[smem:$0x7D9] =	sst s24  }
0x92: {  	v56 =	vsel vm8, $0x1, v0;
	vm7 =	vgt.f32 v32, v31;
	v31 =	vsel vm6, $0x1, v0;
	v20 =	vld [tilespmem:s25+$0x0];
	s25 =	sor.u32 $0x3800, s5;
	s24 =	sor.u32 s2, s31;
	[smem:$0x7D8] =	sst s22  }
0x93: {  	v57 =	vsel vm10, $0x1, v0;
	v26 =	vsel vm9, v28, v26;
	v12 =	vsel vm2, v21, v12;
	v16 =	vld [tilespmem:s10+$0x0];
	s10 =	sor.u32 $0x2000, s5;
	s22 =	sor.u32 $0x3000, s5;
	s17 =	sor.u32 s2, s25  }
0x94: {  	v29 =	vsel vm7, v30, v29;
	v55 =	vmax.f32 v43, v37;
	v27 =	vmax.f32 v36, v40;
	v13 =	vld [tilespmem:s23+$0x0];
	s23 =	sor.u32 s7, s25;
	[smem:$0x7DE] =	sst s24;
	s13 =	sor.u32 s2, s10  }
0x95: {  	v11 =	vld [tilespmem:$0x1FFF0];
	v24 =	vmax.f32 v35, v25;
	vm5 =	vgt.f32 v37, v43;
	vm6 =	vgt.f32 v40, v36;
	s26 =	sor.u32 s7, s10;
	s29 =	sor.u32 s2, s22;
	s30 =	sor.u32 s7, s22  }
0x96: {  	vm1 =	vgt.f32 v55, v18;
	vm3 =	vgt.f32 v27, v15;
	vm4 =	vgt.f32 v24, v14;
	[smem:$0x7DD] =	sst s17;
	v30 =	vld [tilespmem:s23+$0x0];
	s17 =	smov.u32 s18;
	s18 =	sor.u32 $0x5000, s5  }
0x97: {  	v31 =	vsel vm6, $0x2, v31;
	vm0 =	vmneg vm1;
	vm1 =	vmneg vm3;
	s23 =	sor.u32 $0x5800, s5;
	[smem:$0x7DA] =	sst s13;
	s13 =	sor.u32 $0x2800, s5;
	v22 =	vld [tilespmem:s26+$0x0]  }
0x98: {  	v21 =	vsel vm5, $0x2, v56;
	v15 =	vmax.f32 v15, v27;
	v12 =	vsel vm1, v12, v31;
	[smem:$0x7DC] =	sst s29;
	v28 =	vld [tilespmem:s30+$0x0];
	s30 =	sor.u32 $0x4800, s5;
	s26 =	sor.u32 s7, s31  }
0x99: {  	v23 =	vld [tilespmem:s15+$0x0];
	vm3 =	vgt.f32 v25, v35;
	v60 =	vperm.xlane v8, v12;
	v61 =	vperm.xlane v9, v12;
	s24 =	sor.u32 s2, s18;
	s15 =	sor.u32 s2, s13;
	s28 =	sor.u32 s7, s13  }
0x9a: {  	vm2 =	vmneg vm4;
	v21 =	vsel vm0, v26, v21;
	v26 =	vsel vm3, $0x2, v57;
	v31 =	vld [tilespmem:s26+$0x0];
	s29 =	sor.u32 s7, s30;
	[smem:$0x7E0] =	sst s24;
	s26 =	sor.u32 s7, s18  }
0x9b: {  	v48 =	vperm.xlane v10, v12;
	v12 =	vperm.xlane v11, v12;
	s24 =	sor.u32 $0x6000, s5;
	v34 =	vsel vm1, v60, v61;
	[smem:$0x7DB] =	sst s15;
	v25 =	vld [tilespmem:s28+$0x0];
	s28 =	sor.u32 s2, s30  }
0x9c: {  	v26 =	vsel vm2, v29, v26;
	v29 =	vld [tilespmem:s29+$0x0];
	s29 =	sor.u32 s7, s23;
	v15 =	vsub.f32 v15, v34;
	[smem:$0x7DF] =	sst s28;
	s28 =	sor.u32 s2, s23  }
0x9d: {  	v12 =	vsel vm1, v48, v12;
	v62 =	vld [tilespmem:s26+$0x0];
	s26 =	sor.u32 $0x6800, s5;
	[smem:$0x7E1] =	sst s28;
	s28 =	sor.u32 s2, s24  }
0x9e: {  	v45 =	vld [tilespmem:s29+$0x0];
	s29 =	sor.u32 s7, s24;
	v15 =	vmul.f32 v12, v15;
	[smem:$0x7E2] =	sst s28;
	s28 =	sor.u32 s2, s26  }
0x9f: {  	s6 =	sor.u32 s7, s26;
	[smem:$0x7E3] =	sst s28;
	s28 =	sor.u32 $0x7000, s5  }
0xa0: {  	v47 =	vld [tilespmem:s29+$0x0];
	[tilespmem:s11+$0x13000] =	vst v15;
	s11 =	sld [smem:$0x7DB];
	s29 =	sor.u32 s2, s28;
	s15 =	sor.u32 s7, s28  }
0xa1: {  	[smem:$0x7E4] =	sst s29;
	s29 =	sor.u32 $0x7800, s5;
	v50 =	vld [tilespmem:s15+$0x0];
	s15 =	sor.u32 s8, s4  }
0xa2: {  	v49 =	vld [tilespmem:s6+$0x0];
	s6 =	sor.u32 s2, s29;
	[smem:$0x7E7] =	sst s15  }
0xa3: {  	s15 =	sor.u32 s8, s9;
	[smem:$0x7E5] =	sst s6  }
0xa4: {  	s14 =	sor.u32 $0x20, s2;
	s6 =	sor.u32 s8, s3;
	[smem:$0x7E8] =	sst s15  }
0xa5: {  	s19 =	sor.u32 s2, s3;
	s15 =	sor.u32 s8, s10;
	[smem:$0x7E6] =	sst s6  }
0xa6: {  	s3 =	sor.u32 s14, s3;
	s6 =	smov.u32 s1;
	[smem:$0x7E9] =	sst s15  }
0xa7: {  	v63 =	vperm.xlane v8, v26;
	v44 =	vperm.xlane v9, v26;
	s15 =	sor.u32 s8, s13;
	[dreg:$0x18] =	wrdreg s3;
	s3 =	sor.u32 s14, s4  }
0xa8: {  	v18 =	vmax.f32 v18, v55;
	v58 =	vperm.xlane v8, v21;
	v59 =	vperm.xlane v9, v21;
	s4 =	sor.u32 s14, s10;
	s10 =	sor.u32 s14, s13;
	s13 =	sld [smem:$0x7DD]  }
0xa9: {  	v14 =	vmax.f32 v14, v24;
	v46 =	vperm.xlane v10, v21;
	v33 =	vsel vm2, v63, v44;
	s1 =	smov.u32 s0;
	[smem:$0x7EA] =	sst s15;
	s15 =	sor.u32 s8, s22  }
0xaa: {  	v21 =	vperm.xlane v11, v21;
	v32 =	vsel vm0, v58, v59;
	v51 =	vsub.f32 v14, v33;
	v14 =	vld [tilespmem:s19+$0x0];
	s0 =	smov.u32 s12;
	s12 =	sor.u32 s7, s29;
	[smem:$0x7EB] =	sst s15  }
0xab: {  	v27 =	vperm.xlane v10, v26;
	v26 =	vperm.xlane v11, v26;
	v18 =	vsub.f32 v18, v32;
	s19 =	sor.u32 $0x9000, s5;
	v24 =	vld [tilespmem:s12+$0x0];
	s12 =	sor.u32 s8, s31;
	s15 =	sld [smem:$0x7D8]  }
0xac: {  	v21 =	vsel vm0, v46, v21;
	vm0 =	vgt.f32 v17, v23;
	v23 =	vmax.f32 v23, v17;
	[smem:$0x7EC] =	sst s12;
	s12 =	sor.u32 s7, s19;
	s7 =	sor.u32 s8, s30  }
0xad: {  	vm3 =	vgt.f32 v16, v19;
	vm4 =	vgt.f32 v20, v13;
	v18 =	vmul.f32 v21, v18;
	[smem:$0x7ED] =	sst s7  }
0xae: {  	v21 =	vsel vm2, v27, v26;
	v52 =	vsel vm4, $0x3, v1;
	vm5 =	vgt.f32 v30, v28;
	s7 =	sor.u32 s8, s18;
	v27 =	vld [tilespmem:s12+$0x0];
	s12 =	sld [smem:$0x7D9]  }
0xaf: {  	v26 =	vmul.f32 v21, v51;
	v15 =	vmax.f32 v19, v16;
	v54 =	vsel vm5, $0x7, v3;
	[smem:$0x7EE] =	sst s7;
	s7 =	sor.u32 s8, s23  }
0xb0: {  	vm1 =	vgt.f32 v25, v22;
	vm6 =	vgt.f32 v29, v31;
	v19 =	vmax.f32 v22, v25;
	v12 =	vld [tilespmem:s15+$0x0];
	[dreg:$0x1f] =	wrdreg s7;
	[tilespmem:s17+$0x13000] =	vst v18;
	s17 =	sor.u32 s8, s26  }
0xb1: {  	v22 =	vmax.f32 v31, v29;
	v29 =	vsel vm0, $0x1, v0;
	v31 =	vsel vm3, $0x1, v0;
	v17 =	vld [tilespmem:s12+$0x0];
	[dreg:$0x1c] =	wrdreg s17  }
0xb2: {  	vm2 =	vgt.f32 v45, v62;
	s15 =	sor.u32 s8, s25;
	v18 =	vmax.f32 v13, v20;
	v20 =	vmax.f32 v28, v30;
	s12 =	sld [smem:$0x7DA];
	v28 =	vld [tilespmem:s13+$0x0];
	s13 =	sor.u32 s14, s25  }
0xb3: {  	v25 =	vmax.f32 v62, v45;
	v53 =	vsel vm1, $0x5, v2;
	v55 =	vsel vm6, $0x9, v4;
	s25 =	sor.u32 s14, s31;
	s31 =	sor.u32 s14, s18;
	s18 =	sld [smem:$0x7E0]  }
0xb4: {  	vm7 =	vgt.f32 v49, v47;
	v56 =	vsel vm2, $0xB, v5;
	vm3 =	vgt.f32 v25, v22;
	v16 =	vld [tilespmem:s11+$0x0];
	s11 =	sor.u32 s14, s23;
	s23 =	sld [smem:$0x7E1]  }
0xb5: {  	v22 =	vmax.f32 v22, v25;
	v57 =	vsel vm7, $0xD, v6;
	[tilespmem:s0+$0x13000] =	vst v26;
	v26 =	vmax.f32 v47, v49;
	s17 =	sor.u32 s8, s28;
	v63 =	vld [tilespmem:s15+$0x0];
	s15 =	sld [smem:$0x7EE]  }
0xb6: {  	vm8 =	vgt.f32 v24, v50;
	v24 =	vmax.f32 v50, v24;
	vm1 =	vgt.f32 v18, v15;
	[dreg:$0x1b] =	wrdreg s17  }
0xb7: {  	vm2 =	vgt.f32 v20, v19;
	v15 =	vmax.f32 v15, v18;
	v18 =	vmax.f32 v19, v20;
	[dreg:$0x12] =	wrdreg s31  }
0xb8: {  	s17 =	sor.u32 s8, s29;
	[dreg:$0xf] =	wrdreg s11;
	v58 =	vsel vm8, $0xF, v7;
	vm4 =	vgt.f32 v24, v26;
	v20 =	vsel vm1, v52, v31  }
0xb9: {  	v24 =	vmax.f32 v26, v24;
	v25 =	vsel vm2, v54, v53;
	v31 =	vsel vm3, v56, v55;
	[dreg:$0x1d] =	wrdreg s17;
	v21 =	vld [tilespmem:s12+$0x0]  }
0xba: {  	vm1 =	vgt.f32 v18, v15;
	v15 =	vmax.f32 v15, v18;
	s17 =	sor.u32 s14, s30;
	vm0 =	vgt.f32 v27, v23;
	s30 =	sld [smem:$0x7DE];
	v36 =	vld [tilespmem:s18+$0x0]  }
0xbb: {  	s9 =	sor.u32 s14, s9;
	v23 =	vmax.f32 v23, v27;
	v59 =	vsel vm4, v58, v57;
	v60 =	vmax.f32 v22, v24;
	s12 =	sld [smem:$0x7DC];
	v40 =	vld [tilespmem:s23+$0x0]  }
0xbc: {  	s22 =	sor.u32 s14, s22;
	s7 =	sor.u32 s8, s24;
	s11 =	sld [smem:$0x7E3];
	v20 =	vsel vm1, v25, v20;
	vm1 =	vgt.f32 v24, v22;
	v22 =	vmax.f32 v15, v60;
	v58 =	vld [tilespmem:s15+$0x0]  }
0xbd: {  	v25 =	vsel vm1, v59, v31;
	vm1 =	vgt.f32 v60, v15;
	vm2 =	vgt.f32 v23, v22;
	v30 =	vld [tilespmem:s30+$0x0];
	s30 =	sor.u32 s14, s28;
	s28 =	sor.u32 s14, s29;
	s29 =	sld [smem:$0x7E2]  }
0xbe: {  	s31 =	sor.u32 s14, s24;
	s24 =	sor.u32 s2, s16;
	v29 =	vsel vm0, $0x2, v29;
	v20 =	vsel vm1, v25, v20;
	vm0 =	vmneg vm2;
	v13 =	vld [tilespmem:s12+$0x0];
	s12 =	sld [smem:$0x7DF]  }
0xbf: {  	[dreg:$0x11] =	wrdreg s17;
	s17 =	sor.u32 s14, s26;
	s26 =	sor.u32 s2, s20;
	v60 =	vld [tilespmem:s9+$0x0];
	v20 =	vsel vm0, v20, v29  }
0xc0: {  	s23 =	sor.u32 s8, s16;
	s2 =	sor.u32 s2, s19;
	[dreg:$0x10] =	wrdreg s17;
	v25 =	vperm.xlane v8, v20;
	v53 =	vperm.xlane v9, v20;
	v41 =	vld [tilespmem:s29+$0x0]  }
0xc1: {  	s17 =	sor.u32 s8, s19;
	v9 =	vperm.xlane v10, v20;
	v20 =	vperm.xlane v11, v20;
	s29 =	sld [smem:$0x7E4];
	v27 =	vld [tilespmem:s12+$0x0];
	s12 =	sor.u32 s14, s5  }
0xc2: {  	v19 =	vld [tilespmem:s11+$0x0];
	s5 =	sor.u32 s8, s20;
	s8 =	sor.u32 s14, s16;
	s16 =	rddreg [dreg:$0x7]  }
0xc3: {  	s20 =	sor.u32 s14, s20;
	s14 =	sor.u32 s14, s19;
	s19 =	rddreg [dreg:$0x8];
	v20 =	vsel vm0, v9, v20;
	v9 =	vld [tilespmem:s25+$0x0]  }
0xc4: {  	s18 =	smov.u32 s16;
	s16 =	sld [smem:$0x7E5];
	v26 =	vld [tilespmem:s29+$0x0]  }
0xc5: {  	s11 =	smov.u32 s19;
	s19 =	sld [smem:$0x7E6];
	v52 =	vmax.f32 v13, v28;
	vm8 =	vgt.f32 v28, v13;
	v13 =	vld [tilespmem:s7+$0x0]  }
0xc6: {  	s29 =	sld [smem:$0x7E7];
	v28 =	vld [tilespmem:s3+$0x0]  }
0xc7: {  	v33 =	vld [tilespmem:s16+$0x0];
	s16 =	sld [smem:$0x7E8]  }
0xc8: {  	v22 =	vmax.f32 v22, v23;
	v18 =	vld [tilespmem:s19+$0x0];
	s19 =	sld [smem:$0x7E9]  }
0xc9: {  	v15 =	vmax.f32 v12, v17;
	vm1 =	vgt.f32 v17, v12;
	v23 =	vsel vm0, v25, v53;
	v24 =	vld [tilespmem:s29+$0x0];
	s29 =	sld [smem:$0x7EA]  }
0xca: {  	v39 =	vsel vm1, $0x3, v1;
	v32 =	vmax.f32 v21, v16;
	v22 =	vsub.f32 v22, v23;
	v31 =	vld [tilespmem:s16+$0x0];
	s16 =	sld [smem:$0x7EB]  }
0xcb: {  	v55 =	vmax.f32 v36, v40;
	vm3 =	vgt.f32 v16, v21;
	vm12 =	vgt.f32 v40, v36;
	v61 =	vld [tilespmem:s19+$0x0];
	s19 =	sld [smem:$0x7EC]  }
0xcc: {  	v36 =	vsel vm12, $0xB, v5;
	v23 =	vmax.f32 v32, v52;
	v20 =	vmul.f32 v20, v22;
	v29 =	vld [tilespmem:s29+$0x0]  }
0xcd: {  	v10 =	vmax.f32 v41, v19;
	vm13 =	vgt.f32 v19, v41;
	v54 =	vmax.f32 v30, v27;
	s29 =	sld [smem:$0x7ED];
	v62 =	vld [tilespmem:s16+$0x0]  }
0xce: {  	s25 =	rddreg [dreg:$0x12];
	vm0 =	vgt.f32 v27, v30;
	v30 =	vsel vm8, $0x7, v3;
	v11 =	vmax.f32 v26, v33;
	v56 =	vld [tilespmem:s19+$0x0]  }
0xcf: {  	s7 =	rddreg [dreg:$0x1b];
	v34 =	vsel vm0, $0x9, v4;
	v21 =	vmax.f32 v10, v11;
	vm0 =	vgt.f32 v11, v10;
	v10 =	vld [tilespmem:s25+$0x0]  }
0xd0: {  	v40 =	vsel vm13, $0xD, v6;
	v37 =	vmax.f32 v54, v55;
	vm1 =	vgt.f32 v55, v54;
	s16 =	rddreg [dreg:$0x1f];
	v57 =	vld [tilespmem:s29+$0x0]  }
0xd1: {  	v51 =	vmax.f32 v28, v60;
	vm14 =	vgt.f32 v33, v26;
	v26 =	vsel vm3, $0x5, v2;
	s19 =	rddreg [dreg:$0x6];
	v16 =	vld [tilespmem:s16+$0x0]  }
0xd2: {  	vm3 =	vgt.f32 v52, v32;
	v43 =	vsel vm14, $0xF, v7;
	[tilespmem:s19+$0x13000] =	vst v20;
	s29 =	rddreg [dreg:$0x1c];
	v20 =	vld [tilespmem:s7+$0x0];
	v12 =	vmax.f32 v37, v21  }
0xd3: {  	s15 =	rddreg [dreg:$0x1d];
	v25 =	vmax.f32 v24, v31;
	v19 =	vld [tilespmem:s29+$0x0];
	vm6 =	vgt.f32 v31, v24;
	v59 =	vmax.f32 v61, v29  }
0xd4: {  	v24 =	vld [tilespmem:s15+$0x0];
	vm7 =	vgt.f32 v29, v61;
	v50 =	vsel vm6, $0x3, v1;
	vm6 =	vgt.f32 v60, v28  }
0xd5: {  	v11 =	vld [tilespmem:s31+$0x0];
	v38 =	vsel vm7, $0x5, v2;
	v17 =	vmax.f32 v62, v63;
	vm2 =	vgt.f32 v63, v62  }
0xd6: {  	v61 =	vld [tilespmem:s4+$0x0];
	v27 =	vmax.f32 v59, v17;
	v22 =	vmax.f32 v56, v57;
	vm4 =	vgt.f32 v57, v56  }
0xd7: {  	v62 =	vld [tilespmem:s22+$0x0];
	vm5 =	vgt.f32 v16, v58;
	v16 =	vmax.f32 v58, v16;
	v33 =	vsel vm2, $0x7, v3  }
0xd8: {  	v63 =	vld [tilespmem:s13+$0x0];
	s22 =	rddreg [dreg:$0x11];
	v56 =	vsel vm6, $0x3, v1;
	v29 =	vmax.f32 v22, v16;
	vm8 =	vgt.f32 v19, v13  }
0xd9: {  	v28 =	vld [tilespmem:s22+$0x0];
	v19 =	vmax.f32 v13, v19;
	vm15 =	vgt.f32 v24, v20;
	v20 =	vmax.f32 v20, v24  }
0xda: {  	s31 =	rddreg [dreg:$0x10];
	v24 =	vld [tilespmem:s10+$0x0];
	v44 =	vsel vm4, $0x9, v4;
	v45 =	vsel vm5, $0xB, v5;
	vm5 =	vgt.f32 v17, v59  }
0xdb: {  	v52 =	vld [tilespmem:s31+$0x0];
	s29 =	rddreg [dreg:$0xf];
	vm4 =	vgt.f32 v16, v22;
	v16 =	vsel vm3, v30, v26;
	v53 =	vmax.f32 v19, v20  }
0xdc: {  	v22 =	vld [tilespmem:s29+$0x0];
	v54 =	vsel vm8, $0xD, v6;
	v55 =	vsel vm15, $0xF, v7;
	vm2 =	vgt.f32 v20, v19  }
0xdd: {  	s16 =	rddreg [dreg:$0x18];
	v13 =	vmax.f32 v29, v53;
	vm8 =	vgt.f32 v63, v62;
	v17 =	vmax.f32 v62, v63  }
0xde: {  	v31 =	vld [tilespmem:s16+$0x0];
	v58 =	vsel vm8, $0x7, v3;
	vm6 =	vgt.f32 v28, v9;
	v20 =	vmax.f32 v9, v28  }
0xdf: {  	v60 =	vld [tilespmem:s30+$0x0];
	vm7 =	vgt.f32 v24, v61;
	v41 =	vmax.f32 v61, v24;
	v24 =	vsel vm6, $0x9, v4  }
0xe0: {  	v62 =	vld [tilespmem:s18+$0x0];
	vm6 =	vgt.f32 v52, v11;
	v57 =	vsel vm7, $0x5, v2;
	v19 =	vmax.f32 v41, v17  }
0xe1: {  	v63 =	vld [tilespmem:s11+$0x0];
	vm3 =	vgt.f32 v17, v41;
	v17 =	vsel vm1, v36, v34;
	vm1 =	vgt.f32 v22, v10  }
0xe2: {  	v9 =	vld [tilespmem:s12+$0x0];
	v22 =	vmax.f32 v10, v22;
	v10 =	vmax.f32 v11, v52;
	v42 =	vsel vm6, $0xD, v6  }
0xe3: {  	v61 =	vld [tilespmem:s28+$0x0];
	v30 =	vsel vm1, $0xB, v5;
	vm1 =	vgt.f32 v22, v20;
	v26 =	vmax.f32 v20, v22  }
0xe4: {  	v20 =	vsel vm0, v43, v40;
	vm0 =	vgt.f32 v21, v37;
	v21 =	vsel vm5, v33, v38  }
0xe5: {  	v22 =	vsel vm4, v45, v44;
	vm5 =	vgt.f32 v14, v62;
	v14 =	vmax.f32 v62, v14  }
0xe6: {  	vm6 =	vgt.f32 v18, v63;
	v18 =	vmax.f32 v63, v18;
	v59 =	vmax.f32 v14, v15  }
0xe7: {  	v28 =	vld [tilespmem:s26+$0x0];
	vm7 =	vgt.f32 v31, v9;
	v11 =	vmax.f32 v9, v31;
	v62 =	vsel vm6, $0x1, v0  }
0xe8: {  	v34 =	vld [tilespmem:s24+$0x0];
	vm8 =	vgt.f32 v25, v18;
	vm4 =	vgt.f32 v61, v60;
	v35 =	vmax.f32 v60, v61  }
0xe9: {  	v47 =	vld [tilespmem:s8+$0x0];
	v60 =	vmax.f32 v18, v25;
	v38 =	vmax.f32 v59, v23;
	v48 =	vmax.f32 v11, v51  }
0xea: {  	v41 =	vld [tilespmem:s5+$0x0];
	v61 =	vsel vm5, $0x1, v0;
	vm5 =	vgt.f32 v15, v14;
	v63 =	vsel vm7, $0x1, v0  }
0xeb: {  	s21 =	sadd.s32 $0x4, s21;
	v45 =	vld [tilespmem:s23+$0x0];
	vm7 =	vgt.f32 v51, v11;
	v49 =	vsel vm8, v50, v62;
	v50 =	vsel vm2, v55, v54  }
0xec: {  	p0 =	slt.u32 s21, $0x7C;
	v44 =	vld [tilespmem:s20+$0x0];
	v46 =	vmax.f32 v10, v35;
	v33 =	vmax.f32 v60, v27;
	v31 =	vmax.f32 v48, v19  }
.Ltmp0:
0xed: {  	v52 =	vsel vm4, $0xF, v7;
	v43 =	vmax.f32 v28, v34;
	vm6 =	vgt.f32 v35, v10;
	(pc) =	sbr.rel @p0 .LBB2_3-.Ltmp0, $4  }
0xee: {  	v18 =	vmax.f32 v38, v12;
	v51 =	vsel vm5, v39, v61;
	vm4 =	vgt.f32 v23, v59  }
0xef: {  	v37 =	vld [tilespmem:s2+$0x0];
	vm2 =	vgt.f32 v27, v60;
	vm5 =	vgt.f32 v53, v29;
	v29 =	vsel vm7, v56, v63  }
0xf0: {  	s0 =	smov.u32 s1;
	s1 =	smov.u32 s6;
	s19 =	rddreg [dreg:$0x4];
	v40 =	vld [tilespmem:s17+$0x0];
	v39 =	vsel vm3, v58, v57;
	v32 =	vmax.f32 v26, v46;
	v36 =	vmax.f32 v41, v45  }
0xf1: {  	s0 =	sadd.s32 $0x200, s0;
	s1 =	sadd.s32 $0x40, s1;
	s3 =	sadd.s32 $0x20, s19;
	v25 =	vld [tilespmem:s14+$0x0];
	v15 =	vmax.f32 v33, v13;
	v35 =	vmax.f32 v44, v47;
	v14 =	vmax.f32 v31, v32  }
0xf2: {  	v23 =	vsel vm1, v30, v24;
	v24 =	vsel vm6, v52, v42;
	vm1 =	vgt.f32 v19, v48  }
0xf3: {  	vm3 =	vgt.f32 v46, v26;
	vm6 =	vgt.f32 v34, v28;
	vm7 =	vgt.f32 v45, v41  }
0xf4: {  	vm10 =	vgt.f32 v47, v44;
	v16 =	vsel vm4, v16, v51;
	v17 =	vsel vm0, v20, v17  }
0xf5: {  	vm11 =	vgt.f32 v12, v38;
	v12 =	vsel vm2, v21, v49;
	v20 =	vsel vm5, v50, v22  }
0xf6: {  	vm2 =	vgt.f32 v13, v33;
	v0 =	vimm.s32 $0x0;
	vm5 =	vgt.f32 v32, v31  }
0xf7: {  	v13 =	vsel vm1, v39, v29;
	v21 =	vsel vm3, v24, v23;
	v22 =	vsel vm6, $0x1, v0  }
0xf8: {  	v23 =	vsel vm7, $0x1, v0;
	v24 =	vsel vm10, $0x1, v0;
	v16 =	vsel vm11, v17, v16  }
0xf9: {  	v8 =	vld [tilespmem:$0x1FFC0];
	v12 =	vsel vm2, v20, v12;
	v19 =	vmax.f32 v43, v37;
	vm3 =	vgt.f32 v37, v43  }
0xfa: {  	v9 =	vld [tilespmem:$0x1FFD0];
	v13 =	vsel vm5, v21, v13;
	v27 =	vmax.f32 v36, v40;
	vm8 =	vgt.f32 v19, v18  }
0xfb: {  	v10 =	vld [tilespmem:$0x1FFE0];
	vm6 =	vgt.f32 v40, v36;
	v17 =	vsel vm3, $0x2, v22;
	v18 =	vmax.f32 v18, v19  }
0xfc: {  	v11 =	vld [tilespmem:$0x1FFF0];
	v26 =	vmax.f32 v35, v25;
	vm9 =	vgt.f32 v27, v15;
	vm0 =	vmneg vm8  }
0xfd: {  	vm7 =	vgt.f32 v25, v35;
	v20 =	vsel vm6, $0x2, v23;
	v15 =	vmax.f32 v15, v27  }
0xfe: {  	vm4 =	vgt.f32 v26, v14;
	vm1 =	vmneg vm9;
	v16 =	vsel vm0, v16, v17  }
0xff: {  	v17 =	vsel vm7, $0x2, v24;
	v12 =	vsel vm1, v12, v20;
	v20 =	vperm.xlane v8, v16  }
0x100: {  	vm2 =	vmneg vm4;
	v21 =	vperm.xlane v9, v16;
	v23 =	vperm.xlane v10, v16  }
0x101: {  	v16 =	vperm.xlane v11, v16;
	v13 =	vsel vm2, v13, v17;
	v17 =	vperm.xlane v8, v12  }
0x102: {  	v14 =	vmax.f32 v14, v26;
	v19 =	vperm.xlane v9, v12;
	v22 =	vperm.xlane v8, v13  }
0x103: {  	v20 =	vsel vm0, v20, v21;
	v21 =	vperm.xlane v9, v13;
	v16 =	vsel vm0, v23, v16  }
0x104: {  	v17 =	vsel vm1, v17, v19;
	v19 =	vperm.xlane v10, v12;
	v18 =	vsub.f32 v18, v20  }
0x105: {  	v12 =	vperm.xlane v11, v12;
	v21 =	vsel vm2, v22, v21;
	v22 =	vperm.xlane v10, v13  }
0x106: {  	v13 =	vperm.xlane v11, v13;
	v15 =	vsub.f32 v15, v17;
	v16 =	vmul.f32 v16, v18  }
0x107: {  	v12 =	vsel vm1, v19, v12;
	v14 =	vsub.f32 v14, v21  }
0x108: {  	v12 =	vmul.f32 v12, v15;
	v13 =	vsel vm2, v22, v13;
	[tilespmem:s18+$0x13000] =	vst v16  }
0x109: {  	v13 =	vmul.f32 v13, v14;
	s0 =	sld [smem:$0x7F7]  }
0x10a: {  	s3 =	sld [smem:$0x7F0];
	[tilespmem:s11+$0x13000] =	vst v12  }
0x10b: {  	[tilespmem:s12+$0x13000] =	vst v13  }
0x10c: {  	s1 =	sld [smem:$0x7F9]  }
0x10d: {  	s0 =	sadd.s32 s0, s3  }
0x10e: {  	s10 =	simm.s32 $0x0;
	s0 =	sshll.u32 s0, $0x8  }
0x10f: {  	s2 =	simm.s32 $0x13000;
	s11 =	sld [smem:$0x7EF];
	s0 =	sadd.s32 s0, s1  }
0x110: {  	[hbm4b:s0+s10] =	stream.linear.scatter [tilespmem:s2], [sflag:$0x3], $0x800, $0x38;
	[tilespmem:$0x13C00] =	vst v63  }
0x111: {  	s0 =	sld [smem:$0x7FB]  }
0x112: {  	s12 =	simm.s32 $0x3  }
0x113: {  	p0 =	seq.s32 s11, $0x7;
	_ =	swait.ge [sflag:s12], $0x800  }
0x114: {  	s13 =	simm.s32 $0x2;
	[sflag:s12] =	ssyncset.done $0x0;
	s0 =	sadd.s32 @!p0 s3, s0  }
0x115: {  	s22 =	simm.s32 $0x0;
	[sflag:s12] =	ssyncadd.s32 $0xFFFFF800;
	s1 =	sshrl.u32 @!p0 s0, $0x7  }
0x116: {  	s0 =	sshll.u32 @!p0 s0, $0xB;
	_ =	swait.ge [sflag:s13], $0x9800;
	s1 =	smul.u32 @!p0 $0x4C0000, s1  }
0x117: {  	s14 =	sand.u32 $0x400, s22;
	s0 =	sand.u32 @!p0 $0x3F000, s0;
	[sflag:s13] =	ssyncset.done $0x0  }
0x118: {  	s15 =	sand.u32 $0x380, s22;
	[sflag:s13] =	ssyncadd.s32 $0xFFFF6800;
	s0 =	sor.u32 @!p0 s0, s1  }
0x119: {  	s2 =	simm.s32 @!p0 $0x40000;
	s1 =	rddreg [dreg:$0x0];
	s0 =	sshrl.u32 @!p0 s0, $0x3  }
0x11a: {  	s3 =	simm.s32 @!p0 $0x0;
	s0 =	sadd.s32 @!p0 s1, s0;
	s1 =	simm.s32 @!p0 $0x800  }
0x11b: {  	[tilespmem:s3], [sflag:$0x1] =	stream.strided.gather @!p0 [hbm4b:s0+s1], $0x9800, s2, s1, $0x38;
	[tilespmem:$0x13C00] =	vst v63  }
0x11c: {  	s6 =	sor.u32 s15, s14;
	s1 =	sand.u32 $0x40, s22  }
0x11d: {  	s8 =	sor.u32 $0x11800, s6;
	s0 =	sor.u32 $0x30, s1  }
0x11e: {  	s2 =	sor.u32 $0x12000, s6;
	s16 =	sor.u32 s0, s8  }
0x11f: {  	s13 =	sor.u32 $0x9800, s6;
	s17 =	sor.u32 s0, s2;
	v14 =	vld [tilespmem:s16+$0x0]  }
0x120: {  	s12 =	sor.u32 $0xA000, s6;
	s4 =	sor.u32 s0, s13;
	v15 =	vld [tilespmem:s17+$0x0]  }
0x121: {  	s11 =	sor.u32 $0xA800, s6;
	s18 =	sor.u32 s0, s12;
	v16 =	vld [tilespmem:s4+$0x0]  }
0x122: {  	s10 =	sor.u32 $0xB000, s6;
	s19 =	sor.u32 s0, s11;
	v17 =	vld [tilespmem:s18+$0x0]  }
0x123: {  	s9 =	sor.u32 $0xB800, s6;
	s20 =	sor.u32 s0, s10;
	v18 =	vld [tilespmem:s19+$0x0]  }
0x124: {  	s7 =	sor.u32 $0xC000, s6;
	s21 =	sor.u32 s0, s9;
	v19 =	vld [tilespmem:s20+$0x0]  }
0x125: {  	s3 =	sor.u32 $0xC800, s6;
	s23 =	sor.u32 s0, s7;
	v20 =	vld [tilespmem:s21+$0x0]  }
0x126: {  	s30 =	sor.u32 $0xD000, s6;
	s24 =	sor.u32 s0, s3;
	v21 =	vld [tilespmem:s23+$0x0]  }
0x127: {  	s29 =	sor.u32 $0xD800, s6;
	s25 =	sor.u32 s0, s30;
	v22 =	vld [tilespmem:s24+$0x0]  }
0x128: {  	s28 =	sor.u32 $0xE000, s6;
	s26 =	sor.u32 s0, s29;
	v23 =	vld [tilespmem:s25+$0x0]  }
0x129: {  	s31 =	sor.u32 s0, s28;
	v24 =	vld [tilespmem:s26+$0x0]  }
0x12a: {  	v25 =	vld [tilespmem:s31+$0x0];
	s26 =	sor.u32 s1, s11  }
0x12b: {  	s23 =	sor.u32 $0xE800, s6;
	s31 =	sor.u32 s1, s10;
	v32 =	vld [tilespmem:s26+$0x0]  }
0x12c: {  	s20 =	sor.u32 $0xF000, s6;
	s5 =	sor.u32 s0, s23;
	v33 =	vld [tilespmem:s31+$0x0]  }
0x12d: {  	s17 =	sor.u32 $0xF800, s6;
	s14 =	sor.u32 s0, s20;
	v26 =	vld [tilespmem:s5+$0x0]  }
0x12e: {  	s16 =	sor.u32 $0x10000, s6;
	s15 =	sor.u32 s0, s17;
	v27 =	vld [tilespmem:s14+$0x0]  }
0x12f: {  	s18 =	sor.u32 s0, s16;
	v28 =	vld [tilespmem:s15+$0x0]  }
0x130: {  	s24 =	sor.u32 s1, s12;
	v29 =	vld [tilespmem:s18+$0x0];
	vm0 =	vgt.f32 v15, v14;
	v14 =	vmax.f32 v14, v15  }
0x131: {  	v13 =	vld [tilespmem:s24+$0x0];
	s5 =	sor.u32 $0x10800, s6;
	s14 =	sor.u32 s1, s13;
	vm3 =	vgt.f32 v17, v16;
	vm4 =	vgt.f32 v19, v18;
	vm1 =	vgt.f32 v21, v20  }
0x132: {  	s15 =	sor.u32 $0x11000, s6;
	s19 =	sor.u32 s0, s5;
	v12 =	vld [tilespmem:s14+$0x0];
	vm5 =	vgt.f32 v23, v22;
	vm6 =	vgt.f32 v25, v24;
	v16 =	vmax.f32 v16, v17  }
0x133: {  	s21 =	sor.u32 s0, s15;
	v30 =	vld [tilespmem:s19+$0x0];
	v17 =	vmax.f32 v18, v19;
	v18 =	vmax.f32 v20, v21;
	v19 =	vmax.f32 v22, v23  }
0x134: {  	s31 =	sor.u32 s1, s28;
	s14 =	sor.u32 $0x12800, s6;
	v31 =	vld [tilespmem:s21+$0x0];
	v20 =	vmax.f32 v24, v25;
	v57 =	vsel vm6, $0x9, v4;
	vm10 =	vgt.f32 v33, v32  }
0x135: {  	s4 =	sor.u32 $0x10, s1;
	v36 =	vld [tilespmem:s31+$0x0];
	s25 =	sor.u32 s0, s14;
	vm2 =	vgt.f32 v27, v26;
	vm7 =	vgt.f32 v29, v28;
	v22 =	vmax.f32 v26, v27  }
0x136: {  	s31 =	sor.u32 s4, s13;
	v15 =	vld [tilespmem:s25+$0x0];
	v23 =	vmax.f32 v28, v29;
	v26 =	vsel vm0, $0x1, v0;
	v28 =	vsel vm3, $0x1, v0  }
0x137: {  	v35 =	vld [tilespmem:s31+$0x0];
	s19 =	sor.u32 s1, s9;
	v29 =	vsel vm4, $0x3, v1;
	v58 =	vsel vm2, $0xB, v5;
	v59 =	vsel vm7, $0xD, v6  }
0x138: {  	s21 =	sor.u32 s1, s7;
	v34 =	vld [tilespmem:s19+$0x0];
	vm2 =	vgt.f32 v19, v18;
	vm3 =	vgt.f32 v22, v20;
	v20 =	vmax.f32 v20, v22  }
0x139: {  	s24 =	sor.u32 s1, s3;
	v21 =	vld [tilespmem:s21+$0x0];
	vm8 =	vgt.f32 v31, v30;
	v24 =	vmax.f32 v30, v31;
	v30 =	vsel vm1, $0x5, v2  }
0x13a: {  	v25 =	vld [tilespmem:s24+$0x0];
	s19 =	sor.u32 s1, s23;
	v31 =	vsel vm5, $0x7, v3;
	vm1 =	vgt.f32 v17, v16;
	v16 =	vmax.f32 v16, v17  }
0x13b: {  	s21 =	sor.u32 s1, s20;
	v40 =	vld [tilespmem:s19+$0x0];
	v17 =	vmax.f32 v18, v19;
	vm0 =	vgt.f32 v15, v14;
	v14 =	vmax.f32 v14, v15  }
0x13c: {  	s25 =	sor.u32 s1, s30;
	v41 =	vld [tilespmem:s21+$0x0];
	v60 =	vsel vm8, $0xF, v7;
	vm4 =	vgt.f32 v24, v23;
	v18 =	vsel vm1, v29, v28  }
0x13d: {  	s24 =	sor.u32 s1, s17;
	v27 =	vld [tilespmem:s25+$0x0];
	v22 =	vmax.f32 v23, v24;
	v23 =	vsel vm2, v31, v30;
	v24 =	vsel vm3, v58, v57  }
0x13e: {  	s26 =	sor.u32 s1, s29;
	v19 =	vld [tilespmem:s24+$0x0];
	vm1 =	vgt.f32 v17, v16;
	v16 =	vmax.f32 v16, v17;
	v38 =	vmax.f32 v34, v21  }
0x13f: {  	s25 =	sor.u32 s1, s16;
	v15 =	vld [tilespmem:s26+$0x0];
	vm8 =	vgt.f32 v13, v12;
	vm11 =	vgt.f32 v21, v34;
	v29 =	vsel vm4, v60, v59  }
0x140: {  	s19 =	sor.u32 s1, s15;
	v28 =	vld [tilespmem:s25+$0x0];
	v17 =	vmax.f32 v20, v22;
	v18 =	vsel vm1, v23, v18;
	vm1 =	vgt.f32 v22, v20  }
0x141: {  	s24 =	sor.u32 s4, s11;
	v31 =	vld [tilespmem:s19+$0x0];
	v46 =	vmax.f32 v40, v41;
	vm3 =	vgt.f32 v41, v40;
	v52 =	vsel vm11, $0x5, v2  }
0x142: {  	s31 =	sor.u32 s4, s7;
	v61 =	vld [tilespmem:s24+$0x0];
	v20 =	vmax.f32 v16, v17;
	v22 =	vsel vm1, v29, v24;
	vm1 =	vgt.f32 v17, v16  }
0x143: {  	s26 =	sor.u32 s1, s5;
	v57 =	vld [tilespmem:s31+$0x0];
	v17 =	vsel vm0, $0x2, v26;
	v26 =	vmax.f32 v12, v13;
	v29 =	vmax.f32 v32, v33  }
0x144: {  	s25 =	sor.u32 s4, s10;
	v30 =	vld [tilespmem:s26+$0x0];
	v42 =	vmax.f32 v25, v27;
	vm13 =	vgt.f32 v27, v25;
	vm2 =	vgt.f32 v14, v20  }
0x145: {  	s21 =	sor.u32 s4, s12;
	v62 =	vld [tilespmem:s25+$0x0];
	v18 =	vsel vm1, v22, v18;
	v14 =	vmax.f32 v20, v14;
	vm0 =	vmneg vm2  }
0x146: {  	s26 =	sor.u32 s4, s9;
	v16 =	vld [tilespmem:s21+$0x0];
	v24 =	vmax.f32 v38, v42;
	v55 =	vsel vm13, $0x7, v3;
	v17 =	vsel vm0, v18, v17  }
0x147: {  	s24 =	sor.u32 s4, s30;
	v63 =	vld [tilespmem:s26+$0x0];
	v43 =	vmax.f32 v15, v36;
	v47 =	vmax.f32 v19, v28;
	vm14 =	vgt.f32 v36, v15  }
0x148: {  	s25 =	sor.u32 s4, s29;
	v59 =	vld [tilespmem:s24+$0x0];
	vm7 =	vgt.f32 v28, v19;
	v18 =	vperm.xlane v8, v17;
	v22 =	vperm.xlane v9, v17  }
0x149: {  	s21 =	sor.u32 s4, s3;
	v60 =	vld [tilespmem:s25+$0x0];
	v36 =	vsel vm8, $0x1, v0;
	v20 =	vperm.xlane v10, v17;
	v17 =	vperm.xlane v11, v17  }
0x14a: {  	s31 =	sor.u32 s4, s23;
	v58 =	vld [tilespmem:s21+$0x0];
	v49 =	vmax.f32 v30, v31;
	v53 =	vmax.f32 v61, v62;
	vm6 =	vgt.f32 v31, v30  }
0x14b: {  	v13 =	vld [tilespmem:s31+$0x0];
	s21 =	sor.u32 s4, s20;
	vm5 =	vgt.f32 v62, v61;
	v56 =	vsel vm14, $0x9, v4;
	v51 =	vmax.f32 v35, v16  }
0x14c: {  	s24 =	sor.u32 s4, s17;
	v21 =	vld [tilespmem:s21+$0x0];
	v54 =	vmax.f32 v63, v57;
	vm9 =	vgt.f32 v16, v35;
	vm2 =	vgt.f32 v57, v63  }
0x14d: {  	s18 =	sor.u32 $0x20, s1;
	s25 =	sor.u32 s4, s16;
	v15 =	vld [tilespmem:s24+$0x0];
	v57 =	vsel vm3, $0xB, v5;
	vm3 =	vgt.f32 v29, v26;
	vm8 =	vgt.f32 v49, v47  }
0x14e: {  	s13 =	sor.u32 s18, s13;
	v19 =	vld [tilespmem:s25+$0x0];
	v18 =	vsel vm0, v18, v22;
	v17 =	vsel vm0, v20, v17;
	v20 =	vmax.f32 v26, v29  }
0x14f: {  	s11 =	sor.u32 s18, s11;
	v61 =	vld [tilespmem:s13+$0x0];
	v22 =	vmax.f32 v43, v46;
	v25 =	vmax.f32 v58, v59;
	vm4 =	vgt.f32 v59, v58  }
0x150: {  	s3 =	sor.u32 s18, s3;
	v62 =	vld [tilespmem:s11+$0x0];
	v58 =	vsel vm10, $0x3, v1;
	v59 =	vsel vm7, $0xD, v6;
	v26 =	vsel vm6, $0xF, v7  }
0x151: {  	s31 =	sor.u32 s18, s30;
	v10 =	vld [tilespmem:s3+$0x0];
	vm6 =	vgt.f32 v42, v38;
	vm7 =	vgt.f32 v46, v43;
	v38 =	vsel vm9, $0x1, v0  }
0x152: {  	s10 =	sor.u32 s18, s10;
	v11 =	vld [tilespmem:s31+$0x0];
	vm11 =	vgt.f32 v53, v51;
	v14 =	vsub.f32 v14, v18;
	v18 =	vmax.f32 v51, v53  }
0x153: {  	s12 =	sor.u32 s18, s12;
	v63 =	vld [tilespmem:s10+$0x0];
	v27 =	vmax.f32 v54, v25;
	v12 =	vmax.f32 v20, v24;
	vm1 =	vgt.f32 v21, v13  }
0x154: {  	s21 =	sor.u32 s4, s5;
	v33 =	vmax.f32 v13, v21;
	v21 =	vld [tilespmem:s12+$0x0];
	vm10 =	vgt.f32 v25, v54;
	v52 =	vsel vm6, v55, v52  }
0x155: {  	s26 =	sor.u32 s4, s28;
	v28 =	vld [tilespmem:s21+$0x0];
	v55 =	vsel vm8, v26, v59;
	v13 =	vmax.f32 v18, v27;
	vm12 =	vgt.f32 v19, v15  }
0x156: {  	s11 =	sor.u32 s18, s20;
	v35 =	vmax.f32 v15, v19;
	v25 =	vsel vm1, $0xB, v5;
	v8 =	vmul.f32 v17, v14;
	v14 =	vld [tilespmem:s26+$0x0]  }
0x157: {  	s10 =	sor.u32 s18, s23;
	v50 =	vld [tilespmem:s11+$0x0];
	v17 =	vmax.f32 v47, v49;
	v40 =	vmax.f32 v10, v11;
	v47 =	vsel vm3, v58, v36  }
0x158: {  	s26 =	sor.u32 s4, s15;
	v49 =	vld [tilespmem:s10+$0x0];
	vm3 =	vgt.f32 v27, v18;
	vm15 =	vgt.f32 v63, v62;
	v34 =	vmax.f32 v62, v63  }
0x159: {  	s9 =	sor.u32 s18, s9;
	v31 =	vld [tilespmem:s26+$0x0];
	v62 =	vsel vm4, $0x7, v3;
	v44 =	vsel vm15, $0x3, v1;
	v32 =	vmax.f32 v61, v21  }
0x15a: {  	v9 =	vld [tilespmem:s9+$0x0];
	s9 =	sor.u32 s18, s28;
	vm14 =	vgt.f32 v21, v61;
	v61 =	vsel vm2, $0x5, v2;
	v21 =	vmax.f32 v32, v34  }
0x15b: {  	v48 =	vld [tilespmem:s9+$0x0];
	s23 =	sor.u32 s4, s2;
	v43 =	vsel vm14, $0x1, v0;
	vm2 =	vgt.f32 v34, v32;
	v30 =	vmax.f32 v60, v14  }
0x15c: {  	s20 =	sor.u32 s1, s2;
	s2 =	sor.u32 s18, s2;
	v42 =	vld [tilespmem:s23+$0x0];
	vm0 =	vgt.f32 v14, v60;
	v14 =	vmax.f32 v22, v17;
	v60 =	vsel vm5, $0x3, v1  }
0x15d: {  	s7 =	sor.u32 s18, s7;
	v45 =	vld [tilespmem:s2+$0x0];
	vm9 =	vgt.f32 v50, v49;
	v53 =	vmax.f32 v49, v50;
	v16 =	vmax.f32 v30, v33  }
0x15e: {  	vm13 =	vgt.f32 v31, v28;
	v31 =	vmax.f32 v28, v31;
	v28 =	vld [tilespmem:s7+$0x0];
	s7 =	sor.u32 s18, s29;
	v63 =	vsel vm0, $0x9, v4  }
0x15f: {  	s12 =	sor.u32 s18, s17;
	vm0 =	vgt.f32 v11, v10;
	v10 =	vsel vm12, $0xD, v6;
	vm12 =	vgt.f32 v33, v30;
	v29 =	vld [tilespmem:s7+$0x0]  }
0x160: {  	s13 =	sor.u32 s18, s16;
	s16 =	sor.u32 s18, s5;
	v51 =	vld [tilespmem:s12+$0x0];
	v50 =	vsel vm9, $0xB, v5;
	v19 =	vmax.f32 v35, v31;
	v23 =	vsel vm13, $0xF, v7  }
0x161: {  	s17 =	sor.u32 s18, s15;
	v30 =	vld [tilespmem:s16+$0x0];
	vm13 =	vgt.f32 v31, v35;
	v49 =	vsel vm0, $0x7, v3;
	vm0 =	vgt.f32 v24, v20  }
0x162: {  	v31 =	vld [tilespmem:s17+$0x0];
	v20 =	vmax.f32 v12, v14;
	v24 =	vsel vm11, v60, v38;
	v15 =	vmax.f32 v16, v19  }
0x163: {  	v59 =	vsel vm13, v23, v10;
	vm5 =	vgt.f32 v28, v9;
	v39 =	vmax.f32 v9, v28;
	v9 =	vld [tilespmem:s13+$0x0]  }
0x164: {  	s19 =	sor.u32 s1, s8;
	v34 =	vld [tilespmem:s20+$0x0];
	v18 =	vmax.f32 v13, v15;
	vm1 =	vgt.f32 v48, v29;
	v11 =	vmax.f32 v29, v48  }
0x165: {  	s21 =	sor.u32 s4, s8;
	v28 =	vmax.f32 v39, v40;
	v29 =	vld [tilespmem:s19+$0x0];
	vm4 =	vgt.f32 v40, v39;
	v46 =	vsel vm5, $0x5, v2  }
0x166: {  	s24 =	sor.u32 s18, s8;
	v39 =	vld [tilespmem:s21+$0x0];
	v35 =	vmax.f32 v11, v53;
	vm5 =	vgt.f32 v53, v11;
	v48 =	vsel vm1, $0x9, v4  }
0x167: {  	v40 =	vld [tilespmem:s24+$0x0];
	vm1 =	vgt.f32 v17, v22;
	v17 =	vmax.f32 v30, v31;
	v22 =	vmax.f32 v21, v28  }
0x168: {  	v53 =	vsel vm7, v57, v56;
	v56 =	vsel vm10, v62, v61;
	vm14 =	vgt.f32 v9, v51  }
0x169: {  	s30 =	simm.s32 $0x20;
	s31 =	sor.u32 s18, s14;
	v57 =	vsel vm12, v25, v63;
	v54 =	vmax.f32 v51, v9;
	v51 =	vsel vm14, $0xD, v6  }
0x16a: {  	s25 =	sor.u32 s1, s14;
	s28 =	sor.u32 s4, s14;
	v37 =	vld [tilespmem:s31+$0x0];
	s26 =	sor.u32 $0x13000, s6;
	vm14 =	vgt.f32 v31, v30;
	vm9 =	vgt.f32 v17, v54;
	v54 =	vmax.f32 v54, v17  }
0x16b: {  	s9 =	sor.u32 s1, s26;
	s8 =	sor.u32 s4, s26;
	s0 =	sor.u32 s0, s26;
	v33 =	vld [tilespmem:s25+$0x0];
	v32 =	vmax.f32 v29, v34;
	v36 =	vmax.f32 v39, v42;
	v30 =	vmax.f32 v35, v54  }
0x16c: {  	s6 =	sor.u32 s18, s26;
	[tilespmem:s0+$0x0] =	vst v8;
	s29 =	simm.s32 $0x200;
	v38 =	vld [tilespmem:s28+$0x0];
	s7 =	simm.s32 $0x0;
	v41 =	vmax.f32 v40, v45;
	v58 =	vsel vm14, $0xF, v7;
	v17 =	vmax.f32 v22, v30  }
.LBB2_5:
0x16d: {  	[smem:$0x7C2] =	sst s9  }
0x16e: {  	[dreg:$0xe] =	wrdreg s8  }
0x16f: {  	[dreg:$0x9] =	wrdreg s6  }
0x170: {  	s0 =	sand.u32 $0x400, s29;
	s1 =	sand.u32 $0x380, s30;
	s12 =	sadd.s32 $0x40, s22  }
0x171: {  	[dreg:$0x3] =	wrdreg s7;
	s6 =	sand.u32 $0x40, s12;
	s2 =	sor.u32 s1, s0  }
0x172: {  	s15 =	sor.u32 $0x11800, s2;
	s8 =	sor.u32 $0x10, s6;
	s23 =	sor.u32 $0x30, s6  }
0x173: {  	vm7 =	vgt.f32 v19, v16;
	s20 =	sor.u32 $0x12000, s2;
	s3 =	sor.u32 $0x9800, s2;
	s0 =	sor.u32 $0xA000, s2  }
0x174: {  	v27 =	vsel vm2, v44, v43;
	v31 =	vsel vm4, v49, v46;
	v50 =	vsel vm5, v50, v48;
	v1 =	vld [tilespmem:$0x1FFC0];
	s28 =	sor.u32 $0xD000, s2;
	s10 =	sor.u32 s23, s15;
	s4 =	sor.u32 s23, s20  }
0x175: {  	v58 =	vsel vm9, v58, v51;
	vm8 =	vgt.f32 v28, v21;
	vm12 =	vgt.f32 v54, v35;
	s11 =	sor.u32 s6, s15;
	s5 =	sor.u32 s23, s3;
	s13 =	sor.u32 s23, s0;
	v23 =	vld [tilespmem:s4+$0x0]  }
0x176: {  	vm9 =	vgt.f32 v34, v29;
	vm6 =	vgt.f32 v42, v39;
	vm11 =	vgt.f32 v45, v40;
	s31 =	sor.u32 s6, s28;
	[dreg:$0x5] =	wrdreg s11;
	s4 =	sor.u32 $0xA800, s2;
	v16 =	vld [tilespmem:s5+$0x0]  }
0x177: {  	v29 =	vsel vm0, v52, v47;
	v60 =	vsel vm1, v55, v53;
	vm10 =	vgt.f32 v14, v12;
	s5 =	sor.u32 $0xB000, s2;
	v19 =	vld [tilespmem:s13+$0x0];
	s11 =	sor.u32 $0xB800, s2;
	s13 =	sor.u32 $0xC000, s2  }
0x178: {  	v12 =	vsel vm3, v56, v24;
	vm3 =	vgt.f32 v15, v13;
	v0 =	vimm.s32 $0x0;
	v2 =	vld [tilespmem:$0x1FFD0];
	[smem:$0x7C8] =	sst s31;
	s31 =	sor.u32 $0xD800, s2;
	s16 =	sor.u32 s6, s4  }
0x179: {  	v3 =	vld [tilespmem:$0x1FFE0];
	v14 =	vsel vm7, v59, v57;
	v13 =	vsel vm8, v31, v27;
	v31 =	vsel vm12, v58, v50;
	s17 =	sor.u32 s23, s4;
	s19 =	sor.u32 s6, s11;
	[smem:$0x7C3] =	sst s16  }
0x17a: {  	v4 =	vld [tilespmem:$0x1FFF0];
	v61 =	vsel vm9, $0x1, v0;
	vm8 =	vgt.f32 v30, v22;
	v30 =	vsel vm6, $0x1, v0;
	s18 =	sor.u32 s23, s5;
	s22 =	sor.u32 s6, s13;
	[smem:$0x7C5] =	sst s19  }
0x17b: {  	v62 =	vsel vm11, $0x1, v0;
	v29 =	vsel vm10, v60, v29;
	v26 =	vmax.f32 v36, v38;
	s21 =	sor.u32 s23, s11;
	s24 =	sor.u32 s23, s13;
	v15 =	vld [tilespmem:s17+$0x0];
	[smem:$0x7C6] =	sst s22  }
0x17c: {  	v12 =	vsel vm3, v14, v12;
	vm6 =	vgt.f32 v38, v36;
	vm4 =	vgt.f32 v26, v18;
	v22 =	vld [tilespmem:s18+$0x0];
	s19 =	sor.u32 $0xC800, s2;
	s16 =	sor.u32 s23, s28;
	s17 =	sor.u32 s6, s31  }
0x17d: {  	v13 =	vsel vm8, v31, v13;
	v30 =	vsel vm6, $0x2, v30;
	vm1 =	vmneg vm4;
	v27 =	vld [tilespmem:s24+$0x0];
	s18 =	sor.u32 s23, s31;
	s24 =	sor.u32 $0xF000, s2;
	s25 =	sor.u32 s6, s19  }
0x17e: {  	v28 =	vmax.f32 v32, v33;
	v25 =	vmax.f32 v41, v37;
	s26 =	sor.u32 s23, s19;
	[smem:$0x7C9] =	sst s17;
	v12 =	vsel vm1, v12, v30;
	s17 =	sor.u32 $0xE800, s2;
	v30 =	vld [tilespmem:s18+$0x0]  }
0x17f: {  	vm7 =	vgt.f32 v33, v32;
	vm2 =	vgt.f32 v28, v20;
	vm5 =	vgt.f32 v25, v17;
	s18 =	sor.u32 s6, s24;
	[smem:$0x7C7] =	sst s25;
	v63 =	vld [tilespmem:s26+$0x0];
	s26 =	sor.u32 $0xE000, s2  }
0x180: {  	v14 =	vsel vm7, $0x2, v61;
	v24 =	vld [tilespmem:s21+$0x0];
	vm0 =	vmneg vm2;
	vm4 =	vgt.f32 v37, v41;
	s25 =	sor.u32 s6, s17;
	[smem:$0x7CC] =	sst s18;
	s21 =	sor.u32 s6, s26  }
0x181: {  	vm2 =	vmneg vm5;
	v31 =	vld [tilespmem:s16+$0x0];
	v14 =	vsel vm0, v29, v14;
	v29 =	vsel vm4, $0x2, v62;
	s22 =	sor.u32 s23, s26;
	[smem:$0x7CB] =	sst s25;
	s25 =	sor.u32 $0xF800, s2  }
0x182: {  	v13 =	vsel vm2, v13, v29;
	s16 =	sor.u32 s23, s17;
	[smem:$0x7CA] =	sst s21;
	v29 =	vld [tilespmem:s22+$0x0];
	s22 =	sor.u32 s6, s25  }
0x183: {  	v9 =	vld [tilespmem:s16+$0x0];
	s21 =	sor.u32 s23, s24;
	[smem:$0x7CD] =	sst s22;
	s22 =	sor.u32 $0x10000, s2  }
0x184: {  	s18 =	sor.u32 $0x10800, s2;
	s16 =	sor.u32 s23, s25;
	v44 =	vld [tilespmem:s21+$0x0];
	s21 =	sor.u32 s6, s22  }
0x185: {  	v46 =	vld [tilespmem:s16+$0x0];
	s16 =	sor.u32 s23, s22;
	[smem:$0x7CE] =	sst s21;
	s21 =	sor.u32 s6, s18  }
0x186: {  	v48 =	vld [tilespmem:s16+$0x0];
	s16 =	sor.u32 s8, s3;
	[smem:$0x7CF] =	sst s21;
	s21 =	sor.u32 $0x11000, s2  }
0x187: {  	v21 =	vld [tilespmem:s10+$0x0];
	s10 =	sor.u32 s6, s5;
	[smem:$0x7D0] =	sst s16;
	s16 =	sor.u32 s23, s21  }
0x188: {  	v17 =	vmax.f32 v17, v25;
	[smem:$0x7C4] =	sst s10;
	v25 =	vld [tilespmem:s16+$0x0];
	s16 =	sor.u32 s8, s11  }
0x189: {  	[smem:$0x7D4] =	sst s16;
	s16 =	sor.u32 s8, s19  }
0x18a: {  	v6 =	vperm.xlane v1, v14;
	[smem:$0x7D5] =	sst s16;
	s16 =	sor.u32 s8, s28  }
0x18b: {  	v20 =	vmax.f32 v20, v28;
	v7 =	vperm.xlane v2, v14;
	v28 =	vperm.xlane v1, v12;
	[smem:$0x7D6] =	sst s16;
	s16 =	sor.u32 s8, s31  }
0x18c: {  	v18 =	vmax.f32 v18, v26;
	v8 =	vperm.xlane v2, v12;
	v45 =	vperm.xlane v3, v14;
	[smem:$0x7D7] =	sst s16;
	s16 =	sor.u32 s8, s26  }
0x18d: {  	v14 =	vperm.xlane v4, v14;
	v47 =	vperm.xlane v3, v12;
	v32 =	vsel vm0, v6, v7;
	[dreg:$0x1e] =	wrdreg s16;
	s16 =	sor.u32 s8, s17  }
0x18e: {  	s14 =	sor.u32 $0x20, s6;
	v12 =	vperm.xlane v4, v12;
	v10 =	vperm.xlane v1, v13;
	s10 =	sor.u32 s23, s18;
	v20 =	vsub.f32 v20, v32;
	[dreg:$0x1a] =	wrdreg s16  }
0x18f: {  	s1 =	sor.u32 s6, s3;
	v11 =	vperm.xlane v2, v13;
	v26 =	vperm.xlane v3, v13;
	v49 =	vld [tilespmem:s10+$0x0];
	s10 =	sor.u32 s8, s0;
	v14 =	vsel vm0, v45, v14;
	s16 =	sld [smem:$0x7C2]  }
0x190: {  	s7 =	sor.u32 s6, s0;
	v13 =	vperm.xlane v4, v13;
	v28 =	vsel vm1, v28, v8;
	s0 =	sor.u32 s14, s0;
	[smem:$0x7D1] =	sst s10;
	v14 =	vmul.f32 v14, v20  }
0x191: {  	v18 =	vsub.f32 v18, v28;
	v28 =	vsel vm1, v47, v12;
	v12 =	vld [tilespmem:s1+$0x0];
	[dreg:$0x13] =	wrdreg s0  }
0x192: {  	s10 =	sor.u32 s8, s4;
	s0 =	sor.u32 s14, s4;
	v20 =	vsel vm2, v26, v13;
	v13 =	vld [tilespmem:s7+$0x0];
	[tilespmem:s16+$0x0] =	vst v14;
	s16 =	sld [smem:$0x7C3]  }
0x193: {  	s4 =	sor.u32 s14, s13;
	[smem:$0x7D2] =	sst s10;
	s10 =	sor.u32 s8, s5  }
0x194: {  	[smem:$0x7D3] =	sst s10;
	s10 =	sor.u32 s8, s13;
	s13 =	sor.u32 s14, s31  }
0x195: {  	s31 =	sor.u32 s14, s17;
	s17 =	sld [smem:$0x7C9];
	v14 =	vld [tilespmem:s16+$0x0];
	s16 =	sor.u32 s8, s24  }
0x196: {  	v52 =	vimm.s32 $0x8;
	v5 =	vimm.s32 $0xE;
	v58 =	vimm.s32 $0x2;
	[dreg:$0x19] =	wrdreg s16;
	s16 =	sor.u32 s8, s25  }
0x197: {  	vm3 =	vgt.f32 v19, v16;
	v19 =	vmax.f32 v16, v19;
	vm0 =	vgt.f32 v23, v21;
	[dreg:$0x16] =	wrdreg s16;
	s16 =	sor.u32 s8, s22  }
0x198: {  	v21 =	vmax.f32 v21, v23;
	v34 =	vsel vm2, v10, v11;
	s1 =	sor.u32 $0x12800, s2;
	v18 =	vmul.f32 v28, v18;
	[dreg:$0x14] =	wrdreg s16  }
0x199: {  	v8 =	vimm.s32 $0x4;
	vm4 =	vgt.f32 v22, v15;
	v17 =	vsub.f32 v17, v34;
	s7 =	sor.u32 s23, s1;
	s16 =	rddreg [dreg:$0xe]  }
0x19a: {  	vm1 =	vgt.f32 v27, v24;
	v10 =	vimm.s32 $0x6;
	v11 =	vimm.s32 $0xA;
	v23 =	vld [tilespmem:s7+$0x0];
	[tilespmem:s16+$0x0] =	vst v18;
	s16 =	sld [smem:$0x7C4]  }
0x19b: {  	v50 =	vsel vm4, $0x3, v58;
	vm5 =	vgt.f32 v31, v63;
	v20 =	vmul.f32 v20, v17;
	s26 =	sor.u32 s14, s26;
	[dreg:$0xc] =	wrdreg s31  }
0x19c: {  	v51 =	vsel vm5, $0x7, v10;
	vm6 =	vgt.f32 v29, v30;
	v26 =	vmax.f32 v30, v29;
	[dreg:$0xd] =	wrdreg s26;
	v33 =	vld [tilespmem:s17+$0x0]  }
0x19d: {  	v29 =	vsel vm0, $0x1, v0;
	vm2 =	vgt.f32 v44, v9;
	v53 =	vsel vm6, $0x9, v52;
	s17 =	sld [smem:$0x7CA];
	v17 =	vld [tilespmem:s16+$0x0];
	s16 =	sor.u32 s8, s18  }
0x19e: {  	v54 =	vsel vm2, $0xB, v11;
	vm7 =	vgt.f32 v48, v46;
	v28 =	vmax.f32 v46, v48;
	[dreg:$0x17] =	wrdreg s16;
	s16 =	sor.u32 s8, s21  }
0x19f: {  	vm0 =	vgt.f32 v23, v21;
	v21 =	vmax.f32 v21, v23;
	vm8 =	vgt.f32 v25, v49;
	[dreg:$0x15] =	wrdreg s16  }
0x1a0: {  	s9 =	sor.u32 s6, s21;
	v23 =	vsel vm1, $0x5, v8;
	v25 =	vmax.f32 v49, v25;
	v56 =	vsel vm8, $0xF, v5;
	s16 =	rddreg [dreg:$0x9]  }
0x1a1: {  	s31 =	sor.u32 s14, s25;
	s26 =	sor.u32 s14, s24;
	vm4 =	vgt.f32 v25, v28;
	v25 =	vmax.f32 v28, v25;
	v61 =	vld [tilespmem:s9+$0x0];
	s9 =	sld [smem:$0x7D0];
	[tilespmem:s16+$0x0] =	vst v20;
	v20 =	vmax.f32 v15, v22  }
0x1a2: {  	s24 =	sor.u32 s6, s20;
	v36 =	vld [tilespmem:s17+$0x0];
	s25 =	sor.u32 s14, s21;
	s21 =	sld [smem:$0x7CB];
	v22 =	vmax.f32 v24, v27;
	v27 =	vmax.f32 v9, v44;
	v9 =	vimm.s32 $0xC  }
0x1a3: {  	v34 =	vld [tilespmem:s24+$0x0];
	v24 =	vmax.f32 v63, v31;
	v31 =	vsel vm3, $0x1, v0;
	v55 =	vsel vm7, $0xD, v9  }
0x1a4: {  	v62 =	vld [tilespmem:s9+$0x0];
	s16 =	sld [smem:$0x7C5];
	vm1 =	vgt.f32 v20, v19;
	vm2 =	vgt.f32 v24, v22;
	vm3 =	vgt.f32 v27, v26  }
0x1a5: {  	s5 =	sor.u32 s14, s5;
	v57 =	vld [tilespmem:s21+$0x0];
	v19 =	vmax.f32 v19, v20;
	v20 =	vmax.f32 v22, v24;
	v26 =	vmax.f32 v26, v27  }
0x1a6: {  	s9 =	sld [smem:$0x7D1];
	v40 =	vld [tilespmem:s5+$0x0];
	v24 =	vsel vm1, v50, v31;
	v23 =	vsel vm2, v51, v23;
	v27 =	vsel vm3, v54, v53  }
0x1a7: {  	s11 =	sor.u32 s14, s11;
	v31 =	vsel vm4, v56, v55;
	vm1 =	vgt.f32 v20, v19;
	v19 =	vmax.f32 v19, v20;
	v16 =	vld [tilespmem:s16+$0x0];
	s16 =	sld [smem:$0x7C6]  }
0x1a8: {  	[dreg:$0xa] =	wrdreg s31;
	v45 =	vld [tilespmem:s11+$0x0];
	v20 =	vmax.f32 v26, v25;
	v23 =	vsel vm1, v23, v24;
	vm1 =	vgt.f32 v25, v26  }
0x1a9: {  	s31 =	sor.u32 s14, s18;
	v24 =	vmax.f32 v19, v20;
	v25 =	vsel vm1, v31, v27;
	vm1 =	vgt.f32 v20, v19;
	v19 =	vld [tilespmem:s9+$0x0];
	s9 =	sld [smem:$0x7D2]  }
0x1aa: {  	s17 =	sor.u32 s14, s15;
	s18 =	sor.u32 s8, s20;
	v15 =	vld [tilespmem:s16+$0x0];
	s16 =	sld [smem:$0x7C7]  }
0x1ab: {  	v42 =	vimm.s32 $0x8;
	v38 =	vimm.s32 $0x0;
	s21 =	sor.u32 s8, s15;
	s15 =	sor.u32 s14, s20;
	s20 =	sld [smem:$0x7CD];
	v46 =	vld [tilespmem:s4+$0x0]  }
0x1ac: {  	vm14 =	vgt.f32 v36, v33;
	v44 =	vmax.f32 v33, v36;
	vm2 =	vgt.f32 v21, v24;
	v63 =	vld [tilespmem:s9+$0x0];
	s9 =	sld [smem:$0x7D3]  }
0x1ad: {  	v20 =	vsel vm0, $0x2, v29;
	v23 =	vsel vm1, v25, v23;
	vm0 =	vmneg vm2;
	v18 =	vld [tilespmem:s16+$0x0];
	s16 =	sld [smem:$0x7C8]  }
0x1ae: {  	[dreg:$0xb] =	wrdreg s26;
	v37 =	vmax.f32 v14, v17;
	vm3 =	vgt.f32 v13, v12;
	v22 =	vld [tilespmem:s20+$0x0];
	v20 =	vsel vm0, v23, v20  }
0x1af: {  	vm11 =	vgt.f32 v17, v14;
	v23 =	vperm.xlane v1, v20;
	v25 =	vperm.xlane v2, v20;
	v0 =	vld [tilespmem:s9+$0x0];
	s9 =	sld [smem:$0x7D4]  }
0x1b0: {  	v41 =	vsel vm3, $0x1, v38;
	v53 =	vsel vm11, $0x3, v58;
	v21 =	vmax.f32 v24, v21;
	v30 =	vld [tilespmem:s16+$0x0];
	s16 =	sld [smem:$0x7CC]  }
0x1b1: {  	s26 =	sor.u32 s14, s22;
	v2 =	vld [tilespmem:s10+$0x0];
	v24 =	vperm.xlane v3, v20;
	v20 =	vperm.xlane v4, v20;
	s10 =	sld [smem:$0x7D5];
	v23 =	vsel vm0, v23, v25  }
0x1b2: {  	s22 =	smov.u32 s12;
	s12 =	sor.u32 s8, s1;
	v29 =	vmax.f32 v12, v13;
	v52 =	vmax.f32 v62, v19;
	v21 =	vsub.f32 v21, v23;
	v1 =	vld [tilespmem:s9+$0x0];
	s9 =	sld [smem:$0x7D6]  }
0x1b3: {  	s20 =	sor.u32 s14, s1;
	v20 =	vsel vm0, v24, v20;
	vm9 =	vgt.f32 v19, v62;
	v23 =	vmax.f32 v29, v37;
	v59 =	vld [tilespmem:s16+$0x0];
	s16 =	sor.u32 s6, s1;
	s1 =	sld [smem:$0x7CE]  }
0x1b4: {  	v5 =	vld [tilespmem:s10+$0x0];
	v39 =	vmax.f32 v16, v15;
	vm12 =	vgt.f32 v15, v16;
	v20 =	vmul.f32 v20, v21  }
0x1b5: {  	s10 =	sld [smem:$0x7D7];
	v56 =	vsel vm12, $0x5, v8;
	v54 =	vmax.f32 v63, v0;
	vm8 =	vgt.f32 v0, v63;
	v6 =	vld [tilespmem:s9+$0x0]  }
0x1b6: {  	s19 =	sor.u32 s14, s19;
	v0 =	vimm.s32 $0xE;
	v27 =	vmax.f32 v52, v54;
	v43 =	vmax.f32 v18, v30;
	v28 =	vld [tilespmem:s1+$0x0];
	s1 =	sld [smem:$0x7CF]  }
0x1b7: {  	v36 =	vld [tilespmem:s19+$0x0];
	vm13 =	vgt.f32 v30, v18;
	v26 =	vmax.f32 v39, v43;
	v55 =	vmax.f32 v1, v2  }
0x1b8: {  	v7 =	vld [tilespmem:s10+$0x0];
	vm2 =	vgt.f32 v2, v1;
	v1 =	vsel vm8, $0x3, v58;
	vm8 =	vgt.f32 v54, v52  }
0x1b9: {  	v12 =	vmax.f32 v23, v26;
	v2 =	vsel vm2, $0x5, v8;
	v47 =	vmax.f32 v57, v59;
	v60 =	vld [tilespmem:s1+$0x0];
	s1 =	sor.u32 $0x13000, s2;
	s2 =	rddreg [dreg:$0x19]  }
0x1ba: {  	vm1 =	vgt.f32 v59, v57;
	v57 =	vsel vm13, $0x7, v10;
	v59 =	vsel vm14, $0x9, v42;
	s9 =	sor.u32 s6, s1;
	s6 =	rddreg [dreg:$0x1e];
	v14 =	vld [tilespmem:s2+$0x0]  }
0x1bb: {  	v24 =	vmax.f32 v44, v47;
	v17 =	vmax.f32 v5, v6;
	vm4 =	vgt.f32 v6, v5;
	s10 =	sor.u32 s23, s1;
	s23 =	rddreg [dreg:$0x1a];
	v21 =	vld [tilespmem:s6+$0x0]  }
0x1bc: {  	vm3 =	vgt.f32 v47, v44;
	v47 =	vmax.f32 v45, v46;
	v31 =	vmax.f32 v55, v17;
	s2 =	rddreg [dreg:$0x15];
	v13 =	vld [tilespmem:s23+$0x0]  }
0x1bd: {  	v3 =	vsel vm4, $0x7, v10;
	v48 =	vmax.f32 v22, v28;
	vm6 =	vgt.f32 v28, v22;
	v19 =	vld [tilespmem:s2+$0x0]  }
0x1be: {  	s3 =	sor.u32 s14, s3;
	[tilespmem:s10+$0x0] =	vst v20;
	s10 =	rddreg [dreg:$0x16];
	v28 =	vld [tilespmem:s0+$0x0];
	v50 =	vmax.f32 v60, v61;
	vm0 =	vgt.f32 v61, v60;
	v60 =	vsel vm1, $0xB, v11  }
0x1bf: {  	s28 =	sor.u32 s14, s28;
	s6 =	sor.u32 s14, s1;
	s14 =	rddreg [dreg:$0x14];
	v15 =	vld [tilespmem:s10+$0x0];
	v61 =	vsel vm6, $0xD, v9;
	vm1 =	vgt.f32 v43, v39;
	v25 =	vmax.f32 v48, v50  }
0x1c0: {  	s23 =	rddreg [dreg:$0x17];
	v18 =	vld [tilespmem:s14+$0x0];
	vm6 =	vgt.f32 v50, v48;
	v48 =	vimm.s32 $0x0;
	v52 =	vsel vm1, v57, v56  }
0x1c1: {  	v20 =	vld [tilespmem:s23+$0x0];
	v30 =	vmax.f32 v7, v21;
	vm5 =	vgt.f32 v21, v7;
	vm7 =	vgt.f32 v14, v13  }
0x1c2: {  	v51 =	vld [tilespmem:s26+$0x0];
	s10 =	rddreg [dreg:$0x13];
	v32 =	vmax.f32 v13, v14;
	v14 =	vmax.f32 v24, v25;
	v13 =	vmax.f32 v27, v31  }
0x1c3: {  	s23 =	rddreg [dreg:$0xb];
	v22 =	vld [tilespmem:s10+$0x0];
	v7 =	vimm.s32 $0xE;
	vm13 =	vgt.f32 v40, v28;
	v33 =	vmax.f32 v28, v40  }
0x1c4: {  	s19 =	rddreg [dreg:$0xc];
	v49 =	vld [tilespmem:s23+$0x0];
	v63 =	vsel vm9, $0x1, v48;
	vm9 =	vgt.f32 v46, v45;
	v48 =	vimm.s32 $0x8  }
0x1c5: {  	v39 =	vld [tilespmem:s19+$0x0];
	vm1 =	vgt.f32 v25, v24;
	v16 =	vmax.f32 v30, v32;
	vm10 =	vgt.f32 v18, v15  }
0x1c6: {  	v21 =	vld [tilespmem:s3+$0x0];
	v18 =	vmax.f32 v15, v18;
	vm11 =	vgt.f32 v19, v20;
	v20 =	vmax.f32 v20, v19  }
0x1c7: {  	v45 =	vld [tilespmem:s31+$0x0];
	v62 =	vsel vm0, $0xF, v7;
	vm0 =	vgt.f32 v37, v29;
	v4 =	vsel vm5, $0x9, v42  }
0x1c8: {  	s14 =	rddreg [dreg:$0xd];
	v29 =	vld [tilespmem:s13+$0x0];
	v5 =	vsel vm7, $0xB, v11;
	vm7 =	vgt.f32 v32, v30;
	v44 =	vsel vm13, $0x3, v58  }
0x1c9: {  	v37 =	vld [tilespmem:s14+$0x0];
	v46 =	vsel vm9, $0x5, v8;
	v24 =	vsel vm8, v1, v63;
	v19 =	vmax.f32 v18, v20  }
0x1ca: {  	v42 =	vld [tilespmem:s18+$0x0];
	v6 =	vsel vm10, $0xD, v9;
	v7 =	vsel vm11, $0xF, v7;
	vm10 =	vgt.f32 v17, v55  }
0x1cb: {  	vm11 =	vgt.f32 v20, v18;
	vm12 =	vgt.f32 v22, v21;
	v38 =	vmax.f32 v21, v22;
	v22 =	vld [tilespmem:s28+$0x0];
	s28 =	rddreg [dreg:$0xa]  }
0x1cc: {  	v20 =	vimm.s32 $0x0;
	v55 =	vsel vm6, v62, v61;
	v57 =	vsel vm7, v5, v4;
	v50 =	vld [tilespmem:s28+$0x0]  }
0x1cd: {  	v17 =	vld [tilespmem:s25+$0x0];
	v15 =	vmax.f32 v16, v19;
	vm5 =	vgt.f32 v49, v39;
	v18 =	vmax.f32 v39, v49  }
0x1ce: {  	s31 =	rddreg [dreg:$0x5];
	v39 =	vld [tilespmem:s21+$0x0];
	v56 =	vsel vm10, v3, v2;
	v21 =	vmax.f32 v38, v33;
	vm4 =	vgt.f32 v37, v29  }
0x1cf: {  	v37 =	vmax.f32 v29, v37;
	v29 =	vld [tilespmem:s31+$0x0];
	v43 =	vsel vm12, $0x1, v20;
	v20 =	vmax.f32 v12, v14  }
0x1d0: {  	v35 =	vmax.f32 v37, v18;
	vm2 =	vgt.f32 v22, v36;
	v36 =	vmax.f32 v36, v22  }
0x1d1: {  	v48 =	vsel vm4, $0x9, v48;
	v28 =	vmax.f32 v47, v36;
	vm9 =	vgt.f32 v51, v50  }
0x1d2: {  	s7 =	rddreg [dreg:$0x3];
	v8 =	vmax.f32 v50, v51;
	v49 =	vsel vm2, $0x7, v10;
	v50 =	vsel vm5, $0xB, v11  }
0x1d3: {  	s7 =	sadd.s32 $0x4, s7;
	v40 =	vld [tilespmem:s17+$0x0];
	vm2 =	vgt.f32 v17, v45;
	v17 =	vmax.f32 v45, v17;
	vm4 =	vgt.f32 v36, v47  }
0x1d4: {  	p0 =	slt.u32 s7, $0x7C;
	v45 =	vld [tilespmem:s15+$0x0];
	vm5 =	vgt.f32 v18, v37;
	v32 =	vmax.f32 v29, v34;
	v36 =	vmax.f32 v39, v42  }
.Ltmp1:
0x1d5: {  	v18 =	vmax.f32 v13, v15;
	v47 =	vsel vm0, v53, v41;
	v53 =	vsel vm3, v60, v59;
	(pc) =	sbr.rel @p0 .LBB2_5-.Ltmp1, $4  }
0x1d6: {  	vm0 =	vgt.f32 v26, v23;
	v59 =	vsel vm11, v7, v6;
	vm3 =	vgt.f32 v31, v27  }
0x1d7: {  	v37 =	vld [tilespmem:s20+$0x0];
	v22 =	vmax.f32 v21, v28;
	v51 =	vsel vm9, $0xD, v9;
	v54 =	vmax.f32 v8, v17  }
0x1d8: {  	v58 =	vsel vm2, $0xF, v0;
	vm2 =	vgt.f32 v33, v38;
	v33 =	vld [tilespmem:s16+$0x0];
	v30 =	vmax.f32 v35, v54  }
0x1d9: {  	s29 =	sadd.s32 $0x200, s29;
	s30 =	sadd.s32 $0x20, s30;
	s8 =	sor.u32 s8, s1;
	v38 =	vld [tilespmem:s12+$0x0];
	vm9 =	vgt.f32 v17, v8;
	v17 =	vmax.f32 v22, v30;
	v41 =	vmax.f32 v40, v45  }
0x1da: {  	vm6 =	vgt.f32 v19, v16  }
0x1db: {  	v1 =	vsel vm2, v44, v43;
	v2 =	vsel vm4, v49, v46;
	v3 =	vsel vm5, v50, v48  }
0x1dc: {  	v4 =	vsel vm9, v58, v51;
	vm2 =	vgt.f32 v28, v21;
	vm4 =	vgt.f32 v54, v35  }
0x1dd: {  	vm5 =	vgt.f32 v34, v29;
	vm7 =	vgt.f32 v42, v39;
	vm10 =	vgt.f32 v45, v40  }
0x1de: {  	v49 =	vsel vm0, v52, v47;
	v50 =	vsel vm1, v55, v53;
	vm12 =	vgt.f32 v14, v12  }
0x1df: {  	v51 =	vsel vm3, v56, v24;
	vm15 =	vgt.f32 v15, v13;
	v0 =	vimm.s32 $0x0  }
0x1e0: {  	v52 =	vsel vm6, v59, v57;
	v1 =	vsel vm2, v2, v1;
	v2 =	vsel vm4, v4, v3  }
0x1e1: {  	v3 =	vsel vm5, $0x1, v0;
	vm5 =	vgt.f32 v30, v22;
	v4 =	vsel vm7, $0x1, v0  }
0x1e2: {  	v53 =	vsel vm10, $0x1, v0;
	v54 =	vsel vm12, v50, v49;
	v7 =	vmax.f32 v41, v37  }
0x1e3: {  	vm14 =	vgt.f32 v37, v41;
	v12 =	vsel vm15, v52, v51;
	v1 =	vsel vm5, v2, v1  }
0x1e4: {  	v8 =	vld [tilespmem:$0x1FFC0];
	v5 =	vmax.f32 v32, v33;
	vm11 =	vgt.f32 v7, v17;
	vm4 =	vgt.f32 v33, v32  }
0x1e5: {  	v6 =	vmax.f32 v36, v38;
	vm8 =	vgt.f32 v5, v20;
	vm6 =	vgt.f32 v38, v36  }
0x1e6: {  	v9 =	vld [tilespmem:$0x1FFD0];
	vm15 =	vmneg vm11;
	v3 =	vsel vm4, $0x2, v3;
	vm9 =	vgt.f32 v6, v18  }
0x1e7: {  	vm10 =	vmneg vm8;
	v4 =	vsel vm6, $0x2, v4;
	vm13 =	vmneg vm9  }
0x1e8: {  	v2 =	vsel vm10, v54, v3;
	v3 =	vsel vm13, v12, v4;
	v4 =	vsel vm14, $0x2, v53  }
0x1e9: {  	v61 =	vld [tilespmem:$0x1FFF0];
	v55 =	vperm.xlane v8, v2;
	v1 =	vsel vm15, v1, v4  }
0x1ea: {  	v4 =	vperm.xlane v8, v3;
	v58 =	vperm.xlane v8, v1;
	v8 =	vld [tilespmem:$0x1FFE0]  }
0x1eb: {  	v56 =	vperm.xlane v9, v2  }
0x1ec: {  	v57 =	vperm.xlane v9, v3;
	v59 =	vperm.xlane v9, v1  }
0x1ed: {  	v5 =	vmax.f32 v20, v5;
	v6 =	vmax.f32 v18, v6;
	v12 =	vsel vm10, v55, v56  }
0x1ee: {  	v4 =	vsel vm13, v4, v57;
	v5 =	vsub.f32 v5, v12;
	v13 =	vsel vm15, v58, v59  }
0x1ef: {  	v4 =	vsub.f32 v6, v4;
	v60 =	vperm.xlane v8, v2;
	v2 =	vperm.xlane v61, v2  }
0x1f0: {  	v6 =	vmax.f32 v17, v7;
	v62 =	vperm.xlane v8, v3;
	v3 =	vperm.xlane v61, v3  }
0x1f1: {  	v63 =	vperm.xlane v8, v1;
	v1 =	vperm.xlane v61, v1;
	v2 =	vsel vm10, v60, v2  }
0x1f2: {  	v6 =	vsub.f32 v6, v13;
	v3 =	vsel vm13, v62, v3;
	v2 =	vmul.f32 v2, v5  }
0x1f3: {  	v1 =	vsel vm15, v63, v1;
	v3 =	vmul.f32 v3, v4  }
0x1f4: {  	s0 =	sld [smem:$0x7F1];
	v1 =	vmul.f32 v1, v6;
	[tilespmem:s9+$0x0] =	vst v2  }
0x1f5: {  	[tilespmem:s8+$0x0] =	vst v3  }
0x1f6: {  	s1 =	sld [smem:$0x7F5];
	[tilespmem:s6+$0x0] =	vst v1  }
0x1f7: {  	s0 =	sshll.u32 s0, $0x8;
	s28 =	sld [smem:$0x7FC]  }
0x1f8: {  	s0 =	sand.u32 $0x7E00, s0  }
0x1f9: {  	s29 =	simm.s32 $0x0;
	s0 =	sor.u32 s0, s1  }
0x1fa: {  	s2 =	simm.s32 $0x13000;
	s30 =	simm.s32 $0x3;
	s0 =	sadd.s32 s0, s28  }
0x1fb: {  	[hbm4b:s0+s29] =	stream.linear.scatter [tilespmem:s2], [sflag:$0x3], $0x800, $0x38;
	[tilespmem:$0x13C00] =	vst v63  }
0x1fc: {  	_ =	swait.ge [sflag:s30], $0x800  }
0x1fd: {  	s31 =	sld [smem:$0x7EF];
	_ =	sdelay $0x2  }
0x1fe: {  	s1 =	sadd.s32 $0x1, s31  }
0x1ff: {  	p0 =	sne.s32 s1, $0x8  }
.Ltmp2:
0x200: {  	_ = 	snop;
	(pc) =	sbr.rel @p0 .LBB2_2-.Ltmp2, $4  }
0x201: {  	_ = 	snop  }
0x202: {  	v7 =	vimm.s32 $0xE  }
0x203: {  	v4 =	vimm.s32 $0x8;
	v5 =	vimm.s32 $0xA;
	v6 =	vimm.s32 $0xC;
	[sflag:s30] =	ssyncset.done $0x0  }
0x204: {  	v2 =	vimm.s32 $0x4;
	v3 =	vimm.s32 $0x6;
	v1 =	vimm.s32 $0x2;
	[sflag:s30] =	ssyncadd.s32 $0xFFFFF800  }
0x205: {  	s1 =	sld [smem:$0x7F2]  }
0x206: {  	s0 =	sld [smem:$0x7FD];
	_ =	sdelay $0x1  }
0x207: {  	s1 =	sadd.s32 $0x1, s1  }
0x208: {  	p0 =	sne.s32 s1, s0  }
.Ltmp3:
0x209: {  	_ = 	snop;
	(pc) =	sbr.rel @p0 .LBB2_1-.Ltmp3, $1  }
0x20a: {  	_ =	sdelay $0x3  }
0x20b: {  	_ =	sfence.sel $0x180000  }
0x20c: {  	[bflag:$0x0] =	sbarrier.arrive $0xFFFF  }
0x20d: {  	_ =	strace $0x90000047  }
0x20e: {  	s0 =	stileid.u32;
	[bflag:$0x2] =	sbarrier.arrive $0xFFFF  }
0x20f: {  	p0 =	sne.s32 s0, $0x0;
	s0 =	rddreg [dreg:$0x2]  }
0x210: {  	s0 =	sadd.s32 @!p0 $0x100000, s0  }
0x211: {  	[sflag:s0] =	ssyncadd.tile.s32 @!p0 $0x1;
	_ =	shalt  }
.Lfunc_end2:
_tile_overlayer_lowered:
.L_overlay_start_2:
0x212: {  	(tag) =	ssettag $0x2  }
0x213: {  	s0 =	rddreg [dreg:$0x0];
	s2 =	stileid.u32  }
0x214: {  	s1 =	rddreg [dreg:$0x1];
	p0 =	sne.s32 s2, $0x0  }
0x215: {  	s3 =	rddreg [dreg:$0x2];
	[bflag:$0x3] =	sbarrier.arrive $0xFFFF;
	s2 =	simm.s32 @!p0 $0x1C03  }
0x216: {  	[timem:s3], [sflag:s2] =	dma.local @!p0 [hbm:s0], s1  }
0x217: {  	s0 =	simm.s32 @!p0 $0x3  }
0x218: {  	_ =	swait.ge @!p0 [sflag:s0], s1  }
0x219: {  	s1 =	ssub.s32 @!p0 $0x0, s1;
	[sflag:s0] =	ssyncset.done @!p0 $0x0  }
0x21a: {  	[sflag:s0] =	ssyncadd.s32 @!p0 s1  }
0x21b: {  	[bflag:$0x3] =	sbarrier.arrive $0xFFFF  }
0x21c: {  	_ =	shalt  }

</sc_bundles>
